<compile_context>
chip_gen: v7x
topology: tpu7x:2x2x1
jax: 0.10.2.dev20260603
libtpu: 0.0.44.dev20260713+nightly
codegen_flags: <defaults>
</compile_context>

<pallas_src>
import functools

import jax
import jax.numpy as jnp
from jax import lax
from jax.experimental import pallas as pl
from jax.experimental.pallas import tpu as pltpu
from jax.experimental.pallas import tpu_sc as plsc

N = 100000
NSEG = 512
NW = 32
CH = 3200
NP = NW * CH
NIDX = CH // 128
CHA = 2 * CH
NIDXA = CHA // 128
AROWS = 520
NROWS = 33

PADN = 303104
PROWS = PADN // 128
BROWS = PROWS // 8

SCALE_POS = 2.0 * 3.141592653589793
TIME_T = 2.0
EPS = 1e-05

_MESH = dict(core_axis_name="c", subcore_axis_name="s")
_PARAMS = pltpu.CompilerParams(use_tc_tiling_on_sc=False)


def _wid():
    return lax.axis_index("c") * 16 + lax.axis_index("s")


def _seg_sums_body(rec_hbm, idx_hbm, zero_hbm, means_hbm, recs, ridx, nbuf,
                   shared):
    sid = lax.axis_index("s")
    base = sid * CHA

    @pl.when(sid == 0)
    def _():
        pltpu.sync_copy(zero_hbm, shared)

    plsc.subcore_barrier()
    pltpu.sync_copy(rec_hbm.at[pl.ds(base, CHA), :], recs)
    pltpu.sync_copy(idx_hbm.at[pl.ds(sid * NIDXA, NIDXA), :], ridx)
    for j in range(NIDXA):
        pltpu.sync_copy(recs.at[pl.ds(j * 128, 128), :],
                        shared.at[ridx.at[j]], add=True)
    plsc.subcore_barrier()

    nb = jnp.minimum(sid * NROWS, AROWS - NROWS)
    pltpu.sync_copy(shared.at[pl.ds(nb, NROWS)], nbuf)

    @functools.partial(lax.fori_loop, 0, NROWS, init_val=None)
    def _(i, _):
        m = nbuf[i]
        cv = jnp.full((16,), jnp.maximum(m[6], 1.0), jnp.float32)
        nbuf[i] = m / cv

    pltpu.sync_copy(nbuf, means_hbm.at[pl.ds(nb, NROWS), :])


def _center_body(rec_hbm, idx_hbm, means_hbm, out_hbm, recs, mrows, ridx,
                 sem):
    w = _wid()
    base = w * CH
    pltpu.sync_copy(rec_hbm.at[pl.ds(base, CH), :], recs)
    pltpu.sync_copy(idx_hbm.at[pl.ds(w * NIDX, NIDX), :], ridx)
    descs = [pltpu.async_copy(means_hbm.at[ridx.at[j]],
                              mrows.at[pl.ds(j * 128, 128), :], sem)
             for j in range(NIDX)]
    for d in descs:
        d.wait()

    @functools.partial(lax.fori_loop, 0, CH, init_val=None)
    def _(i, _):
        recs[i] = recs[i] - mrows[i]

    pltpu.sync_copy(recs, out_hbm.at[pl.ds(base, CH), :])


def _dense_body(t_ref, f0_ref, v0_ref, evc_ref, erc_ref,
                ft_ref, vt_ref, rt_ref):
    inv = jnp.float32(1.0 / SCALE_POS)
    tt = TIME_T * jnp.broadcast_to(t_ref[...], (t_ref.shape[0], 3))
    ev_s = evc_ref[...] * inv
    er_s = erc_ref[...] * inv
    f0 = f0_ref[...]
    v0 = v0_ref[...]
    en = jnp.exp(-tt)
    d = 1.0 / (1.0 + en)
    sv = jnp.sqrt(jnp.clip(1.0 - en * en, EPS, None))
    vt = en * v0 + sv * ev_s
    pref = (1.0 - en) * d
    sr = jnp.sqrt(jnp.clip(2.0 * tt + 8.0 * en * d - 4.0, EPS, None))
    rt = jnp.remainder(pref * (vt + v0) + sr * er_s + 0.5,
                       jnp.float32(1.0)) - 0.5
    ft = jnp.remainder(f0 + rt + 0.5, jnp.float32(1.0)) - 0.5
    ft_ref[...] = ft
    vt_ref[...] = vt
    rt_ref[...] = rt


def _f32(shape):
    return jax.ShapeDtypeStruct(shape, jnp.float32)


_seg_sums = functools.partial(
    pl.kernel,
    out_type=_f32((AROWS, 16)),
    mesh=plsc.VectorSubcoreMesh(num_cores=1, **_MESH),
    compiler_params=_PARAMS,
    scratch_types=[
        pltpu.VMEM((CHA, 16), jnp.float32),
        pltpu.VMEM((NIDXA, 128), jnp.int32),
        pltpu.VMEM((NROWS, 16), jnp.float32),
        pltpu.VMEM_SHARED((AROWS, 16), jnp.float32),
    ],
)(_seg_sums_body)

_center = functools.partial(
    pl.kernel,
    out_type=_f32((NP, 16)),
    mesh=plsc.VectorSubcoreMesh(**_MESH),
    compiler_params=_PARAMS,
    scratch_types=[
        pltpu.VMEM((CH, 16), jnp.float32),
        pltpu.VMEM((CH, 16), jnp.float32),
        pltpu.VMEM((NIDX, 128), jnp.int32),
        pltpu.SemaphoreType.DMA,
    ],
)(_center_body)

DBR = N // 25

_dense = pl.pallas_call(
    _dense_body,
    grid=(25,),
    in_specs=[pl.BlockSpec((DBR, 1), lambda i: (i, 0))]
    + [pl.BlockSpec((DBR, 3), lambda i: (i, 0))] * 4,
    out_specs=[pl.BlockSpec((DBR, 3), lambda i: (i, 0))] * 3,
    out_shape=(_f32((N, 3)),) * 3,
)


def _pad2d(x):
    return jnp.pad(x, (0, PADN - 3 * N)).reshape(PROWS, 128)


def kernel(t, f0, index, v0, epsilon_v, epsilon_r):
    idx = index.astype(jnp.int32)

    records = jnp.concatenate(
        [epsilon_v, epsilon_r, jnp.ones((N, 1), jnp.float32),
         jnp.zeros((N, 9), jnp.float32)], axis=1)
    records = jnp.pad(records, ((0, NP - N), (0, 0)))
    idx_pad = jnp.pad(idx, (0, NP - N), constant_values=NSEG)
    idx2d = idx_pad.reshape(NP // 128, 128)
    zeros = jnp.zeros((AROWS, 16), jnp.float32)

    means = _seg_sums(records, idx2d, zeros)
    centered = _center(records, idx2d, means)

    evc = centered[:N, 0:3]
    erc = centered[:N, 3:6]

    ft, vt, rt = _dense(t.reshape(N, 1), f0, v0, evc, erc)
    return (ft, vt, evc, erc, rt)

# --- scband reference (transcript-rebuilt; emitter-appended) ---
"""Pipeline reference for scband-trivialised-diffusion-dev-33492154974268 (READ-ONLY COPY).

The authoritative reference and input builder live on the scoring server;
editing this copy changes nothing except your own understanding.
"""

import jax, jax.numpy as jnp
import numpy as np

SCALE_POS = 2.0 * np.pi
TIME_T = 2.0
EPS = 1e-05
NUM_SEGMENTS = 512
N = 100000


def wrap_displacements(x):
    return jnp.remainder(x + 0.5, 1.0) - 0.5


def wrap_internal(x):
    half = 0.5 * SCALE_POS
    return jnp.remainder(x + half, SCALE_POS) - half


def scatter_center(x, index):
    # subtract per-segment mean (removes center-of-mass drift per segment)
    seg_sum = jax.ops.segment_sum(x, index, num_segments=NUM_SEGMENTS)
    counts = jax.ops.segment_sum(jnp.ones((x.shape[0],), x.dtype), index, num_segments=NUM_SEGMENTS)
    mean = seg_sum / jnp.maximum(counts, 1.0)[:, None]
    return x - mean[index]


def setup_inputs(seed: int = 0) -> dict:
    key = jax.random.key(seed)
    k1, k2, k3, k4, k5, k6 = jax.random.split(key, 6)
    t = jax.random.uniform(k1, (N,), dtype=jnp.float32)
    f0 = jax.random.normal(k2, (N, 3), dtype=jnp.float32)
    index = jnp.sort(jax.random.randint(k3, (N,), 0, NUM_SEGMENTS)).astype(jnp.int64)
    v0 = jax.random.normal(k4, (N, 3), dtype=jnp.float32)
    epsilon_v = jax.random.normal(k5, (N, 3), dtype=jnp.float32)
    epsilon_r = jax.random.normal(k6, (N, 3), dtype=jnp.float32)
    return {"t": t, "f0": f0, "index": index, "v0": v0, "epsilon_v": epsilon_v, "epsilon_r": epsilon_r}


def reference(t, f0, index, v0, epsilon_v, epsilon_r):
    # TrivialisedDiffusionDev.forward_sample
    t = TIME_T * t  # [N]
    tc = t[:, None]  # match dims to [N, 3]
    f0 = wrap_displacements(f0)
    f0_internal = SCALE_POS * f0
    v0_internal = SCALE_POS * v0
    epsilon_v_c = scatter_center(epsilon_v, index)
    mean_coeff_t = jnp.exp(-tc)
    sigma_v_t = jnp.sqrt(jnp.clip(1.0 - jnp.exp(-2.0 * tc), EPS, None))
    v_t_internal = mean_coeff_t * v0_internal + sigma_v_t * epsilon_v_c
    prefactor = (1.0 - jnp.exp(-tc)) / (1.0 + jnp.exp(-tc))
    mu_r_t_pre_wrap = prefactor * (v_t_internal + v0_internal)
    sigma_r_t = jnp.sqrt(jnp.clip(2.0 * tc + 8.0 / (1.0 + jnp.exp(tc)) - 4.0, EPS, None))
    epsilon_r_c = scatter_center(epsilon_r, index)
    r_t_internal = wrap_internal(mu_r_t_pre_wrap + sigma_r_t * epsilon_r_c)
    f_t_internal = wrap_internal(f0_internal + r_t_internal)
    r_t = r_t_internal / SCALE_POS
    f_t = f_t_internal / SCALE_POS
    v_t = v_t_internal / SCALE_POS
    return (f_t, v_t, epsilon_v_c, epsilon_r_c, r_t)

if __name__ == "__main__":
    import jax
    _d = setup_inputs()
    print(jax.jit(kernel)(*tuple(_d.values())))

</pallas_src>

<mosaic_0001>
#map = affine_map<(d0, d1) -> (0, 0)>
module attributes {stable_mosaic.version = 14 : i64} {
  func.func @_seg_sums_body(%arg0: i32, %arg1: i32, %arg2: memref<102400x16xf32, #tpu.memory_space<hbm>>, %arg3: memref<800x128xi32, #tpu.memory_space<hbm>>, %arg4: memref<520x16xf32, #tpu.memory_space<hbm>>, %arg5: memref<520x16xf32, #tpu.memory_space<hbm>>, %arg6: memref<6400x16xf32, #tpu.memory_space<vmem>>, %arg7: memref<50x128xi32, #tpu.memory_space<vmem>>, %arg8: memref<33x16xf32, #tpu.memory_space<vmem>>, %arg9: memref<520x16xf32, #tpu.memory_space<vmem_shared>>) attributes {dimension_semantics = [#tpu.dimension_semantics<core_parallel>, #tpu.dimension_semantics<subcore_parallel>], iteration_bounds = array<i64: 1, 16>, scalar_prefetch = 0 : i64, scratch_operands = 4 : i64, tpu.core_type = #tpu.core_type<sc_vector_subcore>, window_params = [{transform_indices = #map}, {transform_indices = #map}, {transform_indices = #map}, {transform_indices = #map}]} {
    %mul3A = arith.constant 6400 : i32
    %mul3A_0 = arith.muli %arg1, %mul3A : i32
    %eq3A = arith.constant 0 : i32
    %eq3A_1 = arith.cmpi eq, %arg1, %eq3A : i32
    %convert_element_type3A = arith.extui %eq3A_1 : i1 to i32
    %cond3A = arith.constant 0 : i32
    %cond3A_2 = arith.cmpi ne, %convert_element_type3A, %cond3A : i32
    scf.if %cond3A_2 {
      "tpu.region"() ({
        %run_scoped3A_62 = tpu.sem_alloc : memref<!tpu.dma_semaphore, #tpu.memory_space<semaphore_mem>>
        tpu.enqueue_dma source(%arg4 : memref<520x16xf32, #tpu.memory_space<hbm>>) target(%arg9 : memref<520x16xf32, #tpu.memory_space<vmem_shared>>) target_semaphore(%run_scoped3A_62 : memref<!tpu.dma_semaphore, #tpu.memory_space<semaphore_mem>>)
        tpu.wait_dma2 semaphore(%run_scoped3A_62 : memref<!tpu.dma_semaphore, #tpu.memory_space<semaphore_mem>>) src(%arg4 : memref<520x16xf32, #tpu.memory_space<hbm>>) dst(%arg9 : memref<520x16xf32, #tpu.memory_space<vmem_shared>>)
        tpu.yield
      }) : () -> ()
    } else {
    }
    %barrier3A = arith.constant 0 : index
    tpu.barrier barrier_id(%barrier3A)
    "tpu.region"() ({
      %run_scoped3A_62 = tpu.sem_alloc : memref<!tpu.dma_semaphore, #tpu.memory_space<semaphore_mem>>
      %dma_start3A = arith.constant 0 : i32
      %dma_start3A_63 = tpu.memref_slice %arg2[%mul3A_0, %dma_start3A] : memref<102400x16xf32, #tpu.memory_space<hbm>> -> memref<6400x16xf32, #tpu.memory_space<hbm>>
      %dma_start3A_64 = arith.constant 0 : i32
      %dma_start3A_65 = tpu.memref_slice %arg2[%mul3A_0, %dma_start3A_64] : memref<102400x16xf32, #tpu.memory_space<hbm>> -> memref<6400x16xf32, #tpu.memory_space<hbm>>
      tpu.enqueue_dma source(%dma_start3A_65 : memref<6400x16xf32, #tpu.memory_space<hbm>>) target(%arg6 : memref<6400x16xf32, #tpu.memory_space<vmem>>) target_semaphore(%run_scoped3A_62 : memref<!tpu.dma_semaphore, #tpu.memory_space<semaphore_mem>>)
      %dma_wait3A = arith.constant 0 : i32
      %dma_wait3A_66 = tpu.memref_slice %arg2[%mul3A_0, %dma_wait3A] : memref<102400x16xf32, #tpu.memory_space<hbm>> -> memref<6400x16xf32, #tpu.memory_space<hbm>>
      %dma_wait3A_67 = arith.constant 0 : i32
      %dma_wait3A_68 = tpu.memref_slice %arg2[%mul3A_0, %dma_wait3A_67] : memref<102400x16xf32, #tpu.memory_space<hbm>> -> memref<6400x16xf32, #tpu.memory_space<hbm>>
      tpu.wait_dma2 semaphore(%run_scoped3A_62 : memref<!tpu.dma_semaphore, #tpu.memory_space<semaphore_mem>>) src(%dma_wait3A_68 : memref<6400x16xf32, #tpu.memory_space<hbm>>) dst(%arg6 : memref<6400x16xf32, #tpu.memory_space<vmem>>)
      tpu.yield
    }) : () -> ()
    %mul3A_3 = arith.constant 50 : i32
    %mul3A_4 = arith.muli %arg1, %mul3A_3 : i32
    "tpu.region"() ({
      %run_scoped3A_62 = tpu.sem_alloc : memref<!tpu.dma_semaphore, #tpu.memory_space<semaphore_mem>>
      %dma_start3A = arith.constant 0 : i32
      %dma_start3A_63 = tpu.memref_slice %arg3[%mul3A_4, %dma_start3A] : memref<800x128xi32, #tpu.memory_space<hbm>> -> memref<50x128xi32, #tpu.memory_space<hbm>>
      %dma_start3A_64 = arith.constant 0 : i32
      %dma_start3A_65 = tpu.memref_slice %arg3[%mul3A_4, %dma_start3A_64] : memref<800x128xi32, #tpu.memory_space<hbm>> -> memref<50x128xi32, #tpu.memory_space<hbm>>
      tpu.enqueue_dma source(%dma_start3A_65 : memref<50x128xi32, #tpu.memory_space<hbm>>) target(%arg7 : memref<50x128xi32, #tpu.memory_space<vmem>>) target_semaphore(%run_scoped3A_62 : memref<!tpu.dma_semaphore, #tpu.memory_space<semaphore_mem>>)
      %dma_wait3A = arith.constant 0 : i32
      %dma_wait3A_66 = tpu.memref_slice %arg3[%mul3A_4, %dma_wait3A] : memref<800x128xi32, #tpu.memory_space<hbm>> -> memref<50x128xi32, #tpu.memory_space<hbm>>
      %dma_wait3A_67 = arith.constant 0 : i32
      %dma_wait3A_68 = tpu.memref_slice %arg3[%mul3A_4, %dma_wait3A_67] : memref<800x128xi32, #tpu.memory_space<hbm>> -> memref<50x128xi32, #tpu.memory_space<hbm>>
      tpu.wait_dma2 semaphore(%run_scoped3A_62 : memref<!tpu.dma_semaphore, #tpu.memory_space<semaphore_mem>>) src(%dma_wait3A_68 : memref<50x128xi32, #tpu.memory_space<hbm>>) dst(%arg7 : memref<50x128xi32, #tpu.memory_space<vmem>>)
      tpu.yield
    }) : () -> ()
    %run_scoped3A = arith.constant 0 : i32
    "tpu.region"() ({
      %run_scoped3A_62 = tpu.sem_alloc : memref<!tpu.dma_semaphore, #tpu.memory_space<semaphore_mem>>
      %dma_start3A = arith.constant 0 : i32
      %dma_start3A_63 = arith.constant 0 : i32
      %dma_start3A_64 = tpu.memref_slice %arg6[%dma_start3A, %dma_start3A_63] : memref<6400x16xf32, #tpu.memory_space<vmem>> -> memref<128x16xf32, #tpu.memory_space<vmem>>
      %dma_start3A_65 = arith.constant 0 : i32
      %dma_start3A_66 = tpu.memref_slice %arg7[%run_scoped3A, %dma_start3A_65] : memref<50x128xi32, #tpu.memory_space<vmem>> -> memref<1x128xi32, #tpu.memory_space<vmem>>
      %dma_start3A_67 = tpu.memref_squeeze %dma_start3A_66 : memref<1x128xi32, #tpu.memory_space<vmem>> -> memref<128xi32, #tpu.memory_space<vmem>>
      %dma_start3A_68 = arith.constant 0 : i32
      %dma_start3A_69 = arith.constant 0 : i32
      %dma_start3A_70 = tpu.memref_slice %arg9[%dma_start3A_68, %dma_start3A_69] : memref<520x16xf32, #tpu.memory_space<vmem_shared>> -> memref<520x16xf32, #tpu.memory_space<vmem_shared>>
      tpu.enqueue_indirect_dma source(%dma_start3A_64 : memref<128x16xf32, #tpu.memory_space<vmem>>) target(%dma_start3A_70 : memref<520x16xf32, #tpu.memory_space<vmem_shared>>) offsets(%dma_start3A_67 : memref<128xi32, #tpu.memory_space<vmem>>) semaphore(%run_scoped3A_62 : memref<!tpu.dma_semaphore, #tpu.memory_space<semaphore_mem>>) {add = true}
      %dma_wait3A = arith.constant 0 : i32
      %dma_wait3A_71 = arith.constant 0 : i32
      %dma_wait3A_72 = tpu.memref_slice %arg6[%dma_wait3A, %dma_wait3A_71] : memref<6400x16xf32, #tpu.memory_space<vmem>> -> memref<128x16xf32, #tpu.memory_space<vmem>>
      %dma_wait3A_73 = arith.constant 0 : i32
      %dma_wait3A_74 = tpu.memref_slice %arg7[%run_scoped3A, %dma_wait3A_73] : memref<50x128xi32, #tpu.memory_space<vmem>> -> memref<1x128xi32, #tpu.memory_space<vmem>>
      %dma_wait3A_75 = tpu.memref_squeeze %dma_wait3A_74 : memref<1x128xi32, #tpu.memory_space<vmem>> -> memref<128xi32, #tpu.memory_space<vmem>>
      %dma_wait3A_76 = arith.constant 0 : i32
      %dma_wait3A_77 = arith.constant 0 : i32
      %dma_wait3A_78 = tpu.memref_slice %arg9[%dma_wait3A_76, %dma_wait3A_77] : memref<520x16xf32, #tpu.memory_space<vmem_shared>> -> memref<520x16xf32, #tpu.memory_space<vmem_shared>>
      tpu.wait_indirect_dma semaphore(%run_scoped3A_62 : memref<!tpu.dma_semaphore, #tpu.memory_space<semaphore_mem>>) src(%dma_wait3A_72 : memref<128x16xf32, #tpu.memory_space<vmem>>) dst(%dma_wait3A_78 : memref<520x16xf32, #tpu.memory_space<vmem_shared>>)
      tpu.yield
    }) : () -> ()
    %run_scoped3A_5 = arith.constant 1 : i32
    "tpu.region"() ({
      %run_scoped3A_62 = tpu.sem_alloc : memref<!tpu.dma_semaphore, #tpu.memory_space<semaphore_mem>>
      %dma_start3A = arith.constant 128 : i32
      %dma_start3A_63 = arith.constant 0 : i32
      %dma_start3A_64 = tpu.memref_slice %arg6[%dma_start3A, %dma_start3A_63] : memref<6400x16xf32, #tpu.memory_space<vmem>> -> memref<128x16xf32, #tpu.memory_space<vmem>>
      %dma_start3A_65 = arith.constant 0 : i32
      %dma_start3A_66 = tpu.memref_slice %arg7[%run_scoped3A_5, %dma_start3A_65] : memref<50x128xi32, #tpu.memory_space<vmem>> -> memref<1x128xi32, #tpu.memory_space<vmem>>
      %dma_start3A_67 = tpu.memref_squeeze %dma_start3A_66 : memref<1x128xi32, #tpu.memory_space<vmem>> -> memref<128xi32, #tpu.memory_space<vmem>>
      %dma_start3A_68 = arith.constant 0 : i32
      %dma_start3A_69 = arith.constant 0 : i32
      %dma_start3A_70 = tpu.memref_slice %arg9[%dma_start3A_68, %dma_start3A_69] : memref<520x16xf32, #tpu.memory_space<vmem_shared>> -> memref<520x16xf32, #tpu.memory_space<vmem_shared>>
      tpu.enqueue_indirect_dma source(%dma_start3A_64 : memref<128x16xf32, #tpu.memory_space<vmem>>) target(%dma_start3A_70 : memref<520x16xf32, #tpu.memory_space<vmem_shared>>) offsets(%dma_start3A_67 : memref<128xi32, #tpu.memory_space<vmem>>) semaphore(%run_scoped3A_62 : memref<!tpu.dma_semaphore, #tpu.memory_space<semaphore_mem>>) {add = true}
      %dma_wait3A = arith.constant 128 : i32
      %dma_wait3A_71 = arith.constant 0 : i32
      %dma_wait3A_72 = tpu.memref_slice %arg6[%dma_wait3A, %dma_wait3A_71] : memref<6400x16xf32, #tpu.memory_space<vmem>> -> memref<128x16xf32, #tpu.memory_space<vmem>>
      %dma_wait3A_73 = arith.constant 0 : i32
      %dma_wait3A_74 = tpu.memref_slice %arg7[%run_scoped3A_5, %dma_wait3A_73] : memref<50x128xi32, #tpu.memory_space<vmem>> -> memref<1x128xi32, #tpu.memory_space<vmem>>
      %dma_wait3A_75 = tpu.memref_squeeze %dma_wait3A_74 : memref<1x128xi32, #tpu.memory_space<vmem>> -> memref<128xi32, #tpu.memory_space<vmem>>
      %dma_wait3A_76 = arith.constant 0 : i32
      %dma_wait3A_77 = arith.constant 0 : i32
      %dma_wait3A_78 = tpu.memref_slice %arg9[%dma_wait3A_76, %dma_wait3A_77] : memref<520x16xf32, #tpu.memory_space<vmem_shared>> -> memref<520x16xf32, #tpu.memory_space<vmem_shared>>
      tpu.wait_indirect_dma semaphore(%run_scoped3A_62 : memref<!tpu.dma_semaphore, #tpu.memory_space<semaphore_mem>>) src(%dma_wait3A_72 : memref<128x16xf32, #tpu.memory_space<vmem>>) dst(%dma_wait3A_78 : memref<520x16xf32, #tpu.memory_space<vmem_shared>>)
      tpu.yield
    }) : () -> ()
    %run_scoped3A_6 = arith.constant 2 : i32
    "tpu.region"() ({
      %run_scoped3A_62 = tpu.sem_alloc : memref<!tpu.dma_semaphore, #tpu.memory_space<semaphore_mem>>
      %dma_start3A = arith.constant 256 : i32
      %dma_start3A_63 = arith.constant 0 : i32
      %dma_start3A_64 = tpu.memref_slice %arg6[%dma_start3A, %dma_start3A_63] : memref<6400x16xf32, #tpu.memory_space<vmem>> -> memref<128x16xf32, #tpu.memory_space<vmem>>
      %dma_start3A_65 = arith.constant 0 : i32
      %dma_start3A_66 = tpu.memref_slice %arg7[%run_scoped3A_6, %dma_start3A_65] : memref<50x128xi32, #tpu.memory_space<vmem>> -> memref<1x128xi32, #tpu.memory_space<vmem>>
      %dma_start3A_67 = tpu.memref_squeeze %dma_start3A_66 : memref<1x128xi32, #tpu.memory_space<vmem>> -> memref<128xi32, #tpu.memory_space<vmem>>
      %dma_start3A_68 = arith.constant 0 : i32
      %dma_start3A_69 = arith.constant 0 : i32
      %dma_start3A_70 = tpu.memref_slice %arg9[%dma_start3A_68, %dma_start3A_69] : memref<520x16xf32, #tpu.memory_space<vmem_shared>> -> memref<520x16xf32, #tpu.memory_space<vmem_shared>>
      tpu.enqueue_indirect_dma source(%dma_start3A_64 : memref<128x16xf32, #tpu.memory_space<vmem>>) target(%dma_start3A_70 : memref<520x16xf32, #tpu.memory_space<vmem_shared>>) offsets(%dma_start3A_67 : memref<128xi32, #tpu.memory_space<vmem>>) semaphore(%run_scoped3A_62 : memref<!tpu.dma_semaphore, #tpu.memory_space<semaphore_mem>>) {add = true}
      %dma_wait3A = arith.constant 256 : i32
      %dma_wait3A_71 = arith.constant 0 : i32
      %dma_wait3A_72 = tpu.memref_slice %arg6[%dma_wait3A, %dma_wait3A_71] : memref<6400x16xf32, #tpu.memory_space<vmem>> -> memref<128x16xf32, #tpu.memory_space<vmem>>
      %dma_wait3A_73 = arith.constant 0 : i32
      %dma_wait3A_74 = tpu.memref_slice %arg7[%run_scoped3A_6, %dma_wait3A_73] : memref<50x128xi32, #tpu.memory_space<vmem>> -> memref<1x128xi32, #tpu.memory_space<vmem>>
      %dma_wait3A_75 = tpu.memref_squeeze %dma_wait3A_74 : memref<1x128xi32, #tpu.memory_space<vmem>> -> memref<128xi32, #tpu.memory_space<vmem>>
      %dma_wait3A_76 = arith.constant 0 : i32
      %dma_wait3A_77 = arith.constant 0 : i32
      %dma_wait3A_78 = tpu.memref_slice %arg9[%dma_wait3A_76, %dma_wait3A_77] : memref<520x16xf32, #tpu.memory_space<vmem_shared>> -> memref<520x16xf32, #tpu.memory_space<vmem_shared>>
      tpu.wait_indirect_dma semaphore(%run_scoped3A_62 : memref<!tpu.dma_semaphore, #tpu.memory_space<semaphore_mem>>) src(%dma_wait3A_72 : memref<128x16xf32, #tpu.memory_space<vmem>>) dst(%dma_wait3A_78 : memref<520x16xf32, #tpu.memory_space<vmem_shared>>)
      tpu.yield
    }) : () -> ()
    %run_scoped3A_7 = arith.constant 3 : i32
    "tpu.region"() ({
      %run_scoped3A_62 = tpu.sem_alloc : memref<!tpu.dma_semaphore, #tpu.memory_space<semaphore_mem>>
      %dma_start3A = arith.constant 384 : i32
      %dma_start3A_63 = arith.constant 0 : i32
      %dma_start3A_64 = tpu.memref_slice %arg6[%dma_start3A, %dma_start3A_63] : memref<6400x16xf32, #tpu.memory_space<vmem>> -> memref<128x16xf32, #tpu.memory_space<vmem>>
      %dma_start3A_65 = arith.constant 0 : i32
      %dma_start3A_66 = tpu.memref_slice %arg7[%run_scoped3A_7, %dma_start3A_65] : memref<50x128xi32, #tpu.memory_space<vmem>> -> memref<1x128xi32, #tpu.memory_space<vmem>>
      %dma_start3A_67 = tpu.memref_squeeze %dma_start3A_66 : memref<1x128xi32, #tpu.memory_space<vmem>> -> memref<128xi32, #tpu.memory_space<vmem>>
      %dma_start3A_68 = arith.constant 0 : i32
      %dma_start3A_69 = arith.constant 0 : i32
      %dma_start3A_70 = tpu.memref_slice %arg9[%dma_start3A_68, %dma_start3A_69] : memref<520x16xf32, #tpu.memory_space<vmem_shared>> -> memref<520x16xf32, #tpu.memory_space<vmem_shared>>
      tpu.enqueue_indirect_dma source(%dma_start3A_64 : memref<128x16xf32, #tpu.memory_space<vmem>>) target(%dma_start3A_70 : memref<520x16xf32, #tpu.memory_space<vmem_shared>>) offsets(%dma_start3A_67 : memref<128xi32, #tpu.memory_space<vmem>>) semaphore(%run_scoped3A_62 : memref<!tpu.dma_semaphore, #tpu.memory_space<semaphore_mem>>) {add = true}
      %dma_wait3A = arith.constant 384 : i32
      %dma_wait3A_71 = arith.constant 0 : i32
      %dma_wait3A_72 = tpu.memref_slice %arg6[%dma_wait3A, %dma_wait3A_71] : memref<6400x16xf32, #tpu.memory_space<vmem>> -> memref<128x16xf32, #tpu.memory_space<vmem>>
      %dma_wait3A_73 = arith.constant 0 : i32
      %dma_wait3A_74 = tpu.memref_slice %arg7[%run_scoped3A_7, %dma_wait3A_73] : memref<50x128xi32, #tpu.memory_space<vmem>> -> memref<1x128xi32, #tpu.memory_space<vmem>>
      %dma_wait3A_75 = tpu.memref_squeeze %dma_wait3A_74 : memref<1x128xi32, #tpu.memory_space<vmem>> -> memref<128xi32, #tpu.memory_space<vmem>>
      %dma_wait3A_76 = arith.constant 0 : i32
      %dma_wait3A_77 = arith.constant 0 : i32
      %dma_wait3A_78 = tpu.memref_slice %arg9[%dma_wait3A_76, %dma_wait3A_77] : memref<520x16xf32, #tpu.memory_space<vmem_shared>> -> memref<520x16xf32, #tpu.memory_space<vmem_shared>>
      tpu.wait_indirect_dma semaphore(%run_scoped3A_62 : memref<!tpu.dma_semaphore, #tpu.memory_space<semaphore_mem>>) src(%dma_wait3A_72 : memref<128x16xf32, #tpu.memory_space<vmem>>) dst(%dma_wait3A_78 : memref<520x16xf32, #tpu.memory_space<vmem_shared>>)
      tpu.yield
    }) : () -> ()
    %run_scoped3A_8 = arith.constant 4 : i32
    "tpu.region"() ({
      %run_scoped3A_62 = tpu.sem_alloc : memref<!tpu.dma_semaphore, #tpu.memory_space<semaphore_mem>>
      %dma_start3A = arith.constant 512 : i32
      %dma_start3A_63 = arith.constant 0 : i32
      %dma_start3A_64 = tpu.memref_slice %arg6[%dma_start3A, %dma_start3A_63] : memref<6400x16xf32, #tpu.memory_space<vmem>> -> memref<128x16xf32, #tpu.memory_space<vmem>>
      %dma_start3A_65 = arith.constant 0 : i32
      %dma_start3A_66 = tpu.memref_slice %arg7[%run_scoped3A_8, %dma_start3A_65] : memref<50x128xi32, #tpu.memory_space<vmem>> -> memref<1x128xi32, #tpu.memory_space<vmem>>
      %dma_start3A_67 = tpu.memref_squeeze %dma_start3A_66 : memref<1x128xi32, #tpu.memory_space<vmem>> -> memref<128xi32, #tpu.memory_space<vmem>>
      %dma_start3A_68 = arith.constant 0 : i32
      %dma_start3A_69 = arith.constant 0 : i32
      %dma_start3A_70 = tpu.memref_slice %arg9[%dma_start3A_68, %dma_start3A_69] : memref<520x16xf32, #tpu.memory_space<vmem_shared>> -> memref<520x16xf32, #tpu.memory_space<vmem_shared>>
      tpu.enqueue_indirect_dma source(%dma_start3A_64 : memref<128x16xf32, #tpu.memory_space<vmem>>) target(%dma_start3A_70 : memref<520x16xf32, #tpu.memory_space<vmem_shared>>) offsets(%dma_start3A_67 : memref<128xi32, #tpu.memory_space<vmem>>) semaphore(%run_scoped3A_62 : memref<!tpu.dma_semaphore, #tpu.memory_space<semaphore_mem>>) {add = true}
      %dma_wait3A = arith.constant 512 : i32
      %dma_wait3A_71 = arith.constant 0 : i32
      %dma_wait3A_72 = tpu.memref_slice %arg6[%dma_wait3A, %dma_wait3A_71] : memref<6400x16xf32, #tpu.memory_space<vmem>> -> memref<128x16xf32, #tpu.memory_space<vmem>>
      %dma_wait3A_73 = arith.constant 0 : i32
      %dma_wait3A_74 = tpu.memref_slice %arg7[%run_scoped3A_8, %dma_wait3A_73] : memref<50x128xi32, #tpu.memory_space<vmem>> -> memref<1x128xi32, #tpu.memory_space<vmem>>
      %dma_wait3A_75 = tpu.memref_squeeze %dma_wait3A_74 : memref<1x128xi32, #tpu.memory_space<vmem>> -> memref<128xi32, #tpu.memory_space<vmem>>
      %dma_wait3A_76 = arith.constant 0 : i32
      %dma_wait3A_77 = arith.constant 0 : i32
      %dma_wait3A_78 = tpu.memref_slice %arg9[%dma_wait3A_76, %dma_wait3A_77] : memref<520x16xf32, #tpu.memory_space<vmem_shared>> -> memref<520x16xf32, #tpu.memory_space<vmem_shared>>
      tpu.wait_indirect_dma semaphore(%run_scoped3A_62 : memref<!tpu.dma_semaphore, #tpu.memory_space<semaphore_mem>>) src(%dma_wait3A_72 : memref<128x16xf32, #tpu.memory_space<vmem>>) dst(%dma_wait3A_78 : memref<520x16xf32, #tpu.memory_space<vmem_shared>>)
      tpu.yield
    }) : () -> ()
    %run_scoped3A_9 = arith.constant 5 : i32
    "tpu.region"() ({
      %run_scoped3A_62 = tpu.sem_alloc : memref<!tpu.dma_semaphore, #tpu.memory_space<semaphore_mem>>
      %dma_start3A = arith.constant 640 : i32
      %dma_start3A_63 = arith.constant 0 : i32
      %dma_start3A_64 = tpu.memref_slice %arg6[%dma_start3A, %dma_start3A_63] : memref<6400x16xf32, #tpu.memory_space<vmem>> -> memref<128x16xf32, #tpu.memory_space<vmem>>
      %dma_start3A_65 = arith.constant 0 : i32
      %dma_start3A_66 = tpu.memref_slice %arg7[%run_scoped3A_9, %dma_start3A_65] : memref<50x128xi32, #tpu.memory_space<vmem>> -> memref<1x128xi32, #tpu.memory_space<vmem>>
      %dma_start3A_67 = tpu.memref_squeeze %dma_start3A_66 : memref<1x128xi32, #tpu.memory_space<vmem>> -> memref<128xi32, #tpu.memory_space<vmem>>
      %dma_start3A_68 = arith.constant 0 : i32
      %dma_start3A_69 = arith.constant 0 : i32
      %dma_start3A_70 = tpu.memref_slice %arg9[%dma_start3A_68, %dma_start3A_69] : memref<520x16xf32, #tpu.memory_space<vmem_shared>> -> memref<520x16xf32, #tpu.memory_space<vmem_shared>>
      tpu.enqueue_indirect_dma source(%dma_start3A_64 : memref<128x16xf32, #tpu.memory_space<vmem>>) target(%dma_start3A_70 : memref<520x16xf32, #tpu.memory_space<vmem_shared>>) offsets(%dma_start3A_67 : memref<128xi32, #tpu.memory_space<vmem>>) semaphore(%run_scoped3A_62 : memref<!tpu.dma_semaphore, #tpu.memory_space<semaphore_mem>>) {add = true}
      %dma_wait3A = arith.constant 640 : i32
      %dma_wait3A_71 = arith.constant 0 : i32
      %dma_wait3A_72 = tpu.memref_slice %arg6[%dma_wait3A, %dma_wait3A_71] : memref<6400x16xf32, #tpu.memory_space<vmem>> -> memref<128x16xf32, #tpu.memory_space<vmem>>
      %dma_wait3A_73 = arith.constant 0 : i32
      %dma_wait3A_74 = tpu.memref_slice %arg7[%run_scoped3A_9, %dma_wait3A_73] : memref<50x128xi32, #tpu.memory_space<vmem>> -> memref<1x128xi32, #tpu.memory_space<vmem>>
      %dma_wait3A_75 = tpu.memref_squeeze %dma_wait3A_74 : memref<1x128xi32, #tpu.memory_space<vmem>> -> memref<128xi32, #tpu.memory_space<vmem>>
      %dma_wait3A_76 = arith.constant 0 : i32
      %dma_wait3A_77 = arith.constant 0 : i32
      %dma_wait3A_78 = tpu.memref_slice %arg9[%dma_wait3A_76, %dma_wait3A_77] : memref<520x16xf32, #tpu.memory_space<vmem_shared>> -> memref<520x16xf32, #tpu.memory_space<vmem_shared>>
      tpu.wait_indirect_dma semaphore(%run_scoped3A_62 : memref<!tpu.dma_semaphore, #tpu.memory_space<semaphore_mem>>) src(%dma_wait3A_72 : memref<128x16xf32, #tpu.memory_space<vmem>>) dst(%dma_wait3A_78 : memref<520x16xf32, #tpu.memory_space<vmem_shared>>)
      tpu.yield
    }) : () -> ()
    %run_scoped3A_10 = arith.constant 6 : i32
    "tpu.region"() ({
      %run_scoped3A_62 = tpu.sem_alloc : memref<!tpu.dma_semaphore, #tpu.memory_space<semaphore_mem>>
      %dma_start3A = arith.constant 768 : i32
      %dma_start3A_63 = arith.constant 0 : i32
      %dma_start3A_64 = tpu.memref_slice %arg6[%dma_start3A, %dma_start3A_63] : memref<6400x16xf32, #tpu.memory_space<vmem>> -> memref<128x16xf32, #tpu.memory_space<vmem>>
      %dma_start3A_65 = arith.constant 0 : i32
      %dma_start3A_66 = tpu.memref_slice %arg7[%run_scoped3A_10, %dma_start3A_65] : memref<50x128xi32, #tpu.memory_space<vmem>> -> memref<1x128xi32, #tpu.memory_space<vmem>>
      %dma_start3A_67 = tpu.memref_squeeze %dma_start3A_66 : memref<1x128xi32, #tpu.memory_space<vmem>> -> memref<128xi32, #tpu.memory_space<vmem>>
      %dma_start3A_68 = arith.constant 0 : i32
      %dma_start3A_69 = arith.constant 0 : i32
      %dma_start3A_70 = tpu.memref_slice %arg9[%dma_start3A_68, %dma_start3A_69] : memref<520x16xf32, #tpu.memory_space<vmem_shared>> -> memref<520x16xf32, #tpu.memory_space<vmem_shared>>
      tpu.enqueue_indirect_dma source(%dma_start3A_64 : memref<128x16xf32, #tpu.memory_space<vmem>>) target(%dma_start3A_70 : memref<520x16xf32, #tpu.memory_space<vmem_shared>>) offsets(%dma_start3A_67 : memref<128xi32, #tpu.memory_space<vmem>>) semaphore(%run_scoped3A_62 : memref<!tpu.dma_semaphore, #tpu.memory_space<semaphore_mem>>) {add = true}
      %dma_wait3A = arith.constant 768 : i32
      %dma_wait3A_71 = arith.constant 0 : i32
      %dma_wait3A_72 = tpu.memref_slice %arg6[%dma_wait3A, %dma_wait3A_71] : memref<6400x16xf32, #tpu.memory_space<vmem>> -> memref<128x16xf32, #tpu.memory_space<vmem>>
      %dma_wait3A_73 = arith.constant 0 : i32
      %dma_wait3A_74 = tpu.memref_slice %arg7[%run_scoped3A_10, %dma_wait3A_73] : memref<50x128xi32, #tpu.memory_space<vmem>> -> memref<1x128xi32, #tpu.memory_space<vmem>>
      %dma_wait3A_75 = tpu.memref_squeeze %dma_wait3A_74 : memref<1x128xi32, #tpu.memory_space<vmem>> -> memref<128xi32, #tpu.memory_space<vmem>>
      %dma_wait3A_76 = arith.constant 0 : i32
      %dma_wait3A_77 = arith.constant 0 : i32
      %dma_wait3A_78 = tpu.memref_slice %arg9[%dma_wait3A_76, %dma_wait3A_77] : memref<520x16xf32, #tpu.memory_space<vmem_shared>> -> memref<520x16xf32, #tpu.memory_space<vmem_shared>>
      tpu.wait_indirect_dma semaphore(%run_scoped3A_62 : memref<!tpu.dma_semaphore, #tpu.memory_space<semaphore_mem>>) src(%dma_wait3A_72 : memref<128x16xf32, #tpu.memory_space<vmem>>) dst(%dma_wait3A_78 : memref<520x16xf32, #tpu.memory_space<vmem_shared>>)
      tpu.yield
    }) : () -> ()
    %run_scoped3A_11 = arith.constant 7 : i32
    "tpu.region"() ({
      %run_scoped3A_62 = tpu.sem_alloc : memref<!tpu.dma_semaphore, #tpu.memory_space<semaphore_mem>>
      %dma_start3A = arith.constant 896 : i32
      %dma_start3A_63 = arith.constant 0 : i32
      %dma_start3A_64 = tpu.memref_slice %arg6[%dma_start3A, %dma_start3A_63] : memref<6400x16xf32, #tpu.memory_space<vmem>> -> memref<128x16xf32, #tpu.memory_space<vmem>>
      %dma_start3A_65 = arith.constant 0 : i32
      %dma_start3A_66 = tpu.memref_slice %arg7[%run_scoped3A_11, %dma_start3A_65] : memref<50x128xi32, #tpu.memory_space<vmem>> -> memref<1x128xi32, #tpu.memory_space<vmem>>
      %dma_start3A_67 = tpu.memref_squeeze %dma_start3A_66 : memref<1x128xi32, #tpu.memory_space<vmem>> -> memref<128xi32, #tpu.memory_space<vmem>>
      %dma_start3A_68 = arith.constant 0 : i32
      %dma_start3A_69 = arith.constant 0 : i32
      %dma_start3A_70 = tpu.memref_slice %arg9[%dma_start3A_68, %dma_start3A_69] : memref<520x16xf32, #tpu.memory_space<vmem_shared>> -> memref<520x16xf32, #tpu.memory_space<vmem_shared>>
      tpu.enqueue_indirect_dma source(%dma_start3A_64 : memref<128x16xf32, #tpu.memory_space<vmem>>) target(%dma_start3A_70 : memref<520x16xf32, #tpu.memory_space<vmem_shared>>) offsets(%dma_start3A_67 : memref<128xi32, #tpu.memory_space<vmem>>) semaphore(%run_scoped3A_62 : memref<!tpu.dma_semaphore, #tpu.memory_space<semaphore_mem>>) {add = true}
      %dma_wait3A = arith.constant 896 : i32
      %dma_wait3A_71 = arith.constant 0 : i32
      %dma_wait3A_72 = tpu.memref_slice %arg6[%dma_wait3A, %dma_wait3A_71] : memref<6400x16xf32, #tpu.memory_space<vmem>> -> memref<128x16xf32, #tpu.memory_space<vmem>>
      %dma_wait3A_73 = arith.constant 0 : i32
      %dma_wait3A_74 = tpu.memref_slice %arg7[%run_scoped3A_11, %dma_wait3A_73] : memref<50x128xi32, #tpu.memory_space<vmem>> -> memref<1x128xi32, #tpu.memory_space<vmem>>
      %dma_wait3A_75 = tpu.memref_squeeze %dma_wait3A_74 : memref<1x128xi32, #tpu.memory_space<vmem>> -> memref<128xi32, #tpu.memory_space<vmem>>
      %dma_wait3A_76 = arith.constant 0 : i32
      %dma_wait3A_77 = arith.constant 0 : i32
      %dma_wait3A_78 = tpu.memref_slice %arg9[%dma_wait3A_76, %dma_wait3A_77] : memref<520x16xf32, #tpu.memory_space<vmem_shared>> -> memref<520x16xf32, #tpu.memory_space<vmem_shared>>
      tpu.wait_indirect_dma semaphore(%run_scoped3A_62 : memref<!tpu.dma_semaphore, #tpu.memory_space<semaphore_mem>>) src(%dma_wait3A_72 : memref<128x16xf32, #tpu.memory_space<vmem>>) dst(%dma_wait3A_78 : memref<520x16xf32, #tpu.memory_space<vmem_shared>>)
      tpu.yield
    }) : () -> ()
    %run_scoped3A_12 = arith.constant 8 : i32
    "tpu.region"() ({
      %run_scoped3A_62 = tpu.sem_alloc : memref<!tpu.dma_semaphore, #tpu.memory_space<semaphore_mem>>
      %dma_start3A = arith.constant 1024 : i32
      %dma_start3A_63 = arith.constant 0 : i32
      %dma_start3A_64 = tpu.memref_slice %arg6[%dma_start3A, %dma_start3A_63] : memref<6400x16xf32, #tpu.memory_space<vmem>> -> memref<128x16xf32, #tpu.memory_space<vmem>>
      %dma_start3A_65 = arith.constant 0 : i32
      %dma_start3A_66 = tpu.memref_slice %arg7[%run_scoped3A_12, %dma_start3A_65] : memref<50x128xi32, #tpu.memory_space<vmem>> -> memref<1x128xi32, #tpu.memory_space<vmem>>
      %dma_start3A_67 = tpu.memref_squeeze %dma_start3A_66 : memref<1x128xi32, #tpu.memory_space<vmem>> -> memref<128xi32, #tpu.memory_space<vmem>>
      %dma_start3A_68 = arith.constant 0 : i32
      %dma_start3A_69 = arith.constant 0 : i32
      %dma_start3A_70 = tpu.memref_slice %arg9[%dma_start3A_68, %dma_start3A_69] : memref<520x16xf32, #tpu.memory_space<vmem_shared>> -> memref<520x16xf32, #tpu.memory_space<vmem_shared>>
      tpu.enqueue_indirect_dma source(%dma_start3A_64 : memref<128x16xf32, #tpu.memory_space<vmem>>) target(%dma_start3A_70 : memref<520x16xf32, #tpu.memory_space<vmem_shared>>) offsets(%dma_start3A_67 : memref<128xi32, #tpu.memory_space<vmem>>) semaphore(%run_scoped3A_62 : memref<!tpu.dma_semaphore, #tpu.memory_space<semaphore_mem>>) {add = true}
      %dma_wait3A = arith.constant 1024 : i32
      %dma_wait3A_71 = arith.constant 0 : i32
      %dma_wait3A_72 = tpu.memref_slice %arg6[%dma_wait3A, %dma_wait3A_71] : memref<6400x16xf32, #tpu.memory_space<vmem>> -> memref<128x16xf32, #tpu.memory_space<vmem>>
      %dma_wait3A_73 = arith.constant 0 : i32
      %dma_wait3A_74 = tpu.memref_slice %arg7[%run_scoped3A_12, %dma_wait3A_73] : memref<50x128xi32, #tpu.memory_space<vmem>> -> memref<1x128xi32, #tpu.memory_space<vmem>>
      %dma_wait3A_75 = tpu.memref_squeeze %dma_wait3A_74 : memref<1x128xi32, #tpu.memory_space<vmem>> -> memref<128xi32, #tpu.memory_space<vmem>>
      %dma_wait3A_76 = arith.constant 0 : i32
      %dma_wait3A_77 = arith.constant 0 : i32
      %dma_wait3A_78 = tpu.memref_slice %arg9[%dma_wait3A_76, %dma_wait3A_77] : memref<520x16xf32, #tpu.memory_space<vmem_shared>> -> memref<520x16xf32, #tpu.memory_space<vmem_shared>>
      tpu.wait_indirect_dma semaphore(%run_scoped3A_62 : memref<!tpu.dma_semaphore, #tpu.memory_space<semaphore_mem>>) src(%dma_wait3A_72 : memref<128x16xf32, #tpu.memory_space<vmem>>) dst(%dma_wait3A_78 : memref<520x16xf32, #tpu.memory_space<vmem_shared>>)
      tpu.yield
    }) : () -> ()
    %run_scoped3A_13 = arith.constant 9 : i32
    "tpu.region"() ({
      %run_scoped3A_62 = tpu.sem_alloc : memref<!tpu.dma_semaphore, #tpu.memory_space<semaphore_mem>>
      %dma_start3A = arith.constant 1152 : i32
      %dma_start3A_63 = arith.constant 0 : i32
      %dma_start3A_64 = tpu.memref_slice %arg6[%dma_start3A, %dma_start3A_63] : memref<6400x16xf32, #tpu.memory_space<vmem>> -> memref<128x16xf32, #tpu.memory_space<vmem>>
      %dma_start3A_65 = arith.constant 0 : i32
      %dma_start3A_66 = tpu.memref_slice %arg7[%run_scoped3A_13, %dma_start3A_65] : memref<50x128xi32, #tpu.memory_space<vmem>> -> memref<1x128xi32, #tpu.memory_space<vmem>>
      %dma_start3A_67 = tpu.memref_squeeze %dma_start3A_66 : memref<1x128xi32, #tpu.memory_space<vmem>> -> memref<128xi32, #tpu.memory_space<vmem>>
      %dma_start3A_68 = arith.constant 0 : i32
      %dma_start3A_69 = arith.constant 0 : i32
      %dma_start3A_70 = tpu.memref_slice %arg9[%dma_start3A_68, %dma_start3A_69] : memref<520x16xf32, #tpu.memory_space<vmem_shared>> -> memref<520x16xf32, #tpu.memory_space<vmem_shared>>
      tpu.enqueue_indirect_dma source(%dma_start3A_64 : memref<128x16xf32, #tpu.memory_space<vmem>>) target(%dma_start3A_70 : memref<520x16xf32, #tpu.memory_space<vmem_shared>>) offsets(%dma_start3A_67 : memref<128xi32, #tpu.memory_space<vmem>>) semaphore(%run_scoped3A_62 : memref<!tpu.dma_semaphore, #tpu.memory_space<semaphore_mem>>) {add = true}
      %dma_wait3A = arith.constant 1152 : i32
      %dma_wait3A_71 = arith.constant 0 : i32
      %dma_wait3A_72 = tpu.memref_slice %arg6[%dma_wait3A, %dma_wait3A_71] : memref<6400x16xf32, #tpu.memory_space<vmem>> -> memref<128x16xf32, #tpu.memory_space<vmem>>
      %dma_wait3A_73 = arith.constant 0 : i32
      %dma_wait3A_74 = tpu.memref_slice %arg7[%run_scoped3A_13, %dma_wait3A_73] : memref<50x128xi32, #tpu.memory_space<vmem>> -> memref<1x128xi32, #tpu.memory_space<vmem>>
      %dma_wait3A_75 = tpu.memref_squeeze %dma_wait3A_74 : memref<1x128xi32, #tpu.memory_space<vmem>> -> memref<128xi32, #tpu.memory_space<vmem>>
      %dma_wait3A_76 = arith.constant 0 : i32
      %dma_wait3A_77 = arith.constant 0 : i32
      %dma_wait3A_78 = tpu.memref_slice %arg9[%dma_wait3A_76, %dma_wait3A_77] : memref<520x16xf32, #tpu.memory_space<vmem_shared>> -> memref<520x16xf32, #tpu.memory_space<vmem_shared>>
      tpu.wait_indirect_dma semaphore(%run_scoped3A_62 : memref<!tpu.dma_semaphore, #tpu.memory_space<semaphore_mem>>) src(%dma_wait3A_72 : memref<128x16xf32, #tpu.memory_space<vmem>>) dst(%dma_wait3A_78 : memref<520x16xf32, #tpu.memory_space<vmem_shared>>)
      tpu.yield
    }) : () -> ()
    %run_scoped3A_14 = arith.constant 10 : i32
    "tpu.region"() ({
      %run_scoped3A_62 = tpu.sem_alloc : memref<!tpu.dma_semaphore, #tpu.memory_space<semaphore_mem>>
      %dma_start3A = arith.constant 1280 : i32
      %dma_start3A_63 = arith.constant 0 : i32
      %dma_start3A_64 = tpu.memref_slice %arg6[%dma_start3A, %dma_start3A_63] : memref<6400x16xf32, #tpu.memory_space<vmem>> -> memref<128x16xf32, #tpu.memory_space<vmem>>
      %dma_start3A_65 = arith.constant 0 : i32
      %dma_start3A_66 = tpu.memref_slice %arg7[%run_scoped3A_14, %dma_start3A_65] : memref<50x128xi32, #tpu.memory_space<vmem>> -> memref<1x128xi32, #tpu.memory_space<vmem>>
      %dma_start3A_67 = tpu.memref_squeeze %dma_start3A_66 : memref<1x128xi32, #tpu.memory_space<vmem>> -> memref<128xi32, #tpu.memory_space<vmem>>
      %dma_start3A_68 = arith.constant 0 : i32
      %dma_start3A_69 = arith.constant 0 : i32
      %dma_start3A_70 = tpu.memref_slice %arg9[%dma_start3A_68, %dma_start3A_69] : memref<520x16xf32, #tpu.memory_space<vmem_shared>> -> memref<520x16xf32, #tpu.memory_space<vmem_shared>>
      tpu.enqueue_indirect_dma source(%dma_start3A_64 : memref<128x16xf32, #tpu.memory_space<vmem>>) target(%dma_start3A_70 : memref<520x16xf32, #tpu.memory_space<vmem_shared>>) offsets(%dma_start3A_67 : memref<128xi32, #tpu.memory_space<vmem>>) semaphore(%run_scoped3A_62 : memref<!tpu.dma_semaphore, #tpu.memory_space<semaphore_mem>>) {add = true}
      %dma_wait3A = arith.constant 1280 : i32
      %dma_wait3A_71 = arith.constant 0 : i32
      %dma_wait3A_72 = tpu.memref_slice %arg6[%dma_wait3A, %dma_wait3A_71] : memref<6400x16xf32, #tpu.memory_space<vmem>> -> memref<128x16xf32, #tpu.memory_space<vmem>>
      %dma_wait3A_73 = arith.constant 0 : i32
      %dma_wait3A_74 = tpu.memref_slice %arg7[%run_scoped3A_14, %dma_wait3A_73] : memref<50x128xi32, #tpu.memory_space<vmem>> -> memref<1x128xi32, #tpu.memory_space<vmem>>
      %dma_wait3A_75 = tpu.memref_squeeze %dma_wait3A_74 : memref<1x128xi32, #tpu.memory_space<vmem>> -> memref<128xi32, #tpu.memory_space<vmem>>
      %dma_wait3A_76 = arith.constant 0 : i32
      %dma_wait3A_77 = arith.constant 0 : i32
      %dma_wait3A_78 = tpu.memref_slice %arg9[%dma_wait3A_76, %dma_wait3A_77] : memref<520x16xf32, #tpu.memory_space<vmem_shared>> -> memref<520x16xf32, #tpu.memory_space<vmem_shared>>
      tpu.wait_indirect_dma semaphore(%run_scoped3A_62 : memref<!tpu.dma_semaphore, #tpu.memory_space<semaphore_mem>>) src(%dma_wait3A_72 : memref<128x16xf32, #tpu.memory_space<vmem>>) dst(%dma_wait3A_78 : memref<520x16xf32, #tpu.memory_space<vmem_shared>>)
      tpu.yield
    }) : () -> ()
    %run_scoped3A_15 = arith.constant 11 : i32
    "tpu.region"() ({
      %run_scoped3A_62 = tpu.sem_alloc : memref<!tpu.dma_semaphore, #tpu.memory_space<semaphore_mem>>
      %dma_start3A = arith.constant 1408 : i32
      %dma_start3A_63 = arith.constant 0 : i32
      %dma_start3A_64 = tpu.memref_slice %arg6[%dma_start3A, %dma_start3A_63] : memref<6400x16xf32, #tpu.memory_space<vmem>> -> memref<128x16xf32, #tpu.memory_space<vmem>>
      %dma_start3A_65 = arith.constant 0 : i32
      %dma_start3A_66 = tpu.memref_slice %arg7[%run_scoped3A_15, %dma_start3A_65] : memref<50x128xi32, #tpu.memory_space<vmem>> -> memref<1x128xi32, #tpu.memory_space<vmem>>
      %dma_start3A_67 = tpu.memref_squeeze %dma_start3A_66 : memref<1x128xi32, #tpu.memory_space<vmem>> -> memref<128xi32, #tpu.memory_space<vmem>>
      %dma_start3A_68 = arith.constant 0 : i32
      %dma_start3A_69 = arith.constant 0 : i32
      %dma_start3A_70 = tpu.memref_slice %arg9[%dma_start3A_68, %dma_start3A_69] : memref<520x16xf32, #tpu.memory_space<vmem_shared>> -> memref<520x16xf32, #tpu.memory_space<vmem_shared>>
      tpu.enqueue_indirect_dma source(%dma_start3A_64 : memref<128x16xf32, #tpu.memory_space<vmem>>) target(%dma_start3A_70 : memref<520x16xf32, #tpu.memory_space<vmem_shared>>) offsets(%dma_start3A_67 : memref<128xi32, #tpu.memory_space<vmem>>) semaphore(%run_scoped3A_62 : memref<!tpu.dma_semaphore, #tpu.memory_space<semaphore_mem>>) {add = true}
      %dma_wait3A = arith.constant 1408 : i32
      %dma_wait3A_71 = arith.constant 0 : i32
      %dma_wait3A_72 = tpu.memref_slice %arg6[%dma_wait3A, %dma_wait3A_71] : memref<6400x16xf32, #tpu.memory_space<vmem>> -> memref<128x16xf32, #tpu.memory_space<vmem>>
      %dma_wait3A_73 = arith.constant 0 : i32
      %dma_wait3A_74 = tpu.memref_slice %arg7[%run_scoped3A_15, %dma_wait3A_73] : memref<50x128xi32, #tpu.memory_space<vmem>> -> memref<1x128xi32, #tpu.memory_space<vmem>>
      %dma_wait3A_75 = tpu.memref_squeeze %dma_wait3A_74 : memref<1x128xi32, #tpu.memory_space<vmem>> -> memref<128xi32, #tpu.memory_space<vmem>>
      %dma_wait3A_76 = arith.constant 0 : i32
      %dma_wait3A_77 = arith.constant 0 : i32
      %dma_wait3A_78 = tpu.memref_slice %arg9[%dma_wait3A_76, %dma_wait3A_77] : memref<520x16xf32, #tpu.memory_space<vmem_shared>> -> memref<520x16xf32, #tpu.memory_space<vmem_shared>>
      tpu.wait_indirect_dma semaphore(%run_scoped3A_62 : memref<!tpu.dma_semaphore, #tpu.memory_space<semaphore_mem>>) src(%dma_wait3A_72 : memref<128x16xf32, #tpu.memory_space<vmem>>) dst(%dma_wait3A_78 : memref<520x16xf32, #tpu.memory_space<vmem_shared>>)
      tpu.yield
    }) : () -> ()
    %run_scoped3A_16 = arith.constant 12 : i32
    "tpu.region"() ({
      %run_scoped3A_62 = tpu.sem_alloc : memref<!tpu.dma_semaphore, #tpu.memory_space<semaphore_mem>>
      %dma_start3A = arith.constant 1536 : i32
      %dma_start3A_63 = arith.constant 0 : i32
      %dma_start3A_64 = tpu.memref_slice %arg6[%dma_start3A, %dma_start3A_63] : memref<6400x16xf32, #tpu.memory_space<vmem>> -> memref<128x16xf32, #tpu.memory_space<vmem>>
      %dma_start3A_65 = arith.constant 0 : i32
      %dma_start3A_66 = tpu.memref_slice %arg7[%run_scoped3A_16, %dma_start3A_65] : memref<50x128xi32, #tpu.memory_space<vmem>> -> memref<1x128xi32, #tpu.memory_space<vmem>>
      %dma_start3A_67 = tpu.memref_squeeze %dma_start3A_66 : memref<1x128xi32, #tpu.memory_space<vmem>> -> memref<128xi32, #tpu.memory_space<vmem>>
      %dma_start3A_68 = arith.constant 0 : i32
      %dma_start3A_69 = arith.constant 0 : i32
      %dma_start3A_70 = tpu.memref_slice %arg9[%dma_start3A_68, %dma_start3A_69] : memref<520x16xf32, #tpu.memory_space<vmem_shared>> -> memref<520x16xf32, #tpu.memory_space<vmem_shared>>
      tpu.enqueue_indirect_dma source(%dma_start3A_64 : memref<128x16xf32, #tpu.memory_space<vmem>>) target(%dma_start3A_70 : memref<520x16xf32, #tpu.memory_space<vmem_shared>>) offsets(%dma_start3A_67 : memref<128xi32, #tpu.memory_space<vmem>>) semaphore(%run_scoped3A_62 : memref<!tpu.dma_semaphore, #tpu.memory_space<semaphore_mem>>) {add = true}
      %dma_wait3A = arith.constant 1536 : i32
      %dma_wait3A_71 = arith.constant 0 : i32
      %dma_wait3A_72 = tpu.memref_slice %arg6[%dma_wait3A, %dma_wait3A_71] : memref<6400x16xf32, #tpu.memory_space<vmem>> -> memref<128x16xf32, #tpu.memory_space<vmem>>
      %dma_wait3A_73 = arith.constant 0 : i32
      %dma_wait3A_74 = tpu.memref_slice %arg7[%run_scoped3A_16, %dma_wait3A_73] : memref<50x128xi32, #tpu.memory_space<vmem>> -> memref<1x128xi32, #tpu.memory_space<vmem>>
      %dma_wait3A_75 = tpu.memref_squeeze %dma_wait3A_74 : memref<1x128xi32, #tpu.memory_space<vmem>> -> memref<128xi32, #tpu.memory_space<vmem>>
      %dma_wait3A_76 = arith.constant 0 : i32
      %dma_wait3A_77 = arith.constant 0 : i32
      %dma_wait3A_78 = tpu.memref_slice %arg9[%dma_wait3A_76, %dma_wait3A_77] : memref<520x16xf32, #tpu.memory_space<vmem_shared>> -> memref<520x16xf32, #tpu.memory_space<vmem_shared>>
      tpu.wait_indirect_dma semaphore(%run_scoped3A_62 : memref<!tpu.dma_semaphore, #tpu.memory_space<semaphore_mem>>) src(%dma_wait3A_72 : memref<128x16xf32, #tpu.memory_space<vmem>>) dst(%dma_wait3A_78 : memref<520x16xf32, #tpu.memory_space<vmem_shared>>)
      tpu.yield
    }) : () -> ()
    %run_scoped3A_17 = arith.constant 13 : i32
    "tpu.region"() ({
      %run_scoped3A_62 = tpu.sem_alloc : memref<!tpu.dma_semaphore, #tpu.memory_space<semaphore_mem>>
      %dma_start3A = arith.constant 1664 : i32
      %dma_start3A_63 = arith.constant 0 : i32
      %dma_start3A_64 = tpu.memref_slice %arg6[%dma_start3A, %dma_start3A_63] : memref<6400x16xf32, #tpu.memory_space<vmem>> -> memref<128x16xf32, #tpu.memory_space<vmem>>
      %dma_start3A_65 = arith.constant 0 : i32
      %dma_start3A_66 = tpu.memref_slice %arg7[%run_scoped3A_17, %dma_start3A_65] : memref<50x128xi32, #tpu.memory_space<vmem>> -> memref<1x128xi32, #tpu.memory_space<vmem>>
      %dma_start3A_67 = tpu.memref_squeeze %dma_start3A_66 : memref<1x128xi32, #tpu.memory_space<vmem>> -> memref<128xi32, #tpu.memory_space<vmem>>
      %dma_start3A_68 = arith.constant 0 : i32
      %dma_start3A_69 = arith.constant 0 : i32
      %dma_start3A_70 = tpu.memref_slice %arg9[%dma_start3A_68, %dma_start3A_69] : memref<520x16xf32, #tpu.memory_space<vmem_shared>> -> memref<520x16xf32, #tpu.memory_space<vmem_shared>>
      tpu.enqueue_indirect_dma source(%dma_start3A_64 : memref<128x16xf32, #tpu.memory_space<vmem>>) target(%dma_start3A_70 : memref<520x16xf32, #tpu.memory_space<vmem_shared>>) offsets(%dma_start3A_67 : memref<128xi32, #tpu.memory_space<vmem>>) semaphore(%run_scoped3A_62 : memref<!tpu.dma_semaphore, #tpu.memory_space<semaphore_mem>>) {add = true}
      %dma_wait3A = arith.constant 1664 : i32
      %dma_wait3A_71 = arith.constant 0 : i32
      %dma_wait3A_72 = tpu.memref_slice %arg6[%dma_wait3A, %dma_wait3A_71] : memref<6400x16xf32, #tpu.memory_space<vmem>> -> memref<128x16xf32, #tpu.memory_space<vmem>>
      %dma_wait3A_73 = arith.constant 0 : i32
      %dma_wait3A_74 = tpu.memref_slice %arg7[%run_scoped3A_17, %dma_wait3A_73] : memref<50x128xi32, #tpu.memory_space<vmem>> -> memref<1x128xi32, #tpu.memory_space<vmem>>
      %dma_wait3A_75 = tpu.memref_squeeze %dma_wait3A_74 : memref<1x128xi32, #tpu.memory_space<vmem>> -> memref<128xi32, #tpu.memory_space<vmem>>
      %dma_wait3A_76 = arith.constant 0 : i32
      %dma_wait3A_77 = arith.constant 0 : i32
      %dma_wait3A_78 = tpu.memref_slice %arg9[%dma_wait3A_76, %dma_wait3A_77] : memref<520x16xf32, #tpu.memory_space<vmem_shared>> -> memref<520x16xf32, #tpu.memory_space<vmem_shared>>
      tpu.wait_indirect_dma semaphore(%run_scoped3A_62 : memref<!tpu.dma_semaphore, #tpu.memory_space<semaphore_mem>>) src(%dma_wait3A_72 : memref<128x16xf32, #tpu.memory_space<vmem>>) dst(%dma_wait3A_78 : memref<520x16xf32, #tpu.memory_space<vmem_shared>>)
      tpu.yield
    }) : () -> ()
    %run_scoped3A_18 = arith.constant 14 : i32
    "tpu.region"() ({
      %run_scoped3A_62 = tpu.sem_alloc : memref<!tpu.dma_semaphore, #tpu.memory_space<semaphore_mem>>
      %dma_start3A = arith.constant 1792 : i32
      %dma_start3A_63 = arith.constant 0 : i32
      %dma_start3A_64 = tpu.memref_slice %arg6[%dma_start3A, %dma_start3A_63] : memref<6400x16xf32, #tpu.memory_space<vmem>> -> memref<128x16xf32, #tpu.memory_space<vmem>>
      %dma_start3A_65 = arith.constant 0 : i32
      %dma_start3A_66 = tpu.memref_slice %arg7[%run_scoped3A_18, %dma_start3A_65] : memref<50x128xi32, #tpu.memory_space<vmem>> -> memref<1x128xi32, #tpu.memory_space<vmem>>
      %dma_start3A_67 = tpu.memref_squeeze %dma_start3A_66 : memref<1x128xi32, #tpu.memory_space<vmem>> -> memref<128xi32, #tpu.memory_space<vmem>>
      %dma_start3A_68 = arith.constant 0 : i32
      %dma_start3A_69 = arith.constant 0 : i32
      %dma_start3A_70 = tpu.memref_slice %arg9[%dma_start3A_68, %dma_start3A_69] : memref<520x16xf32, #tpu.memory_space<vmem_shared>> -> memref<520x16xf32, #tpu.memory_space<vmem_shared>>
      tpu.enqueue_indirect_dma source(%dma_start3A_64 : memref<128x16xf32, #tpu.memory_space<vmem>>) target(%dma_start3A_70 : memref<520x16xf32, #tpu.memory_space<vmem_shared>>) offsets(%dma_start3A_67 : memref<128xi32, #tpu.memory_space<vmem>>) semaphore(%run_scoped3A_62 : memref<!tpu.dma_semaphore, #tpu.memory_space<semaphore_mem>>) {add = true}
      %dma_wait3A = arith.constant 1792 : i32
      %dma_wait3A_71 = arith.constant 0 : i32
      %dma_wait3A_72 = tpu.memref_slice %arg6[%dma_wait3A, %dma_wait3A_71] : memref<6400x16xf32, #tpu.memory_space<vmem>> -> memref<128x16xf32, #tpu.memory_space<vmem>>
      %dma_wait3A_73 = arith.constant 0 : i32
      %dma_wait3A_74 = tpu.memref_slice %arg7[%run_scoped3A_18, %dma_wait3A_73] : memref<50x128xi32, #tpu.memory_space<vmem>> -> memref<1x128xi32, #tpu.memory_space<vmem>>
      %dma_wait3A_75 = tpu.memref_squeeze %dma_wait3A_74 : memref<1x128xi32, #tpu.memory_space<vmem>> -> memref<128xi32, #tpu.memory_space<vmem>>
      %dma_wait3A_76 = arith.constant 0 : i32
      %dma_wait3A_77 = arith.constant 0 : i32
      %dma_wait3A_78 = tpu.memref_slice %arg9[%dma_wait3A_76, %dma_wait3A_77] : memref<520x16xf32, #tpu.memory_space<vmem_shared>> -> memref<520x16xf32, #tpu.memory_space<vmem_shared>>
      tpu.wait_indirect_dma semaphore(%run_scoped3A_62 : memref<!tpu.dma_semaphore, #tpu.memory_space<semaphore_mem>>) src(%dma_wait3A_72 : memref<128x16xf32, #tpu.memory_space<vmem>>) dst(%dma_wait3A_78 : memref<520x16xf32, #tpu.memory_space<vmem_shared>>)
      tpu.yield
    }) : () -> ()
    %run_scoped3A_19 = arith.constant 15 : i32
    "tpu.region"() ({
      %run_scoped3A_62 = tpu.sem_alloc : memref<!tpu.dma_semaphore, #tpu.memory_space<semaphore_mem>>
      %dma_start3A = arith.constant 1920 : i32
      %dma_start3A_63 = arith.constant 0 : i32
      %dma_start3A_64 = tpu.memref_slice %arg6[%dma_start3A, %dma_start3A_63] : memref<6400x16xf32, #tpu.memory_space<vmem>> -> memref<128x16xf32, #tpu.memory_space<vmem>>
      %dma_start3A_65 = arith.constant 0 : i32
      %dma_start3A_66 = tpu.memref_slice %arg7[%run_scoped3A_19, %dma_start3A_65] : memref<50x128xi32, #tpu.memory_space<vmem>> -> memref<1x128xi32, #tpu.memory_space<vmem>>
      %dma_start3A_67 = tpu.memref_squeeze %dma_start3A_66 : memref<1x128xi32, #tpu.memory_space<vmem>> -> memref<128xi32, #tpu.memory_space<vmem>>
      %dma_start3A_68 = arith.constant 0 : i32
      %dma_start3A_69 = arith.constant 0 : i32
      %dma_start3A_70 = tpu.memref_slice %arg9[%dma_start3A_68, %dma_start3A_69] : memref<520x16xf32, #tpu.memory_space<vmem_shared>> -> memref<520x16xf32, #tpu.memory_space<vmem_shared>>
      tpu.enqueue_indirect_dma source(%dma_start3A_64 : memref<128x16xf32, #tpu.memory_space<vmem>>) target(%dma_start3A_70 : memref<520x16xf32, #tpu.memory_space<vmem_shared>>) offsets(%dma_start3A_67 : memref<128xi32, #tpu.memory_space<vmem>>) semaphore(%run_scoped3A_62 : memref<!tpu.dma_semaphore, #tpu.memory_space<semaphore_mem>>) {add = true}
      %dma_wait3A = arith.constant 1920 : i32
      %dma_wait3A_71 = arith.constant 0 : i32
      %dma_wait3A_72 = tpu.memref_slice %arg6[%dma_wait3A, %dma_wait3A_71] : memref<6400x16xf32, #tpu.memory_space<vmem>> -> memref<128x16xf32, #tpu.memory_space<vmem>>
      %dma_wait3A_73 = arith.constant 0 : i32
      %dma_wait3A_74 = tpu.memref_slice %arg7[%run_scoped3A_19, %dma_wait3A_73] : memref<50x128xi32, #tpu.memory_space<vmem>> -> memref<1x128xi32, #tpu.memory_space<vmem>>
      %dma_wait3A_75 = tpu.memref_squeeze %dma_wait3A_74 : memref<1x128xi32, #tpu.memory_space<vmem>> -> memref<128xi32, #tpu.memory_space<vmem>>
      %dma_wait3A_76 = arith.constant 0 : i32
      %dma_wait3A_77 = arith.constant 0 : i32
      %dma_wait3A_78 = tpu.memref_slice %arg9[%dma_wait3A_76, %dma_wait3A_77] : memref<520x16xf32, #tpu.memory_space<vmem_shared>> -> memref<520x16xf32, #tpu.memory_space<vmem_shared>>
      tpu.wait_indirect_dma semaphore(%run_scoped3A_62 : memref<!tpu.dma_semaphore, #tpu.memory_space<semaphore_mem>>) src(%dma_wait3A_72 : memref<128x16xf32, #tpu.memory_space<vmem>>) dst(%dma_wait3A_78 : memref<520x16xf32, #tpu.memory_space<vmem_shared>>)
      tpu.yield
    }) : () -> ()
    %run_scoped3A_20 = arith.constant 16 : i32
    "tpu.region"() ({
      %run_scoped3A_62 = tpu.sem_alloc : memref<!tpu.dma_semaphore, #tpu.memory_space<semaphore_mem>>
      %dma_start3A = arith.constant 2048 : i32
      %dma_start3A_63 = arith.constant 0 : i32
      %dma_start3A_64 = tpu.memref_slice %arg6[%dma_start3A, %dma_start3A_63] : memref<6400x16xf32, #tpu.memory_space<vmem>> -> memref<128x16xf32, #tpu.memory_space<vmem>>
      %dma_start3A_65 = arith.constant 0 : i32
      %dma_start3A_66 = tpu.memref_slice %arg7[%run_scoped3A_20, %dma_start3A_65] : memref<50x128xi32, #tpu.memory_space<vmem>> -> memref<1x128xi32, #tpu.memory_space<vmem>>
      %dma_start3A_67 = tpu.memref_squeeze %dma_start3A_66 : memref<1x128xi32, #tpu.memory_space<vmem>> -> memref<128xi32, #tpu.memory_space<vmem>>
      %dma_start3A_68 = arith.constant 0 : i32
      %dma_start3A_69 = arith.constant 0 : i32
      %dma_start3A_70 = tpu.memref_slice %arg9[%dma_start3A_68, %dma_start3A_69] : memref<520x16xf32, #tpu.memory_space<vmem_shared>> -> memref<520x16xf32, #tpu.memory_space<vmem_shared>>
      tpu.enqueue_indirect_dma source(%dma_start3A_64 : memref<128x16xf32, #tpu.memory_space<vmem>>) target(%dma_start3A_70 : memref<520x16xf32, #tpu.memory_space<vmem_shared>>) offsets(%dma_start3A_67 : memref<128xi32, #tpu.memory_space<vmem>>) semaphore(%run_scoped3A_62 : memref<!tpu.dma_semaphore, #tpu.memory_space<semaphore_mem>>) {add = true}
      %dma_wait3A = arith.constant 2048 : i32
      %dma_wait3A_71 = arith.constant 0 : i32
      %dma_wait3A_72 = tpu.memref_slice %arg6[%dma_wait3A, %dma_wait3A_71] : memref<6400x16xf32, #tpu.memory_space<vmem>> -> memref<128x16xf32, #tpu.memory_space<vmem>>
      %dma_wait3A_73 = arith.constant 0 : i32
      %dma_wait3A_74 = tpu.memref_slice %arg7[%run_scoped3A_20, %dma_wait3A_73] : memref<50x128xi32, #tpu.memory_space<vmem>> -> memref<1x128xi32, #tpu.memory_space<vmem>>
      %dma_wait3A_75 = tpu.memref_squeeze %dma_wait3A_74 : memref<1x128xi32, #tpu.memory_space<vmem>> -> memref<128xi32, #tpu.memory_space<vmem>>
      %dma_wait3A_76 = arith.constant 0 : i32
      %dma_wait3A_77 = arith.constant 0 : i32
      %dma_wait3A_78 = tpu.memref_slice %arg9[%dma_wait3A_76, %dma_wait3A_77] : memref<520x16xf32, #tpu.memory_space<vmem_shared>> -> memref<520x16xf32, #tpu.memory_space<vmem_shared>>
      tpu.wait_indirect_dma semaphore(%run_scoped3A_62 : memref<!tpu.dma_semaphore, #tpu.memory_space<semaphore_mem>>) src(%dma_wait3A_72 : memref<128x16xf32, #tpu.memory_space<vmem>>) dst(%dma_wait3A_78 : memref<520x16xf32, #tpu.memory_space<vmem_shared>>)
      tpu.yield
    }) : () -> ()
    %run_scoped3A_21 = arith.constant 17 : i32
    "tpu.region"() ({
      %run_scoped3A_62 = tpu.sem_alloc : memref<!tpu.dma_semaphore, #tpu.memory_space<semaphore_mem>>
      %dma_start3A = arith.constant 2176 : i32
      %dma_start3A_63 = arith.constant 0 : i32
      %dma_start3A_64 = tpu.memref_slice %arg6[%dma_start3A, %dma_start3A_63] : memref<6400x16xf32, #tpu.memory_space<vmem>> -> memref<128x16xf32, #tpu.memory_space<vmem>>
      %dma_start3A_65 = arith.constant 0 : i32
      %dma_start3A_66 = tpu.memref_slice %arg7[%run_scoped3A_21, %dma_start3A_65] : memref<50x128xi32, #tpu.memory_space<vmem>> -> memref<1x128xi32, #tpu.memory_space<vmem>>
      %dma_start3A_67 = tpu.memref_squeeze %dma_start3A_66 : memref<1x128xi32, #tpu.memory_space<vmem>> -> memref<128xi32, #tpu.memory_space<vmem>>
      %dma_start3A_68 = arith.constant 0 : i32
      %dma_start3A_69 = arith.constant 0 : i32
      %dma_start3A_70 = tpu.memref_slice %arg9[%dma_start3A_68, %dma_start3A_69] : memref<520x16xf32, #tpu.memory_space<vmem_shared>> -> memref<520x16xf32, #tpu.memory_space<vmem_shared>>
      tpu.enqueue_indirect_dma source(%dma_start3A_64 : memref<128x16xf32, #tpu.memory_space<vmem>>) target(%dma_start3A_70 : memref<520x16xf32, #tpu.memory_space<vmem_shared>>) offsets(%dma_start3A_67 : memref<128xi32, #tpu.memory_space<vmem>>) semaphore(%run_scoped3A_62 : memref<!tpu.dma_semaphore, #tpu.memory_space<semaphore_mem>>) {add = true}
      %dma_wait3A = arith.constant 2176 : i32
      %dma_wait3A_71 = arith.constant 0 : i32
      %dma_wait3A_72 = tpu.memref_slice %arg6[%dma_wait3A, %dma_wait3A_71] : memref<6400x16xf32, #tpu.memory_space<vmem>> -> memref<128x16xf32, #tpu.memory_space<vmem>>
      %dma_wait3A_73 = arith.constant 0 : i32
      %dma_wait3A_74 = tpu.memref_slice %arg7[%run_scoped3A_21, %dma_wait3A_73] : memref<50x128xi32, #tpu.memory_space<vmem>> -> memref<1x128xi32, #tpu.memory_space<vmem>>
      %dma_wait3A_75 = tpu.memref_squeeze %dma_wait3A_74 : memref<1x128xi32, #tpu.memory_space<vmem>> -> memref<128xi32, #tpu.memory_space<vmem>>
      %dma_wait3A_76 = arith.constant 0 : i32
      %dma_wait3A_77 = arith.constant 0 : i32
      %dma_wait3A_78 = tpu.memref_slice %arg9[%dma_wait3A_76, %dma_wait3A_77] : memref<520x16xf32, #tpu.memory_space<vmem_shared>> -> memref<520x16xf32, #tpu.memory_space<vmem_shared>>
      tpu.wait_indirect_dma semaphore(%run_scoped3A_62 : memref<!tpu.dma_semaphore, #tpu.memory_space<semaphore_mem>>) src(%dma_wait3A_72 : memref<128x16xf32, #tpu.memory_space<vmem>>) dst(%dma_wait3A_78 : memref<520x16xf32, #tpu.memory_space<vmem_shared>>)
      tpu.yield
    }) : () -> ()
    %run_scoped3A_22 = arith.constant 18 : i32
    "tpu.region"() ({
      %run_scoped3A_62 = tpu.sem_alloc : memref<!tpu.dma_semaphore, #tpu.memory_space<semaphore_mem>>
      %dma_start3A = arith.constant 2304 : i32
      %dma_start3A_63 = arith.constant 0 : i32
      %dma_start3A_64 = tpu.memref_slice %arg6[%dma_start3A, %dma_start3A_63] : memref<6400x16xf32, #tpu.memory_space<vmem>> -> memref<128x16xf32, #tpu.memory_space<vmem>>
      %dma_start3A_65 = arith.constant 0 : i32
      %dma_start3A_66 = tpu.memref_slice %arg7[%run_scoped3A_22, %dma_start3A_65] : memref<50x128xi32, #tpu.memory_space<vmem>> -> memref<1x128xi32, #tpu.memory_space<vmem>>
      %dma_start3A_67 = tpu.memref_squeeze %dma_start3A_66 : memref<1x128xi32, #tpu.memory_space<vmem>> -> memref<128xi32, #tpu.memory_space<vmem>>
      %dma_start3A_68 = arith.constant 0 : i32
      %dma_start3A_69 = arith.constant 0 : i32
      %dma_start3A_70 = tpu.memref_slice %arg9[%dma_start3A_68, %dma_start3A_69] : memref<520x16xf32, #tpu.memory_space<vmem_shared>> -> memref<520x16xf32, #tpu.memory_space<vmem_shared>>
      tpu.enqueue_indirect_dma source(%dma_start3A_64 : memref<128x16xf32, #tpu.memory_space<vmem>>) target(%dma_start3A_70 : memref<520x16xf32, #tpu.memory_space<vmem_shared>>) offsets(%dma_start3A_67 : memref<128xi32, #tpu.memory_space<vmem>>) semaphore(%run_scoped3A_62 : memref<!tpu.dma_semaphore, #tpu.memory_space<semaphore_mem>>) {add = true}
      %dma_wait3A = arith.constant 2304 : i32
      %dma_wait3A_71 = arith.constant 0 : i32
      %dma_wait3A_72 = tpu.memref_slice %arg6[%dma_wait3A, %dma_wait3A_71] : memref<6400x16xf32, #tpu.memory_space<vmem>> -> memref<128x16xf32, #tpu.memory_space<vmem>>
      %dma_wait3A_73 = arith.constant 0 : i32
      %dma_wait3A_74 = tpu.memref_slice %arg7[%run_scoped3A_22, %dma_wait3A_73] : memref<50x128xi32, #tpu.memory_space<vmem>> -> memref<1x128xi32, #tpu.memory_space<vmem>>
      %dma_wait3A_75 = tpu.memref_squeeze %dma_wait3A_74 : memref<1x128xi32, #tpu.memory_space<vmem>> -> memref<128xi32, #tpu.memory_space<vmem>>
      %dma_wait3A_76 = arith.constant 0 : i32
      %dma_wait3A_77 = arith.constant 0 : i32
      %dma_wait3A_78 = tpu.memref_slice %arg9[%dma_wait3A_76, %dma_wait3A_77] : memref<520x16xf32, #tpu.memory_space<vmem_shared>> -> memref<520x16xf32, #tpu.memory_space<vmem_shared>>
      tpu.wait_indirect_dma semaphore(%run_scoped3A_62 : memref<!tpu.dma_semaphore, #tpu.memory_space<semaphore_mem>>) src(%dma_wait3A_72 : memref<128x16xf32, #tpu.memory_space<vmem>>) dst(%dma_wait3A_78 : memref<520x16xf32, #tpu.memory_space<vmem_shared>>)
      tpu.yield
    }) : () -> ()
    %run_scoped3A_23 = arith.constant 19 : i32
    "tpu.region"() ({
      %run_scoped3A_62 = tpu.sem_alloc : memref<!tpu.dma_semaphore, #tpu.memory_space<semaphore_mem>>
      %dma_start3A = arith.constant 2432 : i32
      %dma_start3A_63 = arith.constant 0 : i32
      %dma_start3A_64 = tpu.memref_slice %arg6[%dma_start3A, %dma_start3A_63] : memref<6400x16xf32, #tpu.memory_space<vmem>> -> memref<128x16xf32, #tpu.memory_space<vmem>>
      %dma_start3A_65 = arith.constant 0 : i32
      %dma_start3A_66 = tpu.memref_slice %arg7[%run_scoped3A_23, %dma_start3A_65] : memref<50x128xi32, #tpu.memory_space<vmem>> -> memref<1x128xi32, #tpu.memory_space<vmem>>
      %dma_start3A_67 = tpu.memref_squeeze %dma_start3A_66 : memref<1x128xi32, #tpu.memory_space<vmem>> -> memref<128xi32, #tpu.memory_space<vmem>>
      %dma_start3A_68 = arith.constant 0 : i32
      %dma_start3A_69 = arith.constant 0 : i32
      %dma_start3A_70 = tpu.memref_slice %arg9[%dma_start3A_68, %dma_start3A_69] : memref<520x16xf32, #tpu.memory_space<vmem_shared>> -> memref<520x16xf32, #tpu.memory_space<vmem_shared>>
      tpu.enqueue_indirect_dma source(%dma_start3A_64 : memref<128x16xf32, #tpu.memory_space<vmem>>) target(%dma_start3A_70 : memref<520x16xf32, #tpu.memory_space<vmem_shared>>) offsets(%dma_start3A_67 : memref<128xi32, #tpu.memory_space<vmem>>) semaphore(%run_scoped3A_62 : memref<!tpu.dma_semaphore, #tpu.memory_space<semaphore_mem>>) {add = true}
      %dma_wait3A = arith.constant 2432 : i32
      %dma_wait3A_71 = arith.constant 0 : i32
      %dma_wait3A_72 = tpu.memref_slice %arg6[%dma_wait3A, %dma_wait3A_71] : memref<6400x16xf32, #tpu.memory_space<vmem>> -> memref<128x16xf32, #tpu.memory_space<vmem>>
      %dma_wait3A_73 = arith.constant 0 : i32
      %dma_wait3A_74 = tpu.memref_slice %arg7[%run_scoped3A_23, %dma_wait3A_73] : memref<50x128xi32, #tpu.memory_space<vmem>> -> memref<1x128xi32, #tpu.memory_space<vmem>>
      %dma_wait3A_75 = tpu.memref_squeeze %dma_wait3A_74 : memref<1x128xi32, #tpu.memory_space<vmem>> -> memref<128xi32, #tpu.memory_space<vmem>>
      %dma_wait3A_76 = arith.constant 0 : i32
      %dma_wait3A_77 = arith.constant 0 : i32
      %dma_wait3A_78 = tpu.memref_slice %arg9[%dma_wait3A_76, %dma_wait3A_77] : memref<520x16xf32, #tpu.memory_space<vmem_shared>> -> memref<520x16xf32, #tpu.memory_space<vmem_shared>>
      tpu.wait_indirect_dma semaphore(%run_scoped3A_62 : memref<!tpu.dma_semaphore, #tpu.memory_space<semaphore_mem>>) src(%dma_wait3A_72 : memref<128x16xf32, #tpu.memory_space<vmem>>) dst(%dma_wait3A_78 : memref<520x16xf32, #tpu.memory_space<vmem_shared>>)
      tpu.yield
    }) : () -> ()
    %run_scoped3A_24 = arith.constant 20 : i32
    "tpu.region"() ({
      %run_scoped3A_62 = tpu.sem_alloc : memref<!tpu.dma_semaphore, #tpu.memory_space<semaphore_mem>>
      %dma_start3A = arith.constant 2560 : i32
      %dma_start3A_63 = arith.constant 0 : i32
      %dma_start3A_64 = tpu.memref_slice %arg6[%dma_start3A, %dma_start3A_63] : memref<6400x16xf32, #tpu.memory_space<vmem>> -> memref<128x16xf32, #tpu.memory_space<vmem>>
      %dma_start3A_65 = arith.constant 0 : i32
      %dma_start3A_66 = tpu.memref_slice %arg7[%run_scoped3A_24, %dma_start3A_65] : memref<50x128xi32, #tpu.memory_space<vmem>> -> memref<1x128xi32, #tpu.memory_space<vmem>>
      %dma_start3A_67 = tpu.memref_squeeze %dma_start3A_66 : memref<1x128xi32, #tpu.memory_space<vmem>> -> memref<128xi32, #tpu.memory_space<vmem>>
      %dma_start3A_68 = arith.constant 0 : i32
      %dma_start3A_69 = arith.constant 0 : i32
      %dma_start3A_70 = tpu.memref_slice %arg9[%dma_start3A_68, %dma_start3A_69] : memref<520x16xf32, #tpu.memory_space<vmem_shared>> -> memref<520x16xf32, #tpu.memory_space<vmem_shared>>
      tpu.enqueue_indirect_dma source(%dma_start3A_64 : memref<128x16xf32, #tpu.memory_space<vmem>>) target(%dma_start3A_70 : memref<520x16xf32, #tpu.memory_space<vmem_shared>>) offsets(%dma_start3A_67 : memref<128xi32, #tpu.memory_space<vmem>>) semaphore(%run_scoped3A_62 : memref<!tpu.dma_semaphore, #tpu.memory_space<semaphore_mem>>) {add = true}
      %dma_wait3A = arith.constant 2560 : i32
      %dma_wait3A_71 = arith.constant 0 : i32
      %dma_wait3A_72 = tpu.memref_slice %arg6[%dma_wait3A, %dma_wait3A_71] : memref<6400x16xf32, #tpu.memory_space<vmem>> -> memref<128x16xf32, #tpu.memory_space<vmem>>
      %dma_wait3A_73 = arith.constant 0 : i32
      %dma_wait3A_74 = tpu.memref_slice %arg7[%run_scoped3A_24, %dma_wait3A_73] : memref<50x128xi32, #tpu.memory_space<vmem>> -> memref<1x128xi32, #tpu.memory_space<vmem>>
      %dma_wait3A_75 = tpu.memref_squeeze %dma_wait3A_74 : memref<1x128xi32, #tpu.memory_space<vmem>> -> memref<128xi32, #tpu.memory_space<vmem>>
      %dma_wait3A_76 = arith.constant 0 : i32
      %dma_wait3A_77 = arith.constant 0 : i32
      %dma_wait3A_78 = tpu.memref_slice %arg9[%dma_wait3A_76, %dma_wait3A_77] : memref<520x16xf32, #tpu.memory_space<vmem_shared>> -> memref<520x16xf32, #tpu.memory_space<vmem_shared>>
      tpu.wait_indirect_dma semaphore(%run_scoped3A_62 : memref<!tpu.dma_semaphore, #tpu.memory_space<semaphore_mem>>) src(%dma_wait3A_72 : memref<128x16xf32, #tpu.memory_space<vmem>>) dst(%dma_wait3A_78 : memref<520x16xf32, #tpu.memory_space<vmem_shared>>)
      tpu.yield
    }) : () -> ()
    %run_scoped3A_25 = arith.constant 21 : i32
    "tpu.region"() ({
      %run_scoped3A_62 = tpu.sem_alloc : memref<!tpu.dma_semaphore, #tpu.memory_space<semaphore_mem>>
      %dma_start3A = arith.constant 2688 : i32
      %dma_start3A_63 = arith.constant 0 : i32
      %dma_start3A_64 = tpu.memref_slice %arg6[%dma_start3A, %dma_start3A_63] : memref<6400x16xf32, #tpu.memory_space<vmem>> -> memref<128x16xf32, #tpu.memory_space<vmem>>
      %dma_start3A_65 = arith.constant 0 : i32
      %dma_start3A_66 = tpu.memref_slice %arg7[%run_scoped3A_25, %dma_start3A_65] : memref<50x128xi32, #tpu.memory_space<vmem>> -> memref<1x128xi32, #tpu.memory_space<vmem>>
      %dma_start3A_67 = tpu.memref_squeeze %dma_start3A_66 : memref<1x128xi32, #tpu.memory_space<vmem>> -> memref<128xi32, #tpu.memory_space<vmem>>
      %dma_start3A_68 = arith.constant 0 : i32
      %dma_start3A_69 = arith.constant 0 : i32
      %dma_start3A_70 = tpu.memref_slice %arg9[%dma_start3A_68, %dma_start3A_69] : memref<520x16xf32, #tpu.memory_space<vmem_shared>> -> memref<520x16xf32, #tpu.memory_space<vmem_shared>>
      tpu.enqueue_indirect_dma source(%dma_start3A_64 : memref<128x16xf32, #tpu.memory_space<vmem>>) target(%dma_start3A_70 : memref<520x16xf32, #tpu.memory_space<vmem_shared>>) offsets(%dma_start3A_67 : memref<128xi32, #tpu.memory_space<vmem>>) semaphore(%run_scoped3A_62 : memref<!tpu.dma_semaphore, #tpu.memory_space<semaphore_mem>>) {add = true}
      %dma_wait3A = arith.constant 2688 : i32
      %dma_wait3A_71 = arith.constant 0 : i32
      %dma_wait3A_72 = tpu.memref_slice %arg6[%dma_wait3A, %dma_wait3A_71] : memref<6400x16xf32, #tpu.memory_space<vmem>> -> memref<128x16xf32, #tpu.memory_space<vmem>>
      %dma_wait3A_73 = arith.constant 0 : i32
      %dma_wait3A_74 = tpu.memref_slice %arg7[%run_scoped3A_25, %dma_wait3A_73] : memref<50x128xi32, #tpu.memory_space<vmem>> -> memref<1x128xi32, #tpu.memory_space<vmem>>
      %dma_wait3A_75 = tpu.memref_squeeze %dma_wait3A_74 : memref<1x128xi32, #tpu.memory_space<vmem>> -> memref<128xi32, #tpu.memory_space<vmem>>
      %dma_wait3A_76 = arith.constant 0 : i32
      %dma_wait3A_77 = arith.constant 0 : i32
      %dma_wait3A_78 = tpu.memref_slice %arg9[%dma_wait3A_76, %dma_wait3A_77] : memref<520x16xf32, #tpu.memory_space<vmem_shared>> -> memref<520x16xf32, #tpu.memory_space<vmem_shared>>
      tpu.wait_indirect_dma semaphore(%run_scoped3A_62 : memref<!tpu.dma_semaphore, #tpu.memory_space<semaphore_mem>>) src(%dma_wait3A_72 : memref<128x16xf32, #tpu.memory_space<vmem>>) dst(%dma_wait3A_78 : memref<520x16xf32, #tpu.memory_space<vmem_shared>>)
      tpu.yield
    }) : () -> ()
    %run_scoped3A_26 = arith.constant 22 : i32
    "tpu.region"() ({
      %run_scoped3A_62 = tpu.sem_alloc : memref<!tpu.dma_semaphore, #tpu.memory_space<semaphore_mem>>
      %dma_start3A = arith.constant 2816 : i32
      %dma_start3A_63 = arith.constant 0 : i32
      %dma_start3A_64 = tpu.memref_slice %arg6[%dma_start3A, %dma_start3A_63] : memref<6400x16xf32, #tpu.memory_space<vmem>> -> memref<128x16xf32, #tpu.memory_space<vmem>>
      %dma_start3A_65 = arith.constant 0 : i32
      %dma_start3A_66 = tpu.memref_slice %arg7[%run_scoped3A_26, %dma_start3A_65] : memref<50x128xi32, #tpu.memory_space<vmem>> -> memref<1x128xi32, #tpu.memory_space<vmem>>
      %dma_start3A_67 = tpu.memref_squeeze %dma_start3A_66 : memref<1x128xi32, #tpu.memory_space<vmem>> -> memref<128xi32, #tpu.memory_space<vmem>>
      %dma_start3A_68 = arith.constant 0 : i32
      %dma_start3A_69 = arith.constant 0 : i32
      %dma_start3A_70 = tpu.memref_slice %arg9[%dma_start3A_68, %dma_start3A_69] : memref<520x16xf32, #tpu.memory_space<vmem_shared>> -> memref<520x16xf32, #tpu.memory_space<vmem_shared>>
      tpu.enqueue_indirect_dma source(%dma_start3A_64 : memref<128x16xf32, #tpu.memory_space<vmem>>) target(%dma_start3A_70 : memref<520x16xf32, #tpu.memory_space<vmem_shared>>) offsets(%dma_start3A_67 : memref<128xi32, #tpu.memory_space<vmem>>) semaphore(%run_scoped3A_62 : memref<!tpu.dma_semaphore, #tpu.memory_space<semaphore_mem>>) {add = true}
      %dma_wait3A = arith.constant 2816 : i32
      %dma_wait3A_71 = arith.constant 0 : i32
      %dma_wait3A_72 = tpu.memref_slice %arg6[%dma_wait3A, %dma_wait3A_71] : memref<6400x16xf32, #tpu.memory_space<vmem>> -> memref<128x16xf32, #tpu.memory_space<vmem>>
      %dma_wait3A_73 = arith.constant 0 : i32
      %dma_wait3A_74 = tpu.memref_slice %arg7[%run_scoped3A_26, %dma_wait3A_73] : memref<50x128xi32, #tpu.memory_space<vmem>> -> memref<1x128xi32, #tpu.memory_space<vmem>>
      %dma_wait3A_75 = tpu.memref_squeeze %dma_wait3A_74 : memref<1x128xi32, #tpu.memory_space<vmem>> -> memref<128xi32, #tpu.memory_space<vmem>>
      %dma_wait3A_76 = arith.constant 0 : i32
      %dma_wait3A_77 = arith.constant 0 : i32
      %dma_wait3A_78 = tpu.memref_slice %arg9[%dma_wait3A_76, %dma_wait3A_77] : memref<520x16xf32, #tpu.memory_space<vmem_shared>> -> memref<520x16xf32, #tpu.memory_space<vmem_shared>>
      tpu.wait_indirect_dma semaphore(%run_scoped3A_62 : memref<!tpu.dma_semaphore, #tpu.memory_space<semaphore_mem>>) src(%dma_wait3A_72 : memref<128x16xf32, #tpu.memory_space<vmem>>) dst(%dma_wait3A_78 : memref<520x16xf32, #tpu.memory_space<vmem_shared>>)
      tpu.yield
    }) : () -> ()
    %run_scoped3A_27 = arith.constant 23 : i32
    "tpu.region"() ({
      %run_scoped3A_62 = tpu.sem_alloc : memref<!tpu.dma_semaphore, #tpu.memory_space<semaphore_mem>>
      %dma_start3A = arith.constant 2944 : i32
      %dma_start3A_63 = arith.constant 0 : i32
      %dma_start3A_64 = tpu.memref_slice %arg6[%dma_start3A, %dma_start3A_63] : memref<6400x16xf32, #tpu.memory_space<vmem>> -> memref<128x16xf32, #tpu.memory_space<vmem>>
      %dma_start3A_65 = arith.constant 0 : i32
      %dma_start3A_66 = tpu.memref_slice %arg7[%run_scoped3A_27, %dma_start3A_65] : memref<50x128xi32, #tpu.memory_space<vmem>> -> memref<1x128xi32, #tpu.memory_space<vmem>>
      %dma_start3A_67 = tpu.memref_squeeze %dma_start3A_66 : memref<1x128xi32, #tpu.memory_space<vmem>> -> memref<128xi32, #tpu.memory_space<vmem>>
      %dma_start3A_68 = arith.constant 0 : i32
      %dma_start3A_69 = arith.constant 0 : i32
      %dma_start3A_70 = tpu.memref_slice %arg9[%dma_start3A_68, %dma_start3A_69] : memref<520x16xf32, #tpu.memory_space<vmem_shared>> -> memref<520x16xf32, #tpu.memory_space<vmem_shared>>
      tpu.enqueue_indirect_dma source(%dma_start3A_64 : memref<128x16xf32, #tpu.memory_space<vmem>>) target(%dma_start3A_70 : memref<520x16xf32, #tpu.memory_space<vmem_shared>>) offsets(%dma_start3A_67 : memref<128xi32, #tpu.memory_space<vmem>>) semaphore(%run_scoped3A_62 : memref<!tpu.dma_semaphore, #tpu.memory_space<semaphore_mem>>) {add = true}
      %dma_wait3A = arith.constant 2944 : i32
      %dma_wait3A_71 = arith.constant 0 : i32
      %dma_wait3A_72 = tpu.memref_slice %arg6[%dma_wait3A, %dma_wait3A_71] : memref<6400x16xf32, #tpu.memory_space<vmem>> -> memref<128x16xf32, #tpu.memory_space<vmem>>
      %dma_wait3A_73 = arith.constant 0 : i32
      %dma_wait3A_74 = tpu.memref_slice %arg7[%run_scoped3A_27, %dma_wait3A_73] : memref<50x128xi32, #tpu.memory_space<vmem>> -> memref<1x128xi32, #tpu.memory_space<vmem>>
      %dma_wait3A_75 = tpu.memref_squeeze %dma_wait3A_74 : memref<1x128xi32, #tpu.memory_space<vmem>> -> memref<128xi32, #tpu.memory_space<vmem>>
      %dma_wait3A_76 = arith.constant 0 : i32
      %dma_wait3A_77 = arith.constant 0 : i32
      %dma_wait3A_78 = tpu.memref_slice %arg9[%dma_wait3A_76, %dma_wait3A_77] : memref<520x16xf32, #tpu.memory_space<vmem_shared>> -> memref<520x16xf32, #tpu.memory_space<vmem_shared>>
      tpu.wait_indirect_dma semaphore(%run_scoped3A_62 : memref<!tpu.dma_semaphore, #tpu.memory_space<semaphore_mem>>) src(%dma_wait3A_72 : memref<128x16xf32, #tpu.memory_space<vmem>>) dst(%dma_wait3A_78 : memref<520x16xf32, #tpu.memory_space<vmem_shared>>)
      tpu.yield
    }) : () -> ()
    %run_scoped3A_28 = arith.constant 24 : i32
    "tpu.region"() ({
      %run_scoped3A_62 = tpu.sem_alloc : memref<!tpu.dma_semaphore, #tpu.memory_space<semaphore_mem>>
      %dma_start3A = arith.constant 3072 : i32
      %dma_start3A_63 = arith.constant 0 : i32
      %dma_start3A_64 = tpu.memref_slice %arg6[%dma_start3A, %dma_start3A_63] : memref<6400x16xf32, #tpu.memory_space<vmem>> -> memref<128x16xf32, #tpu.memory_space<vmem>>
      %dma_start3A_65 = arith.constant 0 : i32
      %dma_start3A_66 = tpu.memref_slice %arg7[%run_scoped3A_28, %dma_start3A_65] : memref<50x128xi32, #tpu.memory_space<vmem>> -> memref<1x128xi32, #tpu.memory_space<vmem>>
      %dma_start3A_67 = tpu.memref_squeeze %dma_start3A_66 : memref<1x128xi32, #tpu.memory_space<vmem>> -> memref<128xi32, #tpu.memory_space<vmem>>
      %dma_start3A_68 = arith.constant 0 : i32
      %dma_start3A_69 = arith.constant 0 : i32
      %dma_start3A_70 = tpu.memref_slice %arg9[%dma_start3A_68, %dma_start3A_69] : memref<520x16xf32, #tpu.memory_space<vmem_shared>> -> memref<520x16xf32, #tpu.memory_space<vmem_shared>>
      tpu.enqueue_indirect_dma source(%dma_start3A_64 : memref<128x16xf32, #tpu.memory_space<vmem>>) target(%dma_start3A_70 : memref<520x16xf32, #tpu.memory_space<vmem_shared>>) offsets(%dma_start3A_67 : memref<128xi32, #tpu.memory_space<vmem>>) semaphore(%run_scoped3A_62 : memref<!tpu.dma_semaphore, #tpu.memory_space<semaphore_mem>>) {add = true}
      %dma_wait3A = arith.constant 3072 : i32
      %dma_wait3A_71 = arith.constant 0 : i32
      %dma_wait3A_72 = tpu.memref_slice %arg6[%dma_wait3A, %dma_wait3A_71] : memref<6400x16xf32, #tpu.memory_space<vmem>> -> memref<128x16xf32, #tpu.memory_space<vmem>>
      %dma_wait3A_73 = arith.constant 0 : i32
      %dma_wait3A_74 = tpu.memref_slice %arg7[%run_scoped3A_28, %dma_wait3A_73] : memref<50x128xi32, #tpu.memory_space<vmem>> -> memref<1x128xi32, #tpu.memory_space<vmem>>
      %dma_wait3A_75 = tpu.memref_squeeze %dma_wait3A_74 : memref<1x128xi32, #tpu.memory_space<vmem>> -> memref<128xi32, #tpu.memory_space<vmem>>
      %dma_wait3A_76 = arith.constant 0 : i32
      %dma_wait3A_77 = arith.constant 0 : i32
      %dma_wait3A_78 = tpu.memref_slice %arg9[%dma_wait3A_76, %dma_wait3A_77] : memref<520x16xf32, #tpu.memory_space<vmem_shared>> -> memref<520x16xf32, #tpu.memory_space<vmem_shared>>
      tpu.wait_indirect_dma semaphore(%run_scoped3A_62 : memref<!tpu.dma_semaphore, #tpu.memory_space<semaphore_mem>>) src(%dma_wait3A_72 : memref<128x16xf32, #tpu.memory_space<vmem>>) dst(%dma_wait3A_78 : memref<520x16xf32, #tpu.memory_space<vmem_shared>>)
      tpu.yield
    }) : () -> ()
    %run_scoped3A_29 = arith.constant 25 : i32
    "tpu.region"() ({
      %run_scoped3A_62 = tpu.sem_alloc : memref<!tpu.dma_semaphore, #tpu.memory_space<semaphore_mem>>
      %dma_start3A = arith.constant 3200 : i32
      %dma_start3A_63 = arith.constant 0 : i32
      %dma_start3A_64 = tpu.memref_slice %arg6[%dma_start3A, %dma_start3A_63] : memref<6400x16xf32, #tpu.memory_space<vmem>> -> memref<128x16xf32, #tpu.memory_space<vmem>>
      %dma_start3A_65 = arith.constant 0 : i32
      %dma_start3A_66 = tpu.memref_slice %arg7[%run_scoped3A_29, %dma_start3A_65] : memref<50x128xi32, #tpu.memory_space<vmem>> -> memref<1x128xi32, #tpu.memory_space<vmem>>
      %dma_start3A_67 = tpu.memref_squeeze %dma_start3A_66 : memref<1x128xi32, #tpu.memory_space<vmem>> -> memref<128xi32, #tpu.memory_space<vmem>>
      %dma_start3A_68 = arith.constant 0 : i32
      %dma_start3A_69 = arith.constant 0 : i32
      %dma_start3A_70 = tpu.memref_slice %arg9[%dma_start3A_68, %dma_start3A_69] : memref<520x16xf32, #tpu.memory_space<vmem_shared>> -> memref<520x16xf32, #tpu.memory_space<vmem_shared>>
      tpu.enqueue_indirect_dma source(%dma_start3A_64 : memref<128x16xf32, #tpu.memory_space<vmem>>) target(%dma_start3A_70 : memref<520x16xf32, #tpu.memory_space<vmem_shared>>) offsets(%dma_start3A_67 : memref<128xi32, #tpu.memory_space<vmem>>) semaphore(%run_scoped3A_62 : memref<!tpu.dma_semaphore, #tpu.memory_space<semaphore_mem>>) {add = true}
      %dma_wait3A = arith.constant 3200 : i32
      %dma_wait3A_71 = arith.constant 0 : i32
      %dma_wait3A_72 = tpu.memref_slice %arg6[%dma_wait3A, %dma_wait3A_71] : memref<6400x16xf32, #tpu.memory_space<vmem>> -> memref<128x16xf32, #tpu.memory_space<vmem>>
      %dma_wait3A_73 = arith.constant 0 : i32
      %dma_wait3A_74 = tpu.memref_slice %arg7[%run_scoped3A_29, %dma_wait3A_73] : memref<50x128xi32, #tpu.memory_space<vmem>> -> memref<1x128xi32, #tpu.memory_space<vmem>>
      %dma_wait3A_75 = tpu.memref_squeeze %dma_wait3A_74 : memref<1x128xi32, #tpu.memory_space<vmem>> -> memref<128xi32, #tpu.memory_space<vmem>>
      %dma_wait3A_76 = arith.constant 0 : i32
      %dma_wait3A_77 = arith.constant 0 : i32
      %dma_wait3A_78 = tpu.memref_slice %arg9[%dma_wait3A_76, %dma_wait3A_77] : memref<520x16xf32, #tpu.memory_space<vmem_shared>> -> memref<520x16xf32, #tpu.memory_space<vmem_shared>>
      tpu.wait_indirect_dma semaphore(%run_scoped3A_62 : memref<!tpu.dma_semaphore, #tpu.memory_space<semaphore_mem>>) src(%dma_wait3A_72 : memref<128x16xf32, #tpu.memory_space<vmem>>) dst(%dma_wait3A_78 : memref<520x16xf32, #tpu.memory_space<vmem_shared>>)
      tpu.yield
    }) : () -> ()
    %run_scoped3A_30 = arith.constant 26 : i32
    "tpu.region"() ({
      %run_scoped3A_62 = tpu.sem_alloc : memref<!tpu.dma_semaphore, #tpu.memory_space<semaphore_mem>>
      %dma_start3A = arith.constant 3328 : i32
      %dma_start3A_63 = arith.constant 0 : i32
      %dma_start3A_64 = tpu.memref_slice %arg6[%dma_start3A, %dma_start3A_63] : memref<6400x16xf32, #tpu.memory_space<vmem>> -> memref<128x16xf32, #tpu.memory_space<vmem>>
      %dma_start3A_65 = arith.constant 0 : i32
      %dma_start3A_66 = tpu.memref_slice %arg7[%run_scoped3A_30, %dma_start3A_65] : memref<50x128xi32, #tpu.memory_space<vmem>> -> memref<1x128xi32, #tpu.memory_space<vmem>>
      %dma_start3A_67 = tpu.memref_squeeze %dma_start3A_66 : memref<1x128xi32, #tpu.memory_space<vmem>> -> memref<128xi32, #tpu.memory_space<vmem>>
      %dma_start3A_68 = arith.constant 0 : i32
      %dma_start3A_69 = arith.constant 0 : i32
      %dma_start3A_70 = tpu.memref_slice %arg9[%dma_start3A_68, %dma_start3A_69] : memref<520x16xf32, #tpu.memory_space<vmem_shared>> -> memref<520x16xf32, #tpu.memory_space<vmem_shared>>
      tpu.enqueue_indirect_dma source(%dma_start3A_64 : memref<128x16xf32, #tpu.memory_space<vmem>>) target(%dma_start3A_70 : memref<520x16xf32, #tpu.memory_space<vmem_shared>>) offsets(%dma_start3A_67 : memref<128xi32, #tpu.memory_space<vmem>>) semaphore(%run_scoped3A_62 : memref<!tpu.dma_semaphore, #tpu.memory_space<semaphore_mem>>) {add = true}
      %dma_wait3A = arith.constant 3328 : i32
      %dma_wait3A_71 = arith.constant 0 : i32
      %dma_wait3A_72 = tpu.memref_slice %arg6[%dma_wait3A, %dma_wait3A_71] : memref<6400x16xf32, #tpu.memory_space<vmem>> -> memref<128x16xf32, #tpu.memory_space<vmem>>
      %dma_wait3A_73 = arith.constant 0 : i32
      %dma_wait3A_74 = tpu.memref_slice %arg7[%run_scoped3A_30, %dma_wait3A_73] : memref<50x128xi32, #tpu.memory_space<vmem>> -> memref<1x128xi32, #tpu.memory_space<vmem>>
      %dma_wait3A_75 = tpu.memref_squeeze %dma_wait3A_74 : memref<1x128xi32, #tpu.memory_space<vmem>> -> memref<128xi32, #tpu.memory_space<vmem>>
      %dma_wait3A_76 = arith.constant 0 : i32
      %dma_wait3A_77 = arith.constant 0 : i32
      %dma_wait3A_78 = tpu.memref_slice %arg9[%dma_wait3A_76, %dma_wait3A_77] : memref<520x16xf32, #tpu.memory_space<vmem_shared>> -> memref<520x16xf32, #tpu.memory_space<vmem_shared>>
      tpu.wait_indirect_dma semaphore(%run_scoped3A_62 : memref<!tpu.dma_semaphore, #tpu.memory_space<semaphore_mem>>) src(%dma_wait3A_72 : memref<128x16xf32, #tpu.memory_space<vmem>>) dst(%dma_wait3A_78 : memref<520x16xf32, #tpu.memory_space<vmem_shared>>)
      tpu.yield
    }) : () -> ()
    %run_scoped3A_31 = arith.constant 27 : i32
    "tpu.region"() ({
      %run_scoped3A_62 = tpu.sem_alloc : memref<!tpu.dma_semaphore, #tpu.memory_space<semaphore_mem>>
      %dma_start3A = arith.constant 3456 : i32
      %dma_start3A_63 = arith.constant 0 : i32
      %dma_start3A_64 = tpu.memref_slice %arg6[%dma_start3A, %dma_start3A_63] : memref<6400x16xf32, #tpu.memory_space<vmem>> -> memref<128x16xf32, #tpu.memory_space<vmem>>
      %dma_start3A_65 = arith.constant 0 : i32
      %dma_start3A_66 = tpu.memref_slice %arg7[%run_scoped3A_31, %dma_start3A_65] : memref<50x128xi32, #tpu.memory_space<vmem>> -> memref<1x128xi32, #tpu.memory_space<vmem>>
      %dma_start3A_67 = tpu.memref_squeeze %dma_start3A_66 : memref<1x128xi32, #tpu.memory_space<vmem>> -> memref<128xi32, #tpu.memory_space<vmem>>
      %dma_start3A_68 = arith.constant 0 : i32
      %dma_start3A_69 = arith.constant 0 : i32
      %dma_start3A_70 = tpu.memref_slice %arg9[%dma_start3A_68, %dma_start3A_69] : memref<520x16xf32, #tpu.memory_space<vmem_shared>> -> memref<520x16xf32, #tpu.memory_space<vmem_shared>>
      tpu.enqueue_indirect_dma source(%dma_start3A_64 : memref<128x16xf32, #tpu.memory_space<vmem>>) target(%dma_start3A_70 : memref<520x16xf32, #tpu.memory_space<vmem_shared>>) offsets(%dma_start3A_67 : memref<128xi32, #tpu.memory_space<vmem>>) semaphore(%run_scoped3A_62 : memref<!tpu.dma_semaphore, #tpu.memory_space<semaphore_mem>>) {add = true}
      %dma_wait3A = arith.constant 3456 : i32
      %dma_wait3A_71 = arith.constant 0 : i32
      %dma_wait3A_72 = tpu.memref_slice %arg6[%dma_wait3A, %dma_wait3A_71] : memref<6400x16xf32, #tpu.memory_space<vmem>> -> memref<128x16xf32, #tpu.memory_space<vmem>>
      %dma_wait3A_73 = arith.constant 0 : i32
      %dma_wait3A_74 = tpu.memref_slice %arg7[%run_scoped3A_31, %dma_wait3A_73] : memref<50x128xi32, #tpu.memory_space<vmem>> -> memref<1x128xi32, #tpu.memory_space<vmem>>
      %dma_wait3A_75 = tpu.memref_squeeze %dma_wait3A_74 : memref<1x128xi32, #tpu.memory_space<vmem>> -> memref<128xi32, #tpu.memory_space<vmem>>
      %dma_wait3A_76 = arith.constant 0 : i32
      %dma_wait3A_77 = arith.constant 0 : i32
      %dma_wait3A_78 = tpu.memref_slice %arg9[%dma_wait3A_76, %dma_wait3A_77] : memref<520x16xf32, #tpu.memory_space<vmem_shared>> -> memref<520x16xf32, #tpu.memory_space<vmem_shared>>
      tpu.wait_indirect_dma semaphore(%run_scoped3A_62 : memref<!tpu.dma_semaphore, #tpu.memory_space<semaphore_mem>>) src(%dma_wait3A_72 : memref<128x16xf32, #tpu.memory_space<vmem>>) dst(%dma_wait3A_78 : memref<520x16xf32, #tpu.memory_space<vmem_shared>>)
      tpu.yield
    }) : () -> ()
    %run_scoped3A_32 = arith.constant 28 : i32
    "tpu.region"() ({
      %run_scoped3A_62 = tpu.sem_alloc : memref<!tpu.dma_semaphore, #tpu.memory_space<semaphore_mem>>
      %dma_start3A = arith.constant 3584 : i32
      %dma_start3A_63 = arith.constant 0 : i32
      %dma_start3A_64 = tpu.memref_slice %arg6[%dma_start3A, %dma_start3A_63] : memref<6400x16xf32, #tpu.memory_space<vmem>> -> memref<128x16xf32, #tpu.memory_space<vmem>>
      %dma_start3A_65 = arith.constant 0 : i32
      %dma_start3A_66 = tpu.memref_slice %arg7[%run_scoped3A_32, %dma_start3A_65] : memref<50x128xi32, #tpu.memory_space<vmem>> -> memref<1x128xi32, #tpu.memory_space<vmem>>
      %dma_start3A_67 = tpu.memref_squeeze %dma_start3A_66 : memref<1x128xi32, #tpu.memory_space<vmem>> -> memref<128xi32, #tpu.memory_space<vmem>>
      %dma_start3A_68 = arith.constant 0 : i32
      %dma_start3A_69 = arith.constant 0 : i32
      %dma_start3A_70 = tpu.memref_slice %arg9[%dma_start3A_68, %dma_start3A_69] : memref<520x16xf32, #tpu.memory_space<vmem_shared>> -> memref<520x16xf32, #tpu.memory_space<vmem_shared>>
      tpu.enqueue_indirect_dma source(%dma_start3A_64 : memref<128x16xf32, #tpu.memory_space<vmem>>) target(%dma_start3A_70 : memref<520x16xf32, #tpu.memory_space<vmem_shared>>) offsets(%dma_start3A_67 : memref<128xi32, #tpu.memory_space<vmem>>) semaphore(%run_scoped3A_62 : memref<!tpu.dma_semaphore, #tpu.memory_space<semaphore_mem>>) {add = true}
      %dma_wait3A = arith.constant 3584 : i32
      %dma_wait3A_71 = arith.constant 0 : i32
      %dma_wait3A_72 = tpu.memref_slice %arg6[%dma_wait3A, %dma_wait3A_71] : memref<6400x16xf32, #tpu.memory_space<vmem>> -> memref<128x16xf32, #tpu.memory_space<vmem>>
      %dma_wait3A_73 = arith.constant 0 : i32
      %dma_wait3A_74 = tpu.memref_slice %arg7[%run_scoped3A_32, %dma_wait3A_73] : memref<50x128xi32, #tpu.memory_space<vmem>> -> memref<1x128xi32, #tpu.memory_space<vmem>>
      %dma_wait3A_75 = tpu.memref_squeeze %dma_wait3A_74 : memref<1x128xi32, #tpu.memory_space<vmem>> -> memref<128xi32, #tpu.memory_space<vmem>>
      %dma_wait3A_76 = arith.constant 0 : i32
      %dma_wait3A_77 = arith.constant 0 : i32
      %dma_wait3A_78 = tpu.memref_slice %arg9[%dma_wait3A_76, %dma_wait3A_77] : memref<520x16xf32, #tpu.memory_space<vmem_shared>> -> memref<520x16xf32, #tpu.memory_space<vmem_shared>>
      tpu.wait_indirect_dma semaphore(%run_scoped3A_62 : memref<!tpu.dma_semaphore, #tpu.memory_space<semaphore_mem>>) src(%dma_wait3A_72 : memref<128x16xf32, #tpu.memory_space<vmem>>) dst(%dma_wait3A_78 : memref<520x16xf32, #tpu.memory_space<vmem_shared>>)
      tpu.yield
    }) : () -> ()
    %run_scoped3A_33 = arith.constant 29 : i32
    "tpu.region"() ({
      %run_scoped3A_62 = tpu.sem_alloc : memref<!tpu.dma_semaphore, #tpu.memory_space<semaphore_mem>>
      %dma_start3A = arith.constant 3712 : i32
      %dma_start3A_63 = arith.constant 0 : i32
      %dma_start3A_64 = tpu.memref_slice %arg6[%dma_start3A, %dma_start3A_63] : memref<6400x16xf32, #tpu.memory_space<vmem>> -> memref<128x16xf32, #tpu.memory_space<vmem>>
      %dma_start3A_65 = arith.constant 0 : i32
      %dma_start3A_66 = tpu.memref_slice %arg7[%run_scoped3A_33, %dma_start3A_65] : memref<50x128xi32, #tpu.memory_space<vmem>> -> memref<1x128xi32, #tpu.memory_space<vmem>>
      %dma_start3A_67 = tpu.memref_squeeze %dma_start3A_66 : memref<1x128xi32, #tpu.memory_space<vmem>> -> memref<128xi32, #tpu.memory_space<vmem>>
      %dma_start3A_68 = arith.constant 0 : i32
      %dma_start3A_69 = arith.constant 0 : i32
      %dma_start3A_70 = tpu.memref_slice %arg9[%dma_start3A_68, %dma_start3A_69] : memref<520x16xf32, #tpu.memory_space<vmem_shared>> -> memref<520x16xf32, #tpu.memory_space<vmem_shared>>
      tpu.enqueue_indirect_dma source(%dma_start3A_64 : memref<128x16xf32, #tpu.memory_space<vmem>>) target(%dma_start3A_70 : memref<520x16xf32, #tpu.memory_space<vmem_shared>>) offsets(%dma_start3A_67 : memref<128xi32, #tpu.memory_space<vmem>>) semaphore(%run_scoped3A_62 : memref<!tpu.dma_semaphore, #tpu.memory_space<semaphore_mem>>) {add = true}
      %dma_wait3A = arith.constant 3712 : i32
      %dma_wait3A_71 = arith.constant 0 : i32
      %dma_wait3A_72 = tpu.memref_slice %arg6[%dma_wait3A, %dma_wait3A_71] : memref<6400x16xf32, #tpu.memory_space<vmem>> -> memref<128x16xf32, #tpu.memory_space<vmem>>
      %dma_wait3A_73 = arith.constant 0 : i32
      %dma_wait3A_74 = tpu.memref_slice %arg7[%run_scoped3A_33, %dma_wait3A_73] : memref<50x128xi32, #tpu.memory_space<vmem>> -> memref<1x128xi32, #tpu.memory_space<vmem>>
      %dma_wait3A_75 = tpu.memref_squeeze %dma_wait3A_74 : memref<1x128xi32, #tpu.memory_space<vmem>> -> memref<128xi32, #tpu.memory_space<vmem>>
      %dma_wait3A_76 = arith.constant 0 : i32
      %dma_wait3A_77 = arith.constant 0 : i32
      %dma_wait3A_78 = tpu.memref_slice %arg9[%dma_wait3A_76, %dma_wait3A_77] : memref<520x16xf32, #tpu.memory_space<vmem_shared>> -> memref<520x16xf32, #tpu.memory_space<vmem_shared>>
      tpu.wait_indirect_dma semaphore(%run_scoped3A_62 : memref<!tpu.dma_semaphore, #tpu.memory_space<semaphore_mem>>) src(%dma_wait3A_72 : memref<128x16xf32, #tpu.memory_space<vmem>>) dst(%dma_wait3A_78 : memref<520x16xf32, #tpu.memory_space<vmem_shared>>)
      tpu.yield
    }) : () -> ()
    %run_scoped3A_34 = arith.constant 30 : i32
    "tpu.region"() ({
      %run_scoped3A_62 = tpu.sem_alloc : memref<!tpu.dma_semaphore, #tpu.memory_space<semaphore_mem>>
      %dma_start3A = arith.constant 3840 : i32
      %dma_start3A_63 = arith.constant 0 : i32
      %dma_start3A_64 = tpu.memref_slice %arg6[%dma_start3A, %dma_start3A_63] : memref<6400x16xf32, #tpu.memory_space<vmem>> -> memref<128x16xf32, #tpu.memory_space<vmem>>
      %dma_start3A_65 = arith.constant 0 : i32
      %dma_start3A_66 = tpu.memref_slice %arg7[%run_scoped3A_34, %dma_start3A_65] : memref<50x128xi32, #tpu.memory_space<vmem>> -> memref<1x128xi32, #tpu.memory_space<vmem>>
      %dma_start3A_67 = tpu.memref_squeeze %dma_start3A_66 : memref<1x128xi32, #tpu.memory_space<vmem>> -> memref<128xi32, #tpu.memory_space<vmem>>
      %dma_start3A_68 = arith.constant 0 : i32
      %dma_start3A_69 = arith.constant 0 : i32
      %dma_start3A_70 = tpu.memref_slice %arg9[%dma_start3A_68, %dma_start3A_69] : memref<520x16xf32, #tpu.memory_space<vmem_shared>> -> memref<520x16xf32, #tpu.memory_space<vmem_shared>>
      tpu.enqueue_indirect_dma source(%dma_start3A_64 : memref<128x16xf32, #tpu.memory_space<vmem>>) target(%dma_start3A_70 : memref<520x16xf32, #tpu.memory_space<vmem_shared>>) offsets(%dma_start3A_67 : memref<128xi32, #tpu.memory_space<vmem>>) semaphore(%run_scoped3A_62 : memref<!tpu.dma_semaphore, #tpu.memory_space<semaphore_mem>>) {add = true}
      %dma_wait3A = arith.constant 3840 : i32
      %dma_wait3A_71 = arith.constant 0 : i32
      %dma_wait3A_72 = tpu.memref_slice %arg6[%dma_wait3A, %dma_wait3A_71] : memref<6400x16xf32, #tpu.memory_space<vmem>> -> memref<128x16xf32, #tpu.memory_space<vmem>>
      %dma_wait3A_73 = arith.constant 0 : i32
      %dma_wait3A_74 = tpu.memref_slice %arg7[%run_scoped3A_34, %dma_wait3A_73] : memref<50x128xi32, #tpu.memory_space<vmem>> -> memref<1x128xi32, #tpu.memory_space<vmem>>
      %dma_wait3A_75 = tpu.memref_squeeze %dma_wait3A_74 : memref<1x128xi32, #tpu.memory_space<vmem>> -> memref<128xi32, #tpu.memory_space<vmem>>
      %dma_wait3A_76 = arith.constant 0 : i32
      %dma_wait3A_77 = arith.constant 0 : i32
      %dma_wait3A_78 = tpu.memref_slice %arg9[%dma_wait3A_76, %dma_wait3A_77] : memref<520x16xf32, #tpu.memory_space<vmem_shared>> -> memref<520x16xf32, #tpu.memory_space<vmem_shared>>
      tpu.wait_indirect_dma semaphore(%run_scoped3A_62 : memref<!tpu.dma_semaphore, #tpu.memory_space<semaphore_mem>>) src(%dma_wait3A_72 : memref<128x16xf32, #tpu.memory_space<vmem>>) dst(%dma_wait3A_78 : memref<520x16xf32, #tpu.memory_space<vmem_shared>>)
      tpu.yield
    }) : () -> ()
    %run_scoped3A_35 = arith.constant 31 : i32
    "tpu.region"() ({
      %run_scoped3A_62 = tpu.sem_alloc : memref<!tpu.dma_semaphore, #tpu.memory_space<semaphore_mem>>
      %dma_start3A = arith.constant 3968 : i32
      %dma_start3A_63 = arith.constant 0 : i32
      %dma_start3A_64 = tpu.memref_slice %arg6[%dma_start3A, %dma_start3A_63] : memref<6400x16xf32, #tpu.memory_space<vmem>> -> memref<128x16xf32, #tpu.memory_space<vmem>>
      %dma_start3A_65 = arith.constant 0 : i32
      %dma_start3A_66 = tpu.memref_slice %arg7[%run_scoped3A_35, %dma_start3A_65] : memref<50x128xi32, #tpu.memory_space<vmem>> -> memref<1x128xi32, #tpu.memory_space<vmem>>
      %dma_start3A_67 = tpu.memref_squeeze %dma_start3A_66 : memref<1x128xi32, #tpu.memory_space<vmem>> -> memref<128xi32, #tpu.memory_space<vmem>>
      %dma_start3A_68 = arith.constant 0 : i32
      %dma_start3A_69 = arith.constant 0 : i32
      %dma_start3A_70 = tpu.memref_slice %arg9[%dma_start3A_68, %dma_start3A_69] : memref<520x16xf32, #tpu.memory_space<vmem_shared>> -> memref<520x16xf32, #tpu.memory_space<vmem_shared>>
      tpu.enqueue_indirect_dma source(%dma_start3A_64 : memref<128x16xf32, #tpu.memory_space<vmem>>) target(%dma_start3A_70 : memref<520x16xf32, #tpu.memory_space<vmem_shared>>) offsets(%dma_start3A_67 : memref<128xi32, #tpu.memory_space<vmem>>) semaphore(%run_scoped3A_62 : memref<!tpu.dma_semaphore, #tpu.memory_space<semaphore_mem>>) {add = true}
      %dma_wait3A = arith.constant 3968 : i32
      %dma_wait3A_71 = arith.constant 0 : i32
      %dma_wait3A_72 = tpu.memref_slice %arg6[%dma_wait3A, %dma_wait3A_71] : memref<6400x16xf32, #tpu.memory_space<vmem>> -> memref<128x16xf32, #tpu.memory_space<vmem>>
      %dma_wait3A_73 = arith.constant 0 : i32
      %dma_wait3A_74 = tpu.memref_slice %arg7[%run_scoped3A_35, %dma_wait3A_73] : memref<50x128xi32, #tpu.memory_space<vmem>> -> memref<1x128xi32, #tpu.memory_space<vmem>>
      %dma_wait3A_75 = tpu.memref_squeeze %dma_wait3A_74 : memref<1x128xi32, #tpu.memory_space<vmem>> -> memref<128xi32, #tpu.memory_space<vmem>>
      %dma_wait3A_76 = arith.constant 0 : i32
      %dma_wait3A_77 = arith.constant 0 : i32
      %dma_wait3A_78 = tpu.memref_slice %arg9[%dma_wait3A_76, %dma_wait3A_77] : memref<520x16xf32, #tpu.memory_space<vmem_shared>> -> memref<520x16xf32, #tpu.memory_space<vmem_shared>>
      tpu.wait_indirect_dma semaphore(%run_scoped3A_62 : memref<!tpu.dma_semaphore, #tpu.memory_space<semaphore_mem>>) src(%dma_wait3A_72 : memref<128x16xf32, #tpu.memory_space<vmem>>) dst(%dma_wait3A_78 : memref<520x16xf32, #tpu.memory_space<vmem_shared>>)
      tpu.yield
    }) : () -> ()
    %run_scoped3A_36 = arith.constant 32 : i32
    "tpu.region"() ({
      %run_scoped3A_62 = tpu.sem_alloc : memref<!tpu.dma_semaphore, #tpu.memory_space<semaphore_mem>>
      %dma_start3A = arith.constant 4096 : i32
      %dma_start3A_63 = arith.constant 0 : i32
      %dma_start3A_64 = tpu.memref_slice %arg6[%dma_start3A, %dma_start3A_63] : memref<6400x16xf32, #tpu.memory_space<vmem>> -> memref<128x16xf32, #tpu.memory_space<vmem>>
      %dma_start3A_65 = arith.constant 0 : i32
      %dma_start3A_66 = tpu.memref_slice %arg7[%run_scoped3A_36, %dma_start3A_65] : memref<50x128xi32, #tpu.memory_space<vmem>> -> memref<1x128xi32, #tpu.memory_space<vmem>>
      %dma_start3A_67 = tpu.memref_squeeze %dma_start3A_66 : memref<1x128xi32, #tpu.memory_space<vmem>> -> memref<128xi32, #tpu.memory_space<vmem>>
      %dma_start3A_68 = arith.constant 0 : i32
      %dma_start3A_69 = arith.constant 0 : i32
      %dma_start3A_70 = tpu.memref_slice %arg9[%dma_start3A_68, %dma_start3A_69] : memref<520x16xf32, #tpu.memory_space<vmem_shared>> -> memref<520x16xf32, #tpu.memory_space<vmem_shared>>
      tpu.enqueue_indirect_dma source(%dma_start3A_64 : memref<128x16xf32, #tpu.memory_space<vmem>>) target(%dma_start3A_70 : memref<520x16xf32, #tpu.memory_space<vmem_shared>>) offsets(%dma_start3A_67 : memref<128xi32, #tpu.memory_space<vmem>>) semaphore(%run_scoped3A_62 : memref<!tpu.dma_semaphore, #tpu.memory_space<semaphore_mem>>) {add = true}
      %dma_wait3A = arith.constant 4096 : i32
      %dma_wait3A_71 = arith.constant 0 : i32
      %dma_wait3A_72 = tpu.memref_slice %arg6[%dma_wait3A, %dma_wait3A_71] : memref<6400x16xf32, #tpu.memory_space<vmem>> -> memref<128x16xf32, #tpu.memory_space<vmem>>
      %dma_wait3A_73 = arith.constant 0 : i32
      %dma_wait3A_74 = tpu.memref_slice %arg7[%run_scoped3A_36, %dma_wait3A_73] : memref<50x128xi32, #tpu.memory_space<vmem>> -> memref<1x128xi32, #tpu.memory_space<vmem>>
      %dma_wait3A_75 = tpu.memref_squeeze %dma_wait3A_74 : memref<1x128xi32, #tpu.memory_space<vmem>> -> memref<128xi32, #tpu.memory_space<vmem>>
      %dma_wait3A_76 = arith.constant 0 : i32
      %dma_wait3A_77 = arith.constant 0 : i32
      %dma_wait3A_78 = tpu.memref_slice %arg9[%dma_wait3A_76, %dma_wait3A_77] : memref<520x16xf32, #tpu.memory_space<vmem_shared>> -> memref<520x16xf32, #tpu.memory_space<vmem_shared>>
      tpu.wait_indirect_dma semaphore(%run_scoped3A_62 : memref<!tpu.dma_semaphore, #tpu.memory_space<semaphore_mem>>) src(%dma_wait3A_72 : memref<128x16xf32, #tpu.memory_space<vmem>>) dst(%dma_wait3A_78 : memref<520x16xf32, #tpu.memory_space<vmem_shared>>)
      tpu.yield
    }) : () -> ()
    %run_scoped3A_37 = arith.constant 33 : i32
    "tpu.region"() ({
      %run_scoped3A_62 = tpu.sem_alloc : memref<!tpu.dma_semaphore, #tpu.memory_space<semaphore_mem>>
      %dma_start3A = arith.constant 4224 : i32
      %dma_start3A_63 = arith.constant 0 : i32
      %dma_start3A_64 = tpu.memref_slice %arg6[%dma_start3A, %dma_start3A_63] : memref<6400x16xf32, #tpu.memory_space<vmem>> -> memref<128x16xf32, #tpu.memory_space<vmem>>
      %dma_start3A_65 = arith.constant 0 : i32
      %dma_start3A_66 = tpu.memref_slice %arg7[%run_scoped3A_37, %dma_start3A_65] : memref<50x128xi32, #tpu.memory_space<vmem>> -> memref<1x128xi32, #tpu.memory_space<vmem>>
      %dma_start3A_67 = tpu.memref_squeeze %dma_start3A_66 : memref<1x128xi32, #tpu.memory_space<vmem>> -> memref<128xi32, #tpu.memory_space<vmem>>
      %dma_start3A_68 = arith.constant 0 : i32
      %dma_start3A_69 = arith.constant 0 : i32
      %dma_start3A_70 = tpu.memref_slice %arg9[%dma_start3A_68, %dma_start3A_69] : memref<520x16xf32, #tpu.memory_space<vmem_shared>> -> memref<520x16xf32, #tpu.memory_space<vmem_shared>>
      tpu.enqueue_indirect_dma source(%dma_start3A_64 : memref<128x16xf32, #tpu.memory_space<vmem>>) target(%dma_start3A_70 : memref<520x16xf32, #tpu.memory_space<vmem_shared>>) offsets(%dma_start3A_67 : memref<128xi32, #tpu.memory_space<vmem>>) semaphore(%run_scoped3A_62 : memref<!tpu.dma_semaphore, #tpu.memory_space<semaphore_mem>>) {add = true}
      %dma_wait3A = arith.constant 4224 : i32
      %dma_wait3A_71 = arith.constant 0 : i32
      %dma_wait3A_72 = tpu.memref_slice %arg6[%dma_wait3A, %dma_wait3A_71] : memref<6400x16xf32, #tpu.memory_space<vmem>> -> memref<128x16xf32, #tpu.memory_space<vmem>>
      %dma_wait3A_73 = arith.constant 0 : i32
      %dma_wait3A_74 = tpu.memref_slice %arg7[%run_scoped3A_37, %dma_wait3A_73] : memref<50x128xi32, #tpu.memory_space<vmem>> -> memref<1x128xi32, #tpu.memory_space<vmem>>
      %dma_wait3A_75 = tpu.memref_squeeze %dma_wait3A_74 : memref<1x128xi32, #tpu.memory_space<vmem>> -> memref<128xi32, #tpu.memory_space<vmem>>
      %dma_wait3A_76 = arith.constant 0 : i32
      %dma_wait3A_77 = arith.constant 0 : i32
      %dma_wait3A_78 = tpu.memref_slice %arg9[%dma_wait3A_76, %dma_wait3A_77] : memref<520x16xf32, #tpu.memory_space<vmem_shared>> -> memref<520x16xf32, #tpu.memory_space<vmem_shared>>
      tpu.wait_indirect_dma semaphore(%run_scoped3A_62 : memref<!tpu.dma_semaphore, #tpu.memory_space<semaphore_mem>>) src(%dma_wait3A_72 : memref<128x16xf32, #tpu.memory_space<vmem>>) dst(%dma_wait3A_78 : memref<520x16xf32, #tpu.memory_space<vmem_shared>>)
      tpu.yield
    }) : () -> ()
    %run_scoped3A_38 = arith.constant 34 : i32
    "tpu.region"() ({
      %run_scoped3A_62 = tpu.sem_alloc : memref<!tpu.dma_semaphore, #tpu.memory_space<semaphore_mem>>
      %dma_start3A = arith.constant 4352 : i32
      %dma_start3A_63 = arith.constant 0 : i32
      %dma_start3A_64 = tpu.memref_slice %arg6[%dma_start3A, %dma_start3A_63] : memref<6400x16xf32, #tpu.memory_space<vmem>> -> memref<128x16xf32, #tpu.memory_space<vmem>>
      %dma_start3A_65 = arith.constant 0 : i32
      %dma_start3A_66 = tpu.memref_slice %arg7[%run_scoped3A_38, %dma_start3A_65] : memref<50x128xi32, #tpu.memory_space<vmem>> -> memref<1x128xi32, #tpu.memory_space<vmem>>
      %dma_start3A_67 = tpu.memref_squeeze %dma_start3A_66 : memref<1x128xi32, #tpu.memory_space<vmem>> -> memref<128xi32, #tpu.memory_space<vmem>>
      %dma_start3A_68 = arith.constant 0 : i32
      %dma_start3A_69 = arith.constant 0 : i32
      %dma_start3A_70 = tpu.memref_slice %arg9[%dma_start3A_68, %dma_start3A_69] : memref<520x16xf32, #tpu.memory_space<vmem_shared>> -> memref<520x16xf32, #tpu.memory_space<vmem_shared>>
      tpu.enqueue_indirect_dma source(%dma_start3A_64 : memref<128x16xf32, #tpu.memory_space<vmem>>) target(%dma_start3A_70 : memref<520x16xf32, #tpu.memory_space<vmem_shared>>) offsets(%dma_start3A_67 : memref<128xi32, #tpu.memory_space<vmem>>) semaphore(%run_scoped3A_62 : memref<!tpu.dma_semaphore, #tpu.memory_space<semaphore_mem>>) {add = true}
      %dma_wait3A = arith.constant 4352 : i32
      %dma_wait3A_71 = arith.constant 0 : i32
      %dma_wait3A_72 = tpu.memref_slice %arg6[%dma_wait3A, %dma_wait3A_71] : memref<6400x16xf32, #tpu.memory_space<vmem>> -> memref<128x16xf32, #tpu.memory_space<vmem>>
      %dma_wait3A_73 = arith.constant 0 : i32
      %dma_wait3A_74 = tpu.memref_slice %arg7[%run_scoped3A_38, %dma_wait3A_73] : memref<50x128xi32, #tpu.memory_space<vmem>> -> memref<1x128xi32, #tpu.memory_space<vmem>>
      %dma_wait3A_75 = tpu.memref_squeeze %dma_wait3A_74 : memref<1x128xi32, #tpu.memory_space<vmem>> -> memref<128xi32, #tpu.memory_space<vmem>>
      %dma_wait3A_76 = arith.constant 0 : i32
      %dma_wait3A_77 = arith.constant 0 : i32
      %dma_wait3A_78 = tpu.memref_slice %arg9[%dma_wait3A_76, %dma_wait3A_77] : memref<520x16xf32, #tpu.memory_space<vmem_shared>> -> memref<520x16xf32, #tpu.memory_space<vmem_shared>>
      tpu.wait_indirect_dma semaphore(%run_scoped3A_62 : memref<!tpu.dma_semaphore, #tpu.memory_space<semaphore_mem>>) src(%dma_wait3A_72 : memref<128x16xf32, #tpu.memory_space<vmem>>) dst(%dma_wait3A_78 : memref<520x16xf32, #tpu.memory_space<vmem_shared>>)
      tpu.yield
    }) : () -> ()
    %run_scoped3A_39 = arith.constant 35 : i32
    "tpu.region"() ({
      %run_scoped3A_62 = tpu.sem_alloc : memref<!tpu.dma_semaphore, #tpu.memory_space<semaphore_mem>>
      %dma_start3A = arith.constant 4480 : i32
      %dma_start3A_63 = arith.constant 0 : i32
      %dma_start3A_64 = tpu.memref_slice %arg6[%dma_start3A, %dma_start3A_63] : memref<6400x16xf32, #tpu.memory_space<vmem>> -> memref<128x16xf32, #tpu.memory_space<vmem>>
      %dma_start3A_65 = arith.constant 0 : i32
      %dma_start3A_66 = tpu.memref_slice %arg7[%run_scoped3A_39, %dma_start3A_65] : memref<50x128xi32, #tpu.memory_space<vmem>> -> memref<1x128xi32, #tpu.memory_space<vmem>>
      %dma_start3A_67 = tpu.memref_squeeze %dma_start3A_66 : memref<1x128xi32, #tpu.memory_space<vmem>> -> memref<128xi32, #tpu.memory_space<vmem>>
      %dma_start3A_68 = arith.constant 0 : i32
      %dma_start3A_69 = arith.constant 0 : i32
      %dma_start3A_70 = tpu.memref_slice %arg9[%dma_start3A_68, %dma_start3A_69] : memref<520x16xf32, #tpu.memory_space<vmem_shared>> -> memref<520x16xf32, #tpu.memory_space<vmem_shared>>
      tpu.enqueue_indirect_dma source(%dma_start3A_64 : memref<128x16xf32, #tpu.memory_space<vmem>>) target(%dma_start3A_70 : memref<520x16xf32, #tpu.memory_space<vmem_shared>>) offsets(%dma_start3A_67 : memref<128xi32, #tpu.memory_space<vmem>>) semaphore(%run_scoped3A_62 : memref<!tpu.dma_semaphore, #tpu.memory_space<semaphore_mem>>) {add = true}
      %dma_wait3A = arith.constant 4480 : i32
      %dma_wait3A_71 = arith.constant 0 : i32
      %dma_wait3A_72 = tpu.memref_slice %arg6[%dma_wait3A, %dma_wait3A_71] : memref<6400x16xf32, #tpu.memory_space<vmem>> -> memref<128x16xf32, #tpu.memory_space<vmem>>
      %dma_wait3A_73 = arith.constant 0 : i32
      %dma_wait3A_74 = tpu.memref_slice %arg7[%run_scoped3A_39, %dma_wait3A_73] : memref<50x128xi32, #tpu.memory_space<vmem>> -> memref<1x128xi32, #tpu.memory_space<vmem>>
      %dma_wait3A_75 = tpu.memref_squeeze %dma_wait3A_74 : memref<1x128xi32, #tpu.memory_space<vmem>> -> memref<128xi32, #tpu.memory_space<vmem>>
      %dma_wait3A_76 = arith.constant 0 : i32
      %dma_wait3A_77 = arith.constant 0 : i32
      %dma_wait3A_78 = tpu.memref_slice %arg9[%dma_wait3A_76, %dma_wait3A_77] : memref<520x16xf32, #tpu.memory_space<vmem_shared>> -> memref<520x16xf32, #tpu.memory_space<vmem_shared>>
      tpu.wait_indirect_dma semaphore(%run_scoped3A_62 : memref<!tpu.dma_semaphore, #tpu.memory_space<semaphore_mem>>) src(%dma_wait3A_72 : memref<128x16xf32, #tpu.memory_space<vmem>>) dst(%dma_wait3A_78 : memref<520x16xf32, #tpu.memory_space<vmem_shared>>)
      tpu.yield
    }) : () -> ()
    %run_scoped3A_40 = arith.constant 36 : i32
    "tpu.region"() ({
      %run_scoped3A_62 = tpu.sem_alloc : memref<!tpu.dma_semaphore, #tpu.memory_space<semaphore_mem>>
      %dma_start3A = arith.constant 4608 : i32
      %dma_start3A_63 = arith.constant 0 : i32
      %dma_start3A_64 = tpu.memref_slice %arg6[%dma_start3A, %dma_start3A_63] : memref<6400x16xf32, #tpu.memory_space<vmem>> -> memref<128x16xf32, #tpu.memory_space<vmem>>
      %dma_start3A_65 = arith.constant 0 : i32
      %dma_start3A_66 = tpu.memref_slice %arg7[%run_scoped3A_40, %dma_start3A_65] : memref<50x128xi32, #tpu.memory_space<vmem>> -> memref<1x128xi32, #tpu.memory_space<vmem>>
      %dma_start3A_67 = tpu.memref_squeeze %dma_start3A_66 : memref<1x128xi32, #tpu.memory_space<vmem>> -> memref<128xi32, #tpu.memory_space<vmem>>
      %dma_start3A_68 = arith.constant 0 : i32
      %dma_start3A_69 = arith.constant 0 : i32
      %dma_start3A_70 = tpu.memref_slice %arg9[%dma_start3A_68, %dma_start3A_69] : memref<520x16xf32, #tpu.memory_space<vmem_shared>> -> memref<520x16xf32, #tpu.memory_space<vmem_shared>>
      tpu.enqueue_indirect_dma source(%dma_start3A_64 : memref<128x16xf32, #tpu.memory_space<vmem>>) target(%dma_start3A_70 : memref<520x16xf32, #tpu.memory_space<vmem_shared>>) offsets(%dma_start3A_67 : memref<128xi32, #tpu.memory_space<vmem>>) semaphore(%run_scoped3A_62 : memref<!tpu.dma_semaphore, #tpu.memory_space<semaphore_mem>>) {add = true}
      %dma_wait3A = arith.constant 4608 : i32
      %dma_wait3A_71 = arith.constant 0 : i32
      %dma_wait3A_72 = tpu.memref_slice %arg6[%dma_wait3A, %dma_wait3A_71] : memref<6400x16xf32, #tpu.memory_space<vmem>> -> memref<128x16xf32, #tpu.memory_space<vmem>>
      %dma_wait3A_73 = arith.constant 0 : i32
      %dma_wait3A_74 = tpu.memref_slice %arg7[%run_scoped3A_40, %dma_wait3A_73] : memref<50x128xi32, #tpu.memory_space<vmem>> -> memref<1x128xi32, #tpu.memory_space<vmem>>
      %dma_wait3A_75 = tpu.memref_squeeze %dma_wait3A_74 : memref<1x128xi32, #tpu.memory_space<vmem>> -> memref<128xi32, #tpu.memory_space<vmem>>
      %dma_wait3A_76 = arith.constant 0 : i32
      %dma_wait3A_77 = arith.constant 0 : i32
      %dma_wait3A_78 = tpu.memref_slice %arg9[%dma_wait3A_76, %dma_wait3A_77] : memref<520x16xf32, #tpu.memory_space<vmem_shared>> -> memref<520x16xf32, #tpu.memory_space<vmem_shared>>
      tpu.wait_indirect_dma semaphore(%run_scoped3A_62 : memref<!tpu.dma_semaphore, #tpu.memory_space<semaphore_mem>>) src(%dma_wait3A_72 : memref<128x16xf32, #tpu.memory_space<vmem>>) dst(%dma_wait3A_78 : memref<520x16xf32, #tpu.memory_space<vmem_shared>>)
      tpu.yield
    }) : () -> ()
    %run_scoped3A_41 = arith.constant 37 : i32
    "tpu.region"() ({
      %run_scoped3A_62 = tpu.sem_alloc : memref<!tpu.dma_semaphore, #tpu.memory_space<semaphore_mem>>
      %dma_start3A = arith.constant 4736 : i32
      %dma_start3A_63 = arith.constant 0 : i32
      %dma_start3A_64 = tpu.memref_slice %arg6[%dma_start3A, %dma_start3A_63] : memref<6400x16xf32, #tpu.memory_space<vmem>> -> memref<128x16xf32, #tpu.memory_space<vmem>>
      %dma_start3A_65 = arith.constant 0 : i32
      %dma_start3A_66 = tpu.memref_slice %arg7[%run_scoped3A_41, %dma_start3A_65] : memref<50x128xi32, #tpu.memory_space<vmem>> -> memref<1x128xi32, #tpu.memory_space<vmem>>
      %dma_start3A_67 = tpu.memref_squeeze %dma_start3A_66 : memref<1x128xi32, #tpu.memory_space<vmem>> -> memref<128xi32, #tpu.memory_space<vmem>>
      %dma_start3A_68 = arith.constant 0 : i32
      %dma_start3A_69 = arith.constant 0 : i32
      %dma_start3A_70 = tpu.memref_slice %arg9[%dma_start3A_68, %dma_start3A_69] : memref<520x16xf32, #tpu.memory_space<vmem_shared>> -> memref<520x16xf32, #tpu.memory_space<vmem_shared>>
      tpu.enqueue_indirect_dma source(%dma_start3A_64 : memref<128x16xf32, #tpu.memory_space<vmem>>) target(%dma_start3A_70 : memref<520x16xf32, #tpu.memory_space<vmem_shared>>) offsets(%dma_start3A_67 : memref<128xi32, #tpu.memory_space<vmem>>) semaphore(%run_scoped3A_62 : memref<!tpu.dma_semaphore, #tpu.memory_space<semaphore_mem>>) {add = true}
      %dma_wait3A = arith.constant 4736 : i32
      %dma_wait3A_71 = arith.constant 0 : i32
      %dma_wait3A_72 = tpu.memref_slice %arg6[%dma_wait3A, %dma_wait3A_71] : memref<6400x16xf32, #tpu.memory_space<vmem>> -> memref<128x16xf32, #tpu.memory_space<vmem>>
      %dma_wait3A_73 = arith.constant 0 : i32
      %dma_wait3A_74 = tpu.memref_slice %arg7[%run_scoped3A_41, %dma_wait3A_73] : memref<50x128xi32, #tpu.memory_space<vmem>> -> memref<1x128xi32, #tpu.memory_space<vmem>>
      %dma_wait3A_75 = tpu.memref_squeeze %dma_wait3A_74 : memref<1x128xi32, #tpu.memory_space<vmem>> -> memref<128xi32, #tpu.memory_space<vmem>>
      %dma_wait3A_76 = arith.constant 0 : i32
      %dma_wait3A_77 = arith.constant 0 : i32
      %dma_wait3A_78 = tpu.memref_slice %arg9[%dma_wait3A_76, %dma_wait3A_77] : memref<520x16xf32, #tpu.memory_space<vmem_shared>> -> memref<520x16xf32, #tpu.memory_space<vmem_shared>>
      tpu.wait_indirect_dma semaphore(%run_scoped3A_62 : memref<!tpu.dma_semaphore, #tpu.memory_space<semaphore_mem>>) src(%dma_wait3A_72 : memref<128x16xf32, #tpu.memory_space<vmem>>) dst(%dma_wait3A_78 : memref<520x16xf32, #tpu.memory_space<vmem_shared>>)
      tpu.yield
    }) : () -> ()
    %run_scoped3A_42 = arith.constant 38 : i32
    "tpu.region"() ({
      %run_scoped3A_62 = tpu.sem_alloc : memref<!tpu.dma_semaphore, #tpu.memory_space<semaphore_mem>>
      %dma_start3A = arith.constant 4864 : i32
      %dma_start3A_63 = arith.constant 0 : i32
      %dma_start3A_64 = tpu.memref_slice %arg6[%dma_start3A, %dma_start3A_63] : memref<6400x16xf32, #tpu.memory_space<vmem>> -> memref<128x16xf32, #tpu.memory_space<vmem>>
      %dma_start3A_65 = arith.constant 0 : i32
      %dma_start3A_66 = tpu.memref_slice %arg7[%run_scoped3A_42, %dma_start3A_65] : memref<50x128xi32, #tpu.memory_space<vmem>> -> memref<1x128xi32, #tpu.memory_space<vmem>>
      %dma_start3A_67 = tpu.memref_squeeze %dma_start3A_66 : memref<1x128xi32, #tpu.memory_space<vmem>> -> memref<128xi32, #tpu.memory_space<vmem>>
      %dma_start3A_68 = arith.constant 0 : i32
      %dma_start3A_69 = arith.constant 0 : i32
      %dma_start3A_70 = tpu.memref_slice %arg9[%dma_start3A_68, %dma_start3A_69] : memref<520x16xf32, #tpu.memory_space<vmem_shared>> -> memref<520x16xf32, #tpu.memory_space<vmem_shared>>
      tpu.enqueue_indirect_dma source(%dma_start3A_64 : memref<128x16xf32, #tpu.memory_space<vmem>>) target(%dma_start3A_70 : memref<520x16xf32, #tpu.memory_space<vmem_shared>>) offsets(%dma_start3A_67 : memref<128xi32, #tpu.memory_space<vmem>>) semaphore(%run_scoped3A_62 : memref<!tpu.dma_semaphore, #tpu.memory_space<semaphore_mem>>) {add = true}
      %dma_wait3A = arith.constant 4864 : i32
      %dma_wait3A_71 = arith.constant 0 : i32
      %dma_wait3A_72 = tpu.memref_slice %arg6[%dma_wait3A, %dma_wait3A_71] : memref<6400x16xf32, #tpu.memory_space<vmem>> -> memref<128x16xf32, #tpu.memory_space<vmem>>
      %dma_wait3A_73 = arith.constant 0 : i32
      %dma_wait3A_74 = tpu.memref_slice %arg7[%run_scoped3A_42, %dma_wait3A_73] : memref<50x128xi32, #tpu.memory_space<vmem>> -> memref<1x128xi32, #tpu.memory_space<vmem>>
      %dma_wait3A_75 = tpu.memref_squeeze %dma_wait3A_74 : memref<1x128xi32, #tpu.memory_space<vmem>> -> memref<128xi32, #tpu.memory_space<vmem>>
      %dma_wait3A_76 = arith.constant 0 : i32
      %dma_wait3A_77 = arith.constant 0 : i32
      %dma_wait3A_78 = tpu.memref_slice %arg9[%dma_wait3A_76, %dma_wait3A_77] : memref<520x16xf32, #tpu.memory_space<vmem_shared>> -> memref<520x16xf32, #tpu.memory_space<vmem_shared>>
      tpu.wait_indirect_dma semaphore(%run_scoped3A_62 : memref<!tpu.dma_semaphore, #tpu.memory_space<semaphore_mem>>) src(%dma_wait3A_72 : memref<128x16xf32, #tpu.memory_space<vmem>>) dst(%dma_wait3A_78 : memref<520x16xf32, #tpu.memory_space<vmem_shared>>)
      tpu.yield
    }) : () -> ()
    %run_scoped3A_43 = arith.constant 39 : i32
    "tpu.region"() ({
      %run_scoped3A_62 = tpu.sem_alloc : memref<!tpu.dma_semaphore, #tpu.memory_space<semaphore_mem>>
      %dma_start3A = arith.constant 4992 : i32
      %dma_start3A_63 = arith.constant 0 : i32
      %dma_start3A_64 = tpu.memref_slice %arg6[%dma_start3A, %dma_start3A_63] : memref<6400x16xf32, #tpu.memory_space<vmem>> -> memref<128x16xf32, #tpu.memory_space<vmem>>
      %dma_start3A_65 = arith.constant 0 : i32
      %dma_start3A_66 = tpu.memref_slice %arg7[%run_scoped3A_43, %dma_start3A_65] : memref<50x128xi32, #tpu.memory_space<vmem>> -> memref<1x128xi32, #tpu.memory_space<vmem>>
      %dma_start3A_67 = tpu.memref_squeeze %dma_start3A_66 : memref<1x128xi32, #tpu.memory_space<vmem>> -> memref<128xi32, #tpu.memory_space<vmem>>
      %dma_start3A_68 = arith.constant 0 : i32
      %dma_start3A_69 = arith.constant 0 : i32
      %dma_start3A_70 = tpu.memref_slice %arg9[%dma_start3A_68, %dma_start3A_69] : memref<520x16xf32, #tpu.memory_space<vmem_shared>> -> memref<520x16xf32, #tpu.memory_space<vmem_shared>>
      tpu.enqueue_indirect_dma source(%dma_start3A_64 : memref<128x16xf32, #tpu.memory_space<vmem>>) target(%dma_start3A_70 : memref<520x16xf32, #tpu.memory_space<vmem_shared>>) offsets(%dma_start3A_67 : memref<128xi32, #tpu.memory_space<vmem>>) semaphore(%run_scoped3A_62 : memref<!tpu.dma_semaphore, #tpu.memory_space<semaphore_mem>>) {add = true}
      %dma_wait3A = arith.constant 4992 : i32
      %dma_wait3A_71 = arith.constant 0 : i32
      %dma_wait3A_72 = tpu.memref_slice %arg6[%dma_wait3A, %dma_wait3A_71] : memref<6400x16xf32, #tpu.memory_space<vmem>> -> memref<128x16xf32, #tpu.memory_space<vmem>>
      %dma_wait3A_73 = arith.constant 0 : i32
      %dma_wait3A_74 = tpu.memref_slice %arg7[%run_scoped3A_43, %dma_wait3A_73] : memref<50x128xi32, #tpu.memory_space<vmem>> -> memref<1x128xi32, #tpu.memory_space<vmem>>
      %dma_wait3A_75 = tpu.memref_squeeze %dma_wait3A_74 : memref<1x128xi32, #tpu.memory_space<vmem>> -> memref<128xi32, #tpu.memory_space<vmem>>
      %dma_wait3A_76 = arith.constant 0 : i32
      %dma_wait3A_77 = arith.constant 0 : i32
      %dma_wait3A_78 = tpu.memref_slice %arg9[%dma_wait3A_76, %dma_wait3A_77] : memref<520x16xf32, #tpu.memory_space<vmem_shared>> -> memref<520x16xf32, #tpu.memory_space<vmem_shared>>
      tpu.wait_indirect_dma semaphore(%run_scoped3A_62 : memref<!tpu.dma_semaphore, #tpu.memory_space<semaphore_mem>>) src(%dma_wait3A_72 : memref<128x16xf32, #tpu.memory_space<vmem>>) dst(%dma_wait3A_78 : memref<520x16xf32, #tpu.memory_space<vmem_shared>>)
      tpu.yield
    }) : () -> ()
    %run_scoped3A_44 = arith.constant 40 : i32
    "tpu.region"() ({
      %run_scoped3A_62 = tpu.sem_alloc : memref<!tpu.dma_semaphore, #tpu.memory_space<semaphore_mem>>
      %dma_start3A = arith.constant 5120 : i32
      %dma_start3A_63 = arith.constant 0 : i32
      %dma_start3A_64 = tpu.memref_slice %arg6[%dma_start3A, %dma_start3A_63] : memref<6400x16xf32, #tpu.memory_space<vmem>> -> memref<128x16xf32, #tpu.memory_space<vmem>>
      %dma_start3A_65 = arith.constant 0 : i32
      %dma_start3A_66 = tpu.memref_slice %arg7[%run_scoped3A_44, %dma_start3A_65] : memref<50x128xi32, #tpu.memory_space<vmem>> -> memref<1x128xi32, #tpu.memory_space<vmem>>
      %dma_start3A_67 = tpu.memref_squeeze %dma_start3A_66 : memref<1x128xi32, #tpu.memory_space<vmem>> -> memref<128xi32, #tpu.memory_space<vmem>>
      %dma_start3A_68 = arith.constant 0 : i32
      %dma_start3A_69 = arith.constant 0 : i32
      %dma_start3A_70 = tpu.memref_slice %arg9[%dma_start3A_68, %dma_start3A_69] : memref<520x16xf32, #tpu.memory_space<vmem_shared>> -> memref<520x16xf32, #tpu.memory_space<vmem_shared>>
      tpu.enqueue_indirect_dma source(%dma_start3A_64 : memref<128x16xf32, #tpu.memory_space<vmem>>) target(%dma_start3A_70 : memref<520x16xf32, #tpu.memory_space<vmem_shared>>) offsets(%dma_start3A_67 : memref<128xi32, #tpu.memory_space<vmem>>) semaphore(%run_scoped3A_62 : memref<!tpu.dma_semaphore, #tpu.memory_space<semaphore_mem>>) {add = true}
      %dma_wait3A = arith.constant 5120 : i32
      %dma_wait3A_71 = arith.constant 0 : i32
      %dma_wait3A_72 = tpu.memref_slice %arg6[%dma_wait3A, %dma_wait3A_71] : memref<6400x16xf32, #tpu.memory_space<vmem>> -> memref<128x16xf32, #tpu.memory_space<vmem>>
      %dma_wait3A_73 = arith.constant 0 : i32
      %dma_wait3A_74 = tpu.memref_slice %arg7[%run_scoped3A_44, %dma_wait3A_73] : memref<50x128xi32, #tpu.memory_space<vmem>> -> memref<1x128xi32, #tpu.memory_space<vmem>>
      %dma_wait3A_75 = tpu.memref_squeeze %dma_wait3A_74 : memref<1x128xi32, #tpu.memory_space<vmem>> -> memref<128xi32, #tpu.memory_space<vmem>>
      %dma_wait3A_76 = arith.constant 0 : i32
      %dma_wait3A_77 = arith.constant 0 : i32
      %dma_wait3A_78 = tpu.memref_slice %arg9[%dma_wait3A_76, %dma_wait3A_77] : memref<520x16xf32, #tpu.memory_space<vmem_shared>> -> memref<520x16xf32, #tpu.memory_space<vmem_shared>>
      tpu.wait_indirect_dma semaphore(%run_scoped3A_62 : memref<!tpu.dma_semaphore, #tpu.memory_space<semaphore_mem>>) src(%dma_wait3A_72 : memref<128x16xf32, #tpu.memory_space<vmem>>) dst(%dma_wait3A_78 : memref<520x16xf32, #tpu.memory_space<vmem_shared>>)
      tpu.yield
    }) : () -> ()
    %run_scoped3A_45 = arith.constant 41 : i32
    "tpu.region"() ({
      %run_scoped3A_62 = tpu.sem_alloc : memref<!tpu.dma_semaphore, #tpu.memory_space<semaphore_mem>>
      %dma_start3A = arith.constant 5248 : i32
      %dma_start3A_63 = arith.constant 0 : i32
      %dma_start3A_64 = tpu.memref_slice %arg6[%dma_start3A, %dma_start3A_63] : memref<6400x16xf32, #tpu.memory_space<vmem>> -> memref<128x16xf32, #tpu.memory_space<vmem>>
      %dma_start3A_65 = arith.constant 0 : i32
      %dma_start3A_66 = tpu.memref_slice %arg7[%run_scoped3A_45, %dma_start3A_65] : memref<50x128xi32, #tpu.memory_space<vmem>> -> memref<1x128xi32, #tpu.memory_space<vmem>>
      %dma_start3A_67 = tpu.memref_squeeze %dma_start3A_66 : memref<1x128xi32, #tpu.memory_space<vmem>> -> memref<128xi32, #tpu.memory_space<vmem>>
      %dma_start3A_68 = arith.constant 0 : i32
      %dma_start3A_69 = arith.constant 0 : i32
      %dma_start3A_70 = tpu.memref_slice %arg9[%dma_start3A_68, %dma_start3A_69] : memref<520x16xf32, #tpu.memory_space<vmem_shared>> -> memref<520x16xf32, #tpu.memory_space<vmem_shared>>
      tpu.enqueue_indirect_dma source(%dma_start3A_64 : memref<128x16xf32, #tpu.memory_space<vmem>>) target(%dma_start3A_70 : memref<520x16xf32, #tpu.memory_space<vmem_shared>>) offsets(%dma_start3A_67 : memref<128xi32, #tpu.memory_space<vmem>>) semaphore(%run_scoped3A_62 : memref<!tpu.dma_semaphore, #tpu.memory_space<semaphore_mem>>) {add = true}
      %dma_wait3A = arith.constant 5248 : i32
      %dma_wait3A_71 = arith.constant 0 : i32
      %dma_wait3A_72 = tpu.memref_slice %arg6[%dma_wait3A, %dma_wait3A_71] : memref<6400x16xf32, #tpu.memory_space<vmem>> -> memref<128x16xf32, #tpu.memory_space<vmem>>
      %dma_wait3A_73 = arith.constant 0 : i32
      %dma_wait3A_74 = tpu.memref_slice %arg7[%run_scoped3A_45, %dma_wait3A_73] : memref<50x128xi32, #tpu.memory_space<vmem>> -> memref<1x128xi32, #tpu.memory_space<vmem>>
      %dma_wait3A_75 = tpu.memref_squeeze %dma_wait3A_74 : memref<1x128xi32, #tpu.memory_space<vmem>> -> memref<128xi32, #tpu.memory_space<vmem>>
      %dma_wait3A_76 = arith.constant 0 : i32
      %dma_wait3A_77 = arith.constant 0 : i32
      %dma_wait3A_78 = tpu.memref_slice %arg9[%dma_wait3A_76, %dma_wait3A_77] : memref<520x16xf32, #tpu.memory_space<vmem_shared>> -> memref<520x16xf32, #tpu.memory_space<vmem_shared>>
      tpu.wait_indirect_dma semaphore(%run_scoped3A_62 : memref<!tpu.dma_semaphore, #tpu.memory_space<semaphore_mem>>) src(%dma_wait3A_72 : memref<128x16xf32, #tpu.memory_space<vmem>>) dst(%dma_wait3A_78 : memref<520x16xf32, #tpu.memory_space<vmem_shared>>)
      tpu.yield
    }) : () -> ()
    %run_scoped3A_46 = arith.constant 42 : i32
    "tpu.region"() ({
      %run_scoped3A_62 = tpu.sem_alloc : memref<!tpu.dma_semaphore, #tpu.memory_space<semaphore_mem>>
      %dma_start3A = arith.constant 5376 : i32
      %dma_start3A_63 = arith.constant 0 : i32
      %dma_start3A_64 = tpu.memref_slice %arg6[%dma_start3A, %dma_start3A_63] : memref<6400x16xf32, #tpu.memory_space<vmem>> -> memref<128x16xf32, #tpu.memory_space<vmem>>
      %dma_start3A_65 = arith.constant 0 : i32
      %dma_start3A_66 = tpu.memref_slice %arg7[%run_scoped3A_46, %dma_start3A_65] : memref<50x128xi32, #tpu.memory_space<vmem>> -> memref<1x128xi32, #tpu.memory_space<vmem>>
      %dma_start3A_67 = tpu.memref_squeeze %dma_start3A_66 : memref<1x128xi32, #tpu.memory_space<vmem>> -> memref<128xi32, #tpu.memory_space<vmem>>
      %dma_start3A_68 = arith.constant 0 : i32
      %dma_start3A_69 = arith.constant 0 : i32
      %dma_start3A_70 = tpu.memref_slice %arg9[%dma_start3A_68, %dma_start3A_69] : memref<520x16xf32, #tpu.memory_space<vmem_shared>> -> memref<520x16xf32, #tpu.memory_space<vmem_shared>>
      tpu.enqueue_indirect_dma source(%dma_start3A_64 : memref<128x16xf32, #tpu.memory_space<vmem>>) target(%dma_start3A_70 : memref<520x16xf32, #tpu.memory_space<vmem_shared>>) offsets(%dma_start3A_67 : memref<128xi32, #tpu.memory_space<vmem>>) semaphore(%run_scoped3A_62 : memref<!tpu.dma_semaphore, #tpu.memory_space<semaphore_mem>>) {add = true}
      %dma_wait3A = arith.constant 5376 : i32
      %dma_wait3A_71 = arith.constant 0 : i32
      %dma_wait3A_72 = tpu.memref_slice %arg6[%dma_wait3A, %dma_wait3A_71] : memref<6400x16xf32, #tpu.memory_space<vmem>> -> memref<128x16xf32, #tpu.memory_space<vmem>>
      %dma_wait3A_73 = arith.constant 0 : i32
      %dma_wait3A_74 = tpu.memref_slice %arg7[%run_scoped3A_46, %dma_wait3A_73] : memref<50x128xi32, #tpu.memory_space<vmem>> -> memref<1x128xi32, #tpu.memory_space<vmem>>
      %dma_wait3A_75 = tpu.memref_squeeze %dma_wait3A_74 : memref<1x128xi32, #tpu.memory_space<vmem>> -> memref<128xi32, #tpu.memory_space<vmem>>
      %dma_wait3A_76 = arith.constant 0 : i32
      %dma_wait3A_77 = arith.constant 0 : i32
      %dma_wait3A_78 = tpu.memref_slice %arg9[%dma_wait3A_76, %dma_wait3A_77] : memref<520x16xf32, #tpu.memory_space<vmem_shared>> -> memref<520x16xf32, #tpu.memory_space<vmem_shared>>
      tpu.wait_indirect_dma semaphore(%run_scoped3A_62 : memref<!tpu.dma_semaphore, #tpu.memory_space<semaphore_mem>>) src(%dma_wait3A_72 : memref<128x16xf32, #tpu.memory_space<vmem>>) dst(%dma_wait3A_78 : memref<520x16xf32, #tpu.memory_space<vmem_shared>>)
      tpu.yield
    }) : () -> ()
    %run_scoped3A_47 = arith.constant 43 : i32
    "tpu.region"() ({
      %run_scoped3A_62 = tpu.sem_alloc : memref<!tpu.dma_semaphore, #tpu.memory_space<semaphore_mem>>
      %dma_start3A = arith.constant 5504 : i32
      %dma_start3A_63 = arith.constant 0 : i32
      %dma_start3A_64 = tpu.memref_slice %arg6[%dma_start3A, %dma_start3A_63] : memref<6400x16xf32, #tpu.memory_space<vmem>> -> memref<128x16xf32, #tpu.memory_space<vmem>>
      %dma_start3A_65 = arith.constant 0 : i32
      %dma_start3A_66 = tpu.memref_slice %arg7[%run_scoped3A_47, %dma_start3A_65] : memref<50x128xi32, #tpu.memory_space<vmem>> -> memref<1x128xi32, #tpu.memory_space<vmem>>
      %dma_start3A_67 = tpu.memref_squeeze %dma_start3A_66 : memref<1x128xi32, #tpu.memory_space<vmem>> -> memref<128xi32, #tpu.memory_space<vmem>>
      %dma_start3A_68 = arith.constant 0 : i32
      %dma_start3A_69 = arith.constant 0 : i32
      %dma_start3A_70 = tpu.memref_slice %arg9[%dma_start3A_68, %dma_start3A_69] : memref<520x16xf32, #tpu.memory_space<vmem_shared>> -> memref<520x16xf32, #tpu.memory_space<vmem_shared>>
      tpu.enqueue_indirect_dma source(%dma_start3A_64 : memref<128x16xf32, #tpu.memory_space<vmem>>) target(%dma_start3A_70 : memref<520x16xf32, #tpu.memory_space<vmem_shared>>) offsets(%dma_start3A_67 : memref<128xi32, #tpu.memory_space<vmem>>) semaphore(%run_scoped3A_62 : memref<!tpu.dma_semaphore, #tpu.memory_space<semaphore_mem>>) {add = true}
      %dma_wait3A = arith.constant 5504 : i32
      %dma_wait3A_71 = arith.constant 0 : i32
      %dma_wait3A_72 = tpu.memref_slice %arg6[%dma_wait3A, %dma_wait3A_71] : memref<6400x16xf32, #tpu.memory_space<vmem>> -> memref<128x16xf32, #tpu.memory_space<vmem>>
      %dma_wait3A_73 = arith.constant 0 : i32
      %dma_wait3A_74 = tpu.memref_slice %arg7[%run_scoped3A_47, %dma_wait3A_73] : memref<50x128xi32, #tpu.memory_space<vmem>> -> memref<1x128xi32, #tpu.memory_space<vmem>>
      %dma_wait3A_75 = tpu.memref_squeeze %dma_wait3A_74 : memref<1x128xi32, #tpu.memory_space<vmem>> -> memref<128xi32, #tpu.memory_space<vmem>>
      %dma_wait3A_76 = arith.constant 0 : i32
      %dma_wait3A_77 = arith.constant 0 : i32
      %dma_wait3A_78 = tpu.memref_slice %arg9[%dma_wait3A_76, %dma_wait3A_77] : memref<520x16xf32, #tpu.memory_space<vmem_shared>> -> memref<520x16xf32, #tpu.memory_space<vmem_shared>>
      tpu.wait_indirect_dma semaphore(%run_scoped3A_62 : memref<!tpu.dma_semaphore, #tpu.memory_space<semaphore_mem>>) src(%dma_wait3A_72 : memref<128x16xf32, #tpu.memory_space<vmem>>) dst(%dma_wait3A_78 : memref<520x16xf32, #tpu.memory_space<vmem_shared>>)
      tpu.yield
    }) : () -> ()
    %run_scoped3A_48 = arith.constant 44 : i32
    "tpu.region"() ({
      %run_scoped3A_62 = tpu.sem_alloc : memref<!tpu.dma_semaphore, #tpu.memory_space<semaphore_mem>>
      %dma_start3A = arith.constant 5632 : i32
      %dma_start3A_63 = arith.constant 0 : i32
      %dma_start3A_64 = tpu.memref_slice %arg6[%dma_start3A, %dma_start3A_63] : memref<6400x16xf32, #tpu.memory_space<vmem>> -> memref<128x16xf32, #tpu.memory_space<vmem>>
      %dma_start3A_65 = arith.constant 0 : i32
      %dma_start3A_66 = tpu.memref_slice %arg7[%run_scoped3A_48, %dma_start3A_65] : memref<50x128xi32, #tpu.memory_space<vmem>> -> memref<1x128xi32, #tpu.memory_space<vmem>>
      %dma_start3A_67 = tpu.memref_squeeze %dma_start3A_66 : memref<1x128xi32, #tpu.memory_space<vmem>> -> memref<128xi32, #tpu.memory_space<vmem>>
      %dma_start3A_68 = arith.constant 0 : i32
      %dma_start3A_69 = arith.constant 0 : i32
      %dma_start3A_70 = tpu.memref_slice %arg9[%dma_start3A_68, %dma_start3A_69] : memref<520x16xf32, #tpu.memory_space<vmem_shared>> -> memref<520x16xf32, #tpu.memory_space<vmem_shared>>
      tpu.enqueue_indirect_dma source(%dma_start3A_64 : memref<128x16xf32, #tpu.memory_space<vmem>>) target(%dma_start3A_70 : memref<520x16xf32, #tpu.memory_space<vmem_shared>>) offsets(%dma_start3A_67 : memref<128xi32, #tpu.memory_space<vmem>>) semaphore(%run_scoped3A_62 : memref<!tpu.dma_semaphore, #tpu.memory_space<semaphore_mem>>) {add = true}
      %dma_wait3A = arith.constant 5632 : i32
      %dma_wait3A_71 = arith.constant 0 : i32
      %dma_wait3A_72 = tpu.memref_slice %arg6[%dma_wait3A, %dma_wait3A_71] : memref<6400x16xf32, #tpu.memory_space<vmem>> -> memref<128x16xf32, #tpu.memory_space<vmem>>
      %dma_wait3A_73 = arith.constant 0 : i32
      %dma_wait3A_74 = tpu.memref_slice %arg7[%run_scoped3A_48, %dma_wait3A_73] : memref<50x128xi32, #tpu.memory_space<vmem>> -> memref<1x128xi32, #tpu.memory_space<vmem>>
      %dma_wait3A_75 = tpu.memref_squeeze %dma_wait3A_74 : memref<1x128xi32, #tpu.memory_space<vmem>> -> memref<128xi32, #tpu.memory_space<vmem>>
      %dma_wait3A_76 = arith.constant 0 : i32
      %dma_wait3A_77 = arith.constant 0 : i32
      %dma_wait3A_78 = tpu.memref_slice %arg9[%dma_wait3A_76, %dma_wait3A_77] : memref<520x16xf32, #tpu.memory_space<vmem_shared>> -> memref<520x16xf32, #tpu.memory_space<vmem_shared>>
      tpu.wait_indirect_dma semaphore(%run_scoped3A_62 : memref<!tpu.dma_semaphore, #tpu.memory_space<semaphore_mem>>) src(%dma_wait3A_72 : memref<128x16xf32, #tpu.memory_space<vmem>>) dst(%dma_wait3A_78 : memref<520x16xf32, #tpu.memory_space<vmem_shared>>)
      tpu.yield
    }) : () -> ()
    %run_scoped3A_49 = arith.constant 45 : i32
    "tpu.region"() ({
      %run_scoped3A_62 = tpu.sem_alloc : memref<!tpu.dma_semaphore, #tpu.memory_space<semaphore_mem>>
      %dma_start3A = arith.constant 5760 : i32
      %dma_start3A_63 = arith.constant 0 : i32
      %dma_start3A_64 = tpu.memref_slice %arg6[%dma_start3A, %dma_start3A_63] : memref<6400x16xf32, #tpu.memory_space<vmem>> -> memref<128x16xf32, #tpu.memory_space<vmem>>
      %dma_start3A_65 = arith.constant 0 : i32
      %dma_start3A_66 = tpu.memref_slice %arg7[%run_scoped3A_49, %dma_start3A_65] : memref<50x128xi32, #tpu.memory_space<vmem>> -> memref<1x128xi32, #tpu.memory_space<vmem>>
      %dma_start3A_67 = tpu.memref_squeeze %dma_start3A_66 : memref<1x128xi32, #tpu.memory_space<vmem>> -> memref<128xi32, #tpu.memory_space<vmem>>
      %dma_start3A_68 = arith.constant 0 : i32
      %dma_start3A_69 = arith.constant 0 : i32
      %dma_start3A_70 = tpu.memref_slice %arg9[%dma_start3A_68, %dma_start3A_69] : memref<520x16xf32, #tpu.memory_space<vmem_shared>> -> memref<520x16xf32, #tpu.memory_space<vmem_shared>>
      tpu.enqueue_indirect_dma source(%dma_start3A_64 : memref<128x16xf32, #tpu.memory_space<vmem>>) target(%dma_start3A_70 : memref<520x16xf32, #tpu.memory_space<vmem_shared>>) offsets(%dma_start3A_67 : memref<128xi32, #tpu.memory_space<vmem>>) semaphore(%run_scoped3A_62 : memref<!tpu.dma_semaphore, #tpu.memory_space<semaphore_mem>>) {add = true}
      %dma_wait3A = arith.constant 5760 : i32
      %dma_wait3A_71 = arith.constant 0 : i32
      %dma_wait3A_72 = tpu.memref_slice %arg6[%dma_wait3A, %dma_wait3A_71] : memref<6400x16xf32, #tpu.memory_space<vmem>> -> memref<128x16xf32, #tpu.memory_space<vmem>>
      %dma_wait3A_73 = arith.constant 0 : i32
      %dma_wait3A_74 = tpu.memref_slice %arg7[%run_scoped3A_49, %dma_wait3A_73] : memref<50x128xi32, #tpu.memory_space<vmem>> -> memref<1x128xi32, #tpu.memory_space<vmem>>
      %dma_wait3A_75 = tpu.memref_squeeze %dma_wait3A_74 : memref<1x128xi32, #tpu.memory_space<vmem>> -> memref<128xi32, #tpu.memory_space<vmem>>
      %dma_wait3A_76 = arith.constant 0 : i32
      %dma_wait3A_77 = arith.constant 0 : i32
      %dma_wait3A_78 = tpu.memref_slice %arg9[%dma_wait3A_76, %dma_wait3A_77] : memref<520x16xf32, #tpu.memory_space<vmem_shared>> -> memref<520x16xf32, #tpu.memory_space<vmem_shared>>
      tpu.wait_indirect_dma semaphore(%run_scoped3A_62 : memref<!tpu.dma_semaphore, #tpu.memory_space<semaphore_mem>>) src(%dma_wait3A_72 : memref<128x16xf32, #tpu.memory_space<vmem>>) dst(%dma_wait3A_78 : memref<520x16xf32, #tpu.memory_space<vmem_shared>>)
      tpu.yield
    }) : () -> ()
    %run_scoped3A_50 = arith.constant 46 : i32
    "tpu.region"() ({
      %run_scoped3A_62 = tpu.sem_alloc : memref<!tpu.dma_semaphore, #tpu.memory_space<semaphore_mem>>
      %dma_start3A = arith.constant 5888 : i32
      %dma_start3A_63 = arith.constant 0 : i32
      %dma_start3A_64 = tpu.memref_slice %arg6[%dma_start3A, %dma_start3A_63] : memref<6400x16xf32, #tpu.memory_space<vmem>> -> memref<128x16xf32, #tpu.memory_space<vmem>>
      %dma_start3A_65 = arith.constant 0 : i32
      %dma_start3A_66 = tpu.memref_slice %arg7[%run_scoped3A_50, %dma_start3A_65] : memref<50x128xi32, #tpu.memory_space<vmem>> -> memref<1x128xi32, #tpu.memory_space<vmem>>
      %dma_start3A_67 = tpu.memref_squeeze %dma_start3A_66 : memref<1x128xi32, #tpu.memory_space<vmem>> -> memref<128xi32, #tpu.memory_space<vmem>>
      %dma_start3A_68 = arith.constant 0 : i32
      %dma_start3A_69 = arith.constant 0 : i32
      %dma_start3A_70 = tpu.memref_slice %arg9[%dma_start3A_68, %dma_start3A_69] : memref<520x16xf32, #tpu.memory_space<vmem_shared>> -> memref<520x16xf32, #tpu.memory_space<vmem_shared>>
      tpu.enqueue_indirect_dma source(%dma_start3A_64 : memref<128x16xf32, #tpu.memory_space<vmem>>) target(%dma_start3A_70 : memref<520x16xf32, #tpu.memory_space<vmem_shared>>) offsets(%dma_start3A_67 : memref<128xi32, #tpu.memory_space<vmem>>) semaphore(%run_scoped3A_62 : memref<!tpu.dma_semaphore, #tpu.memory_space<semaphore_mem>>) {add = true}
      %dma_wait3A = arith.constant 5888 : i32
      %dma_wait3A_71 = arith.constant 0 : i32
      %dma_wait3A_72 = tpu.memref_slice %arg6[%dma_wait3A, %dma_wait3A_71] : memref<6400x16xf32, #tpu.memory_space<vmem>> -> memref<128x16xf32, #tpu.memory_space<vmem>>
      %dma_wait3A_73 = arith.constant 0 : i32
      %dma_wait3A_74 = tpu.memref_slice %arg7[%run_scoped3A_50, %dma_wait3A_73] : memref<50x128xi32, #tpu.memory_space<vmem>> -> memref<1x128xi32, #tpu.memory_space<vmem>>
      %dma_wait3A_75 = tpu.memref_squeeze %dma_wait3A_74 : memref<1x128xi32, #tpu.memory_space<vmem>> -> memref<128xi32, #tpu.memory_space<vmem>>
      %dma_wait3A_76 = arith.constant 0 : i32
      %dma_wait3A_77 = arith.constant 0 : i32
      %dma_wait3A_78 = tpu.memref_slice %arg9[%dma_wait3A_76, %dma_wait3A_77] : memref<520x16xf32, #tpu.memory_space<vmem_shared>> -> memref<520x16xf32, #tpu.memory_space<vmem_shared>>
      tpu.wait_indirect_dma semaphore(%run_scoped3A_62 : memref<!tpu.dma_semaphore, #tpu.memory_space<semaphore_mem>>) src(%dma_wait3A_72 : memref<128x16xf32, #tpu.memory_space<vmem>>) dst(%dma_wait3A_78 : memref<520x16xf32, #tpu.memory_space<vmem_shared>>)
      tpu.yield
    }) : () -> ()
    %run_scoped3A_51 = arith.constant 47 : i32
    "tpu.region"() ({
      %run_scoped3A_62 = tpu.sem_alloc : memref<!tpu.dma_semaphore, #tpu.memory_space<semaphore_mem>>
      %dma_start3A = arith.constant 6016 : i32
      %dma_start3A_63 = arith.constant 0 : i32
      %dma_start3A_64 = tpu.memref_slice %arg6[%dma_start3A, %dma_start3A_63] : memref<6400x16xf32, #tpu.memory_space<vmem>> -> memref<128x16xf32, #tpu.memory_space<vmem>>
      %dma_start3A_65 = arith.constant 0 : i32
      %dma_start3A_66 = tpu.memref_slice %arg7[%run_scoped3A_51, %dma_start3A_65] : memref<50x128xi32, #tpu.memory_space<vmem>> -> memref<1x128xi32, #tpu.memory_space<vmem>>
      %dma_start3A_67 = tpu.memref_squeeze %dma_start3A_66 : memref<1x128xi32, #tpu.memory_space<vmem>> -> memref<128xi32, #tpu.memory_space<vmem>>
      %dma_start3A_68 = arith.constant 0 : i32
      %dma_start3A_69 = arith.constant 0 : i32
      %dma_start3A_70 = tpu.memref_slice %arg9[%dma_start3A_68, %dma_start3A_69] : memref<520x16xf32, #tpu.memory_space<vmem_shared>> -> memref<520x16xf32, #tpu.memory_space<vmem_shared>>
      tpu.enqueue_indirect_dma source(%dma_start3A_64 : memref<128x16xf32, #tpu.memory_space<vmem>>) target(%dma_start3A_70 : memref<520x16xf32, #tpu.memory_space<vmem_shared>>) offsets(%dma_start3A_67 : memref<128xi32, #tpu.memory_space<vmem>>) semaphore(%run_scoped3A_62 : memref<!tpu.dma_semaphore, #tpu.memory_space<semaphore_mem>>) {add = true}
      %dma_wait3A = arith.constant 6016 : i32
      %dma_wait3A_71 = arith.constant 0 : i32
      %dma_wait3A_72 = tpu.memref_slice %arg6[%dma_wait3A, %dma_wait3A_71] : memref<6400x16xf32, #tpu.memory_space<vmem>> -> memref<128x16xf32, #tpu.memory_space<vmem>>
      %dma_wait3A_73 = arith.constant 0 : i32
      %dma_wait3A_74 = tpu.memref_slice %arg7[%run_scoped3A_51, %dma_wait3A_73] : memref<50x128xi32, #tpu.memory_space<vmem>> -> memref<1x128xi32, #tpu.memory_space<vmem>>
      %dma_wait3A_75 = tpu.memref_squeeze %dma_wait3A_74 : memref<1x128xi32, #tpu.memory_space<vmem>> -> memref<128xi32, #tpu.memory_space<vmem>>
      %dma_wait3A_76 = arith.constant 0 : i32
      %dma_wait3A_77 = arith.constant 0 : i32
      %dma_wait3A_78 = tpu.memref_slice %arg9[%dma_wait3A_76, %dma_wait3A_77] : memref<520x16xf32, #tpu.memory_space<vmem_shared>> -> memref<520x16xf32, #tpu.memory_space<vmem_shared>>
      tpu.wait_indirect_dma semaphore(%run_scoped3A_62 : memref<!tpu.dma_semaphore, #tpu.memory_space<semaphore_mem>>) src(%dma_wait3A_72 : memref<128x16xf32, #tpu.memory_space<vmem>>) dst(%dma_wait3A_78 : memref<520x16xf32, #tpu.memory_space<vmem_shared>>)
      tpu.yield
    }) : () -> ()
    %run_scoped3A_52 = arith.constant 48 : i32
    "tpu.region"() ({
      %run_scoped3A_62 = tpu.sem_alloc : memref<!tpu.dma_semaphore, #tpu.memory_space<semaphore_mem>>
      %dma_start3A = arith.constant 6144 : i32
      %dma_start3A_63 = arith.constant 0 : i32
      %dma_start3A_64 = tpu.memref_slice %arg6[%dma_start3A, %dma_start3A_63] : memref<6400x16xf32, #tpu.memory_space<vmem>> -> memref<128x16xf32, #tpu.memory_space<vmem>>
      %dma_start3A_65 = arith.constant 0 : i32
      %dma_start3A_66 = tpu.memref_slice %arg7[%run_scoped3A_52, %dma_start3A_65] : memref<50x128xi32, #tpu.memory_space<vmem>> -> memref<1x128xi32, #tpu.memory_space<vmem>>
      %dma_start3A_67 = tpu.memref_squeeze %dma_start3A_66 : memref<1x128xi32, #tpu.memory_space<vmem>> -> memref<128xi32, #tpu.memory_space<vmem>>
      %dma_start3A_68 = arith.constant 0 : i32
      %dma_start3A_69 = arith.constant 0 : i32
      %dma_start3A_70 = tpu.memref_slice %arg9[%dma_start3A_68, %dma_start3A_69] : memref<520x16xf32, #tpu.memory_space<vmem_shared>> -> memref<520x16xf32, #tpu.memory_space<vmem_shared>>
      tpu.enqueue_indirect_dma source(%dma_start3A_64 : memref<128x16xf32, #tpu.memory_space<vmem>>) target(%dma_start3A_70 : memref<520x16xf32, #tpu.memory_space<vmem_shared>>) offsets(%dma_start3A_67 : memref<128xi32, #tpu.memory_space<vmem>>) semaphore(%run_scoped3A_62 : memref<!tpu.dma_semaphore, #tpu.memory_space<semaphore_mem>>) {add = true}
      %dma_wait3A = arith.constant 6144 : i32
      %dma_wait3A_71 = arith.constant 0 : i32
      %dma_wait3A_72 = tpu.memref_slice %arg6[%dma_wait3A, %dma_wait3A_71] : memref<6400x16xf32, #tpu.memory_space<vmem>> -> memref<128x16xf32, #tpu.memory_space<vmem>>
      %dma_wait3A_73 = arith.constant 0 : i32
      %dma_wait3A_74 = tpu.memref_slice %arg7[%run_scoped3A_52, %dma_wait3A_73] : memref<50x128xi32, #tpu.memory_space<vmem>> -> memref<1x128xi32, #tpu.memory_space<vmem>>
      %dma_wait3A_75 = tpu.memref_squeeze %dma_wait3A_74 : memref<1x128xi32, #tpu.memory_space<vmem>> -> memref<128xi32, #tpu.memory_space<vmem>>
      %dma_wait3A_76 = arith.constant 0 : i32
      %dma_wait3A_77 = arith.constant 0 : i32
      %dma_wait3A_78 = tpu.memref_slice %arg9[%dma_wait3A_76, %dma_wait3A_77] : memref<520x16xf32, #tpu.memory_space<vmem_shared>> -> memref<520x16xf32, #tpu.memory_space<vmem_shared>>
      tpu.wait_indirect_dma semaphore(%run_scoped3A_62 : memref<!tpu.dma_semaphore, #tpu.memory_space<semaphore_mem>>) src(%dma_wait3A_72 : memref<128x16xf32, #tpu.memory_space<vmem>>) dst(%dma_wait3A_78 : memref<520x16xf32, #tpu.memory_space<vmem_shared>>)
      tpu.yield
    }) : () -> ()
    %run_scoped3A_53 = arith.constant 49 : i32
    "tpu.region"() ({
      %run_scoped3A_62 = tpu.sem_alloc : memref<!tpu.dma_semaphore, #tpu.memory_space<semaphore_mem>>
      %dma_start3A = arith.constant 6272 : i32
      %dma_start3A_63 = arith.constant 0 : i32
      %dma_start3A_64 = tpu.memref_slice %arg6[%dma_start3A, %dma_start3A_63] : memref<6400x16xf32, #tpu.memory_space<vmem>> -> memref<128x16xf32, #tpu.memory_space<vmem>>
      %dma_start3A_65 = arith.constant 0 : i32
      %dma_start3A_66 = tpu.memref_slice %arg7[%run_scoped3A_53, %dma_start3A_65] : memref<50x128xi32, #tpu.memory_space<vmem>> -> memref<1x128xi32, #tpu.memory_space<vmem>>
      %dma_start3A_67 = tpu.memref_squeeze %dma_start3A_66 : memref<1x128xi32, #tpu.memory_space<vmem>> -> memref<128xi32, #tpu.memory_space<vmem>>
      %dma_start3A_68 = arith.constant 0 : i32
      %dma_start3A_69 = arith.constant 0 : i32
      %dma_start3A_70 = tpu.memref_slice %arg9[%dma_start3A_68, %dma_start3A_69] : memref<520x16xf32, #tpu.memory_space<vmem_shared>> -> memref<520x16xf32, #tpu.memory_space<vmem_shared>>
      tpu.enqueue_indirect_dma source(%dma_start3A_64 : memref<128x16xf32, #tpu.memory_space<vmem>>) target(%dma_start3A_70 : memref<520x16xf32, #tpu.memory_space<vmem_shared>>) offsets(%dma_start3A_67 : memref<128xi32, #tpu.memory_space<vmem>>) semaphore(%run_scoped3A_62 : memref<!tpu.dma_semaphore, #tpu.memory_space<semaphore_mem>>) {add = true}
      %dma_wait3A = arith.constant 6272 : i32
      %dma_wait3A_71 = arith.constant 0 : i32
      %dma_wait3A_72 = tpu.memref_slice %arg6[%dma_wait3A, %dma_wait3A_71] : memref<6400x16xf32, #tpu.memory_space<vmem>> -> memref<128x16xf32, #tpu.memory_space<vmem>>
      %dma_wait3A_73 = arith.constant 0 : i32
      %dma_wait3A_74 = tpu.memref_slice %arg7[%run_scoped3A_53, %dma_wait3A_73] : memref<50x128xi32, #tpu.memory_space<vmem>> -> memref<1x128xi32, #tpu.memory_space<vmem>>
      %dma_wait3A_75 = tpu.memref_squeeze %dma_wait3A_74 : memref<1x128xi32, #tpu.memory_space<vmem>> -> memref<128xi32, #tpu.memory_space<vmem>>
      %dma_wait3A_76 = arith.constant 0 : i32
      %dma_wait3A_77 = arith.constant 0 : i32
      %dma_wait3A_78 = tpu.memref_slice %arg9[%dma_wait3A_76, %dma_wait3A_77] : memref<520x16xf32, #tpu.memory_space<vmem_shared>> -> memref<520x16xf32, #tpu.memory_space<vmem_shared>>
      tpu.wait_indirect_dma semaphore(%run_scoped3A_62 : memref<!tpu.dma_semaphore, #tpu.memory_space<semaphore_mem>>) src(%dma_wait3A_72 : memref<128x16xf32, #tpu.memory_space<vmem>>) dst(%dma_wait3A_78 : memref<520x16xf32, #tpu.memory_space<vmem_shared>>)
      tpu.yield
    }) : () -> ()
    %barrier3A_54 = arith.constant 0 : index
    tpu.barrier barrier_id(%barrier3A_54)
    %mul3A_55 = arith.constant 33 : i32
    %mul3A_56 = arith.muli %arg1, %mul3A_55 : i32
    %min3A = arith.constant 487 : i32
    %min3A_57 = arith.minsi %mul3A_56, %min3A : i32
    "tpu.region"() ({
      %run_scoped3A_62 = tpu.sem_alloc : memref<!tpu.dma_semaphore, #tpu.memory_space<semaphore_mem>>
      %dma_start3A = arith.constant 0 : i32
      %dma_start3A_63 = tpu.memref_slice %arg9[%min3A_57, %dma_start3A] : memref<520x16xf32, #tpu.memory_space<vmem_shared>> -> memref<33x16xf32, #tpu.memory_space<vmem_shared>>
      %dma_start3A_64 = arith.constant 0 : i32
      %dma_start3A_65 = tpu.memref_slice %arg9[%min3A_57, %dma_start3A_64] : memref<520x16xf32, #tpu.memory_space<vmem_shared>> -> memref<33x16xf32, #tpu.memory_space<vmem_shared>>
      tpu.enqueue_dma source(%dma_start3A_65 : memref<33x16xf32, #tpu.memory_space<vmem_shared>>) target(%arg8 : memref<33x16xf32, #tpu.memory_space<vmem>>) target_semaphore(%run_scoped3A_62 : memref<!tpu.dma_semaphore, #tpu.memory_space<semaphore_mem>>)
      %dma_wait3A = arith.constant 0 : i32
      %dma_wait3A_66 = tpu.memref_slice %arg9[%min3A_57, %dma_wait3A] : memref<520x16xf32, #tpu.memory_space<vmem_shared>> -> memref<33x16xf32, #tpu.memory_space<vmem_shared>>
      %dma_wait3A_67 = arith.constant 0 : i32
      %dma_wait3A_68 = tpu.memref_slice %arg9[%min3A_57, %dma_wait3A_67] : memref<520x16xf32, #tpu.memory_space<vmem_shared>> -> memref<33x16xf32, #tpu.memory_space<vmem_shared>>
      tpu.wait_dma2 semaphore(%run_scoped3A_62 : memref<!tpu.dma_semaphore, #tpu.memory_space<semaphore_mem>>) src(%dma_wait3A_68 : memref<33x16xf32, #tpu.memory_space<vmem_shared>>) dst(%arg8 : memref<33x16xf32, #tpu.memory_space<vmem>>)
      tpu.yield
    }) : () -> ()
    %scan3A = arith.constant 0 : i32
    %scan3A_58 = arith.constant 33 : i32
    %scan3A_59 = arith.addi %scan3A, %scan3A_58 : i32
    %scan3A_60 = arith.constant 1 : i32
    scf.for %scan3A_62 = %scan3A to %scan3A_59 step %scan3A_60  : i32 {
      %get3A = arith.index_cast %scan3A_62 : i32 to index
      %get3A_63 = arith.constant 0 : index
      %get3A_64 = tpu.vector_load %arg8[%get3A, %get3A_63] {strides = array<i32>} : memref<33x16xf32, #tpu.memory_space<vmem>>, vector<1x16xf32>,
      %get3A_65 = vector.shape_cast %get3A_64 : vector<1x16xf32> to vector<16xf32>
      %slice3A = vector.extract_strided_slice %get3A_65 {offsets = [6], sizes = [1], strides = [1]} : vector<16xf32> to vector<1xf32>
      %squeeze3A = vector.extract %slice3A[0] : f32 from vector<1xf32>
      %max3A = arith.constant 1.000000e+00 : f32
      %max3A_66 = arith.maximumf %squeeze3A, %max3A : f32
      %broadcast_in_dim3A = vector.broadcast %max3A_66 : f32 to vector<16xf32>
      %div3A = arith.divf %get3A_65, %broadcast_in_dim3A : vector<16xf32>
      %swap3A = arith.index_cast %scan3A_62 : i32 to index
      %swap3A_67 = arith.constant 0 : index
      %swap3A_68 = tpu.vector_load %arg8[%swap3A, %swap3A_67] {strides = array<i32>} : memref<33x16xf32, #tpu.memory_space<vmem>>, vector<1x16xf32>,
      %swap3A_69 = vector.shape_cast %swap3A_68 : vector<1x16xf32> to vector<16xf32>
      %swap3A_70 = vector.shape_cast %div3A : vector<16xf32> to vector<1x16xf32>
      tpu.vector_store %arg8[%swap3A, %swap3A_67], %swap3A_70 {strides = array<i32>} : memref<33x16xf32, #tpu.memory_space<vmem>>, vector<1x16xf32>,
    }
    %scan3A_61 = arith.constant 33 : i32
    "tpu.region"() ({
      %run_scoped3A_62 = tpu.sem_alloc : memref<!tpu.dma_semaphore, #tpu.memory_space<semaphore_mem>>
      %dma_start3A = arith.constant 0 : i32
      %dma_start3A_63 = tpu.memref_slice %arg5[%min3A_57, %dma_start3A] : memref<520x16xf32, #tpu.memory_space<hbm>> -> memref<33x16xf32, #tpu.memory_space<hbm>>
      %dma_start3A_64 = arith.constant 0 : i32
      %dma_start3A_65 = tpu.memref_slice %arg5[%min3A_57, %dma_start3A_64] : memref<520x16xf32, #tpu.memory_space<hbm>> -> memref<33x16xf32, #tpu.memory_space<hbm>>
      tpu.enqueue_dma source(%arg8 : memref<33x16xf32, #tpu.memory_space<vmem>>) target(%dma_start3A_65 : memref<33x16xf32, #tpu.memory_space<hbm>>) target_semaphore(%run_scoped3A_62 : memref<!tpu.dma_semaphore, #tpu.memory_space<semaphore_mem>>)
      %dma_wait3A = arith.constant 0 : i32
      %dma_wait3A_66 = tpu.memref_slice %arg5[%min3A_57, %dma_wait3A] : memref<520x16xf32, #tpu.memory_space<hbm>> -> memref<33x16xf32, #tpu.memory_space<hbm>>
      %dma_wait3A_67 = arith.constant 0 : i32
      %dma_wait3A_68 = tpu.memref_slice %arg5[%min3A_57, %dma_wait3A_67] : memref<520x16xf32, #tpu.memory_space<hbm>> -> memref<33x16xf32, #tpu.memory_space<hbm>>
      tpu.wait_dma2 semaphore(%run_scoped3A_62 : memref<!tpu.dma_semaphore, #tpu.memory_space<semaphore_mem>>) src(%arg8 : memref<33x16xf32, #tpu.memory_space<vmem>>) dst(%dma_wait3A_68 : memref<33x16xf32, #tpu.memory_space<hbm>>)
      tpu.yield
    }) : () -> ()
    return
  }
}

#map = affine_map<(d0, d1) -> (0, 0)>
module attributes {stable_mosaic.version = 14 : i64} {
  func.func @_center_body(%arg0: i32, %arg1: i32, %arg2: memref<102400x16xf32, #tpu.memory_space<hbm>>, %arg3: memref<800x128xi32, #tpu.memory_space<hbm>>, %arg4: memref<520x16xf32, #tpu.memory_space<hbm>>, %arg5: memref<102400x16xf32, #tpu.memory_space<hbm>>, %arg6: memref<3200x16xf32, #tpu.memory_space<vmem>>, %arg7: memref<3200x16xf32, #tpu.memory_space<vmem>>, %arg8: memref<25x128xi32, #tpu.memory_space<vmem>>, %arg9: memref<!tpu.dma_semaphore, #tpu.memory_space<semaphore_mem>>) attributes {dimension_semantics = [#tpu.dimension_semantics<core_parallel>, #tpu.dimension_semantics<subcore_parallel>], iteration_bounds = array<i64: 2, 16>, scalar_prefetch = 0 : i64, scratch_operands = 4 : i64, tpu.core_type = #tpu.core_type<sc_vector_subcore>, window_params = [{transform_indices = #map}, {transform_indices = #map}, {transform_indices = #map}, {transform_indices = #map}]} {
    %mul3A = arith.constant 16 : i32
    %mul3A_0 = arith.muli %arg0, %mul3A : i32
    %add3A = arith.addi %mul3A_0, %arg1 : i32
    %mul3A_1 = arith.constant 3200 : i32
    %mul3A_2 = arith.muli %add3A, %mul3A_1 : i32
    "tpu.region"() ({
      %run_scoped3A = tpu.sem_alloc : memref<!tpu.dma_semaphore, #tpu.memory_space<semaphore_mem>>
      %dma_start3A_507 = arith.constant 0 : i32
      %dma_start3A_508 = tpu.memref_slice %arg2[%mul3A_2, %dma_start3A_507] : memref<102400x16xf32, #tpu.memory_space<hbm>> -> memref<3200x16xf32, #tpu.memory_space<hbm>>
      %dma_start3A_509 = arith.constant 0 : i32
      %dma_start3A_510 = tpu.memref_slice %arg2[%mul3A_2, %dma_start3A_509] : memref<102400x16xf32, #tpu.memory_space<hbm>> -> memref<3200x16xf32, #tpu.memory_space<hbm>>
      tpu.enqueue_dma source(%dma_start3A_510 : memref<3200x16xf32, #tpu.memory_space<hbm>>) target(%arg6 : memref<3200x16xf32, #tpu.memory_space<vmem>>) target_semaphore(%run_scoped3A : memref<!tpu.dma_semaphore, #tpu.memory_space<semaphore_mem>>)
      %dma_wait3A_511 = arith.constant 0 : i32
      %dma_wait3A_512 = tpu.memref_slice %arg2[%mul3A_2, %dma_wait3A_511] : memref<102400x16xf32, #tpu.memory_space<hbm>> -> memref<3200x16xf32, #tpu.memory_space<hbm>>
      %dma_wait3A_513 = arith.constant 0 : i32
      %dma_wait3A_514 = tpu.memref_slice %arg2[%mul3A_2, %dma_wait3A_513] : memref<102400x16xf32, #tpu.memory_space<hbm>> -> memref<3200x16xf32, #tpu.memory_space<hbm>>
      tpu.wait_dma2 semaphore(%run_scoped3A : memref<!tpu.dma_semaphore, #tpu.memory_space<semaphore_mem>>) src(%dma_wait3A_514 : memref<3200x16xf32, #tpu.memory_space<hbm>>) dst(%arg6 : memref<3200x16xf32, #tpu.memory_space<vmem>>)
      tpu.yield
    }) : () -> ()
    %mul3A_3 = arith.constant 25 : i32
    %mul3A_4 = arith.muli %add3A, %mul3A_3 : i32
    "tpu.region"() ({
      %run_scoped3A = tpu.sem_alloc : memref<!tpu.dma_semaphore, #tpu.memory_space<semaphore_mem>>
      %dma_start3A_507 = arith.constant 0 : i32
      %dma_start3A_508 = tpu.memref_slice %arg3[%mul3A_4, %dma_start3A_507] : memref<800x128xi32, #tpu.memory_space<hbm>> -> memref<25x128xi32, #tpu.memory_space<hbm>>
      %dma_start3A_509 = arith.constant 0 : i32
      %dma_start3A_510 = tpu.memref_slice %arg3[%mul3A_4, %dma_start3A_509] : memref<800x128xi32, #tpu.memory_space<hbm>> -> memref<25x128xi32, #tpu.memory_space<hbm>>
      tpu.enqueue_dma source(%dma_start3A_510 : memref<25x128xi32, #tpu.memory_space<hbm>>) target(%arg8 : memref<25x128xi32, #tpu.memory_space<vmem>>) target_semaphore(%run_scoped3A : memref<!tpu.dma_semaphore, #tpu.memory_space<semaphore_mem>>)
      %dma_wait3A_511 = arith.constant 0 : i32
      %dma_wait3A_512 = tpu.memref_slice %arg3[%mul3A_4, %dma_wait3A_511] : memref<800x128xi32, #tpu.memory_space<hbm>> -> memref<25x128xi32, #tpu.memory_space<hbm>>
      %dma_wait3A_513 = arith.constant 0 : i32
      %dma_wait3A_514 = tpu.memref_slice %arg3[%mul3A_4, %dma_wait3A_513] : memref<800x128xi32, #tpu.memory_space<hbm>> -> memref<25x128xi32, #tpu.memory_space<hbm>>
      tpu.wait_dma2 semaphore(%run_scoped3A : memref<!tpu.dma_semaphore, #tpu.memory_space<semaphore_mem>>) src(%dma_wait3A_514 : memref<25x128xi32, #tpu.memory_space<hbm>>) dst(%arg8 : memref<25x128xi32, #tpu.memory_space<vmem>>)
      tpu.yield
    }) : () -> ()
    %dma_start3A = arith.constant 0 : i32
    %dma_start3A_5 = arith.constant 0 : i32
    %dma_start3A_6 = arith.constant 0 : i32
    %dma_start3A_7 = tpu.memref_slice %arg7[%dma_start3A_5, %dma_start3A_6] : memref<3200x16xf32, #tpu.memory_space<vmem>> -> memref<128x16xf32, #tpu.memory_space<vmem>>
    %dma_start3A_8 = arith.constant 0 : i32
    %dma_start3A_9 = tpu.memref_slice %arg8[%dma_start3A, %dma_start3A_8] : memref<25x128xi32, #tpu.memory_space<vmem>> -> memref<1x128xi32, #tpu.memory_space<vmem>>
    %dma_start3A_10 = tpu.memref_squeeze %dma_start3A_9 : memref<1x128xi32, #tpu.memory_space<vmem>> -> memref<128xi32, #tpu.memory_space<vmem>>
    %dma_start3A_11 = arith.constant 0 : i32
    %dma_start3A_12 = arith.constant 0 : i32
    %dma_start3A_13 = tpu.memref_slice %arg4[%dma_start3A_11, %dma_start3A_12] : memref<520x16xf32, #tpu.memory_space<hbm>> -> memref<520x16xf32, #tpu.memory_space<hbm>>
    tpu.enqueue_indirect_dma source(%dma_start3A_13 : memref<520x16xf32, #tpu.memory_space<hbm>>) target(%dma_start3A_7 : memref<128x16xf32, #tpu.memory_space<vmem>>) offsets(%dma_start3A_10 : memref<128xi32, #tpu.memory_space<vmem>>) semaphore(%arg9 : memref<!tpu.dma_semaphore, #tpu.memory_space<semaphore_mem>>)
    %dma_start3A_14 = arith.constant 1 : i32
    %dma_start3A_15 = arith.constant 128 : i32
    %dma_start3A_16 = arith.constant 0 : i32
    %dma_start3A_17 = tpu.memref_slice %arg7[%dma_start3A_15, %dma_start3A_16] : memref<3200x16xf32, #tpu.memory_space<vmem>> -> memref<128x16xf32, #tpu.memory_space<vmem>>
    %dma_start3A_18 = arith.constant 0 : i32
    %dma_start3A_19 = tpu.memref_slice %arg8[%dma_start3A_14, %dma_start3A_18] : memref<25x128xi32, #tpu.memory_space<vmem>> -> memref<1x128xi32, #tpu.memory_space<vmem>>
    %dma_start3A_20 = tpu.memref_squeeze %dma_start3A_19 : memref<1x128xi32, #tpu.memory_space<vmem>> -> memref<128xi32, #tpu.memory_space<vmem>>
    %dma_start3A_21 = arith.constant 0 : i32
    %dma_start3A_22 = arith.constant 0 : i32
    %dma_start3A_23 = tpu.memref_slice %arg4[%dma_start3A_21, %dma_start3A_22] : memref<520x16xf32, #tpu.memory_space<hbm>> -> memref<520x16xf32, #tpu.memory_space<hbm>>
    tpu.enqueue_indirect_dma source(%dma_start3A_23 : memref<520x16xf32, #tpu.memory_space<hbm>>) target(%dma_start3A_17 : memref<128x16xf32, #tpu.memory_space<vmem>>) offsets(%dma_start3A_20 : memref<128xi32, #tpu.memory_space<vmem>>) semaphore(%arg9 : memref<!tpu.dma_semaphore, #tpu.memory_space<semaphore_mem>>)
    %dma_start3A_24 = arith.constant 2 : i32
    %dma_start3A_25 = arith.constant 256 : i32
    %dma_start3A_26 = arith.constant 0 : i32
    %dma_start3A_27 = tpu.memref_slice %arg7[%dma_start3A_25, %dma_start3A_26] : memref<3200x16xf32, #tpu.memory_space<vmem>> -> memref<128x16xf32, #tpu.memory_space<vmem>>
    %dma_start3A_28 = arith.constant 0 : i32
    %dma_start3A_29 = tpu.memref_slice %arg8[%dma_start3A_24, %dma_start3A_28] : memref<25x128xi32, #tpu.memory_space<vmem>> -> memref<1x128xi32, #tpu.memory_space<vmem>>
    %dma_start3A_30 = tpu.memref_squeeze %dma_start3A_29 : memref<1x128xi32, #tpu.memory_space<vmem>> -> memref<128xi32, #tpu.memory_space<vmem>>
    %dma_start3A_31 = arith.constant 0 : i32
    %dma_start3A_32 = arith.constant 0 : i32
    %dma_start3A_33 = tpu.memref_slice %arg4[%dma_start3A_31, %dma_start3A_32] : memref<520x16xf32, #tpu.memory_space<hbm>> -> memref<520x16xf32, #tpu.memory_space<hbm>>
    tpu.enqueue_indirect_dma source(%dma_start3A_33 : memref<520x16xf32, #tpu.memory_space<hbm>>) target(%dma_start3A_27 : memref<128x16xf32, #tpu.memory_space<vmem>>) offsets(%dma_start3A_30 : memref<128xi32, #tpu.memory_space<vmem>>) semaphore(%arg9 : memref<!tpu.dma_semaphore, #tpu.memory_space<semaphore_mem>>)
    %dma_start3A_34 = arith.constant 3 : i32
    %dma_start3A_35 = arith.constant 384 : i32
    %dma_start3A_36 = arith.constant 0 : i32
    %dma_start3A_37 = tpu.memref_slice %arg7[%dma_start3A_35, %dma_start3A_36] : memref<3200x16xf32, #tpu.memory_space<vmem>> -> memref<128x16xf32, #tpu.memory_space<vmem>>
    %dma_start3A_38 = arith.constant 0 : i32
    %dma_start3A_39 = tpu.memref_slice %arg8[%dma_start3A_34, %dma_start3A_38] : memref<25x128xi32, #tpu.memory_space<vmem>> -> memref<1x128xi32, #tpu.memory_space<vmem>>
    %dma_start3A_40 = tpu.memref_squeeze %dma_start3A_39 : memref<1x128xi32, #tpu.memory_space<vmem>> -> memref<128xi32, #tpu.memory_space<vmem>>
    %dma_start3A_41 = arith.constant 0 : i32
    %dma_start3A_42 = arith.constant 0 : i32
    %dma_start3A_43 = tpu.memref_slice %arg4[%dma_start3A_41, %dma_start3A_42] : memref<520x16xf32, #tpu.memory_space<hbm>> -> memref<520x16xf32, #tpu.memory_space<hbm>>
    tpu.enqueue_indirect_dma source(%dma_start3A_43 : memref<520x16xf32, #tpu.memory_space<hbm>>) target(%dma_start3A_37 : memref<128x16xf32, #tpu.memory_space<vmem>>) offsets(%dma_start3A_40 : memref<128xi32, #tpu.memory_space<vmem>>) semaphore(%arg9 : memref<!tpu.dma_semaphore, #tpu.memory_space<semaphore_mem>>)
    %dma_start3A_44 = arith.constant 4 : i32
    %dma_start3A_45 = arith.constant 512 : i32
    %dma_start3A_46 = arith.constant 0 : i32
    %dma_start3A_47 = tpu.memref_slice %arg7[%dma_start3A_45, %dma_start3A_46] : memref<3200x16xf32, #tpu.memory_space<vmem>> -> memref<128x16xf32, #tpu.memory_space<vmem>>
    %dma_start3A_48 = arith.constant 0 : i32
    %dma_start3A_49 = tpu.memref_slice %arg8[%dma_start3A_44, %dma_start3A_48] : memref<25x128xi32, #tpu.memory_space<vmem>> -> memref<1x128xi32, #tpu.memory_space<vmem>>
    %dma_start3A_50 = tpu.memref_squeeze %dma_start3A_49 : memref<1x128xi32, #tpu.memory_space<vmem>> -> memref<128xi32, #tpu.memory_space<vmem>>
    %dma_start3A_51 = arith.constant 0 : i32
    %dma_start3A_52 = arith.constant 0 : i32
    %dma_start3A_53 = tpu.memref_slice %arg4[%dma_start3A_51, %dma_start3A_52] : memref<520x16xf32, #tpu.memory_space<hbm>> -> memref<520x16xf32, #tpu.memory_space<hbm>>
    tpu.enqueue_indirect_dma source(%dma_start3A_53 : memref<520x16xf32, #tpu.memory_space<hbm>>) target(%dma_start3A_47 : memref<128x16xf32, #tpu.memory_space<vmem>>) offsets(%dma_start3A_50 : memref<128xi32, #tpu.memory_space<vmem>>) semaphore(%arg9 : memref<!tpu.dma_semaphore, #tpu.memory_space<semaphore_mem>>)
    %dma_start3A_54 = arith.constant 5 : i32
    %dma_start3A_55 = arith.constant 640 : i32
    %dma_start3A_56 = arith.constant 0 : i32
    %dma_start3A_57 = tpu.memref_slice %arg7[%dma_start3A_55, %dma_start3A_56] : memref<3200x16xf32, #tpu.memory_space<vmem>> -> memref<128x16xf32, #tpu.memory_space<vmem>>
    %dma_start3A_58 = arith.constant 0 : i32
    %dma_start3A_59 = tpu.memref_slice %arg8[%dma_start3A_54, %dma_start3A_58] : memref<25x128xi32, #tpu.memory_space<vmem>> -> memref<1x128xi32, #tpu.memory_space<vmem>>
    %dma_start3A_60 = tpu.memref_squeeze %dma_start3A_59 : memref<1x128xi32, #tpu.memory_space<vmem>> -> memref<128xi32, #tpu.memory_space<vmem>>
    %dma_start3A_61 = arith.constant 0 : i32
    %dma_start3A_62 = arith.constant 0 : i32
    %dma_start3A_63 = tpu.memref_slice %arg4[%dma_start3A_61, %dma_start3A_62] : memref<520x16xf32, #tpu.memory_space<hbm>> -> memref<520x16xf32, #tpu.memory_space<hbm>>
    tpu.enqueue_indirect_dma source(%dma_start3A_63 : memref<520x16xf32, #tpu.memory_space<hbm>>) target(%dma_start3A_57 : memref<128x16xf32, #tpu.memory_space<vmem>>) offsets(%dma_start3A_60 : memref<128xi32, #tpu.memory_space<vmem>>) semaphore(%arg9 : memref<!tpu.dma_semaphore, #tpu.memory_space<semaphore_mem>>)
    %dma_start3A_64 = arith.constant 6 : i32
    %dma_start3A_65 = arith.constant 768 : i32
    %dma_start3A_66 = arith.constant 0 : i32
    %dma_start3A_67 = tpu.memref_slice %arg7[%dma_start3A_65, %dma_start3A_66] : memref<3200x16xf32, #tpu.memory_space<vmem>> -> memref<128x16xf32, #tpu.memory_space<vmem>>
    %dma_start3A_68 = arith.constant 0 : i32
    %dma_start3A_69 = tpu.memref_slice %arg8[%dma_start3A_64, %dma_start3A_68] : memref<25x128xi32, #tpu.memory_space<vmem>> -> memref<1x128xi32, #tpu.memory_space<vmem>>
    %dma_start3A_70 = tpu.memref_squeeze %dma_start3A_69 : memref<1x128xi32, #tpu.memory_space<vmem>> -> memref<128xi32, #tpu.memory_space<vmem>>
    %dma_start3A_71 = arith.constant 0 : i32
    %dma_start3A_72 = arith.constant 0 : i32
    %dma_start3A_73 = tpu.memref_slice %arg4[%dma_start3A_71, %dma_start3A_72] : memref<520x16xf32, #tpu.memory_space<hbm>> -> memref<520x16xf32, #tpu.memory_space<hbm>>
    tpu.enqueue_indirect_dma source(%dma_start3A_73 : memref<520x16xf32, #tpu.memory_space<hbm>>) target(%dma_start3A_67 : memref<128x16xf32, #tpu.memory_space<vmem>>) offsets(%dma_start3A_70 : memref<128xi32, #tpu.memory_space<vmem>>) semaphore(%arg9 : memref<!tpu.dma_semaphore, #tpu.memory_space<semaphore_mem>>)
    %dma_start3A_74 = arith.constant 7 : i32
    %dma_start3A_75 = arith.constant 896 : i32
    %dma_start3A_76 = arith.constant 0 : i32
    %dma_start3A_77 = tpu.memref_slice %arg7[%dma_start3A_75, %dma_start3A_76] : memref<3200x16xf32, #tpu.memory_space<vmem>> -> memref<128x16xf32, #tpu.memory_space<vmem>>
    %dma_start3A_78 = arith.constant 0 : i32
    %dma_start3A_79 = tpu.memref_slice %arg8[%dma_start3A_74, %dma_start3A_78] : memref<25x128xi32, #tpu.memory_space<vmem>> -> memref<1x128xi32, #tpu.memory_space<vmem>>
    %dma_start3A_80 = tpu.memref_squeeze %dma_start3A_79 : memref<1x128xi32, #tpu.memory_space<vmem>> -> memref<128xi32, #tpu.memory_space<vmem>>
    %dma_start3A_81 = arith.constant 0 : i32
    %dma_start3A_82 = arith.constant 0 : i32
    %dma_start3A_83 = tpu.memref_slice %arg4[%dma_start3A_81, %dma_start3A_82] : memref<520x16xf32, #tpu.memory_space<hbm>> -> memref<520x16xf32, #tpu.memory_space<hbm>>
    tpu.enqueue_indirect_dma source(%dma_start3A_83 : memref<520x16xf32, #tpu.memory_space<hbm>>) target(%dma_start3A_77 : memref<128x16xf32, #tpu.memory_space<vmem>>) offsets(%dma_start3A_80 : memref<128xi32, #tpu.memory_space<vmem>>) semaphore(%arg9 : memref<!tpu.dma_semaphore, #tpu.memory_space<semaphore_mem>>)
    %dma_start3A_84 = arith.constant 8 : i32
    %dma_start3A_85 = arith.constant 1024 : i32
    %dma_start3A_86 = arith.constant 0 : i32
    %dma_start3A_87 = tpu.memref_slice %arg7[%dma_start3A_85, %dma_start3A_86] : memref<3200x16xf32, #tpu.memory_space<vmem>> -> memref<128x16xf32, #tpu.memory_space<vmem>>
    %dma_start3A_88 = arith.constant 0 : i32
    %dma_start3A_89 = tpu.memref_slice %arg8[%dma_start3A_84, %dma_start3A_88] : memref<25x128xi32, #tpu.memory_space<vmem>> -> memref<1x128xi32, #tpu.memory_space<vmem>>
    %dma_start3A_90 = tpu.memref_squeeze %dma_start3A_89 : memref<1x128xi32, #tpu.memory_space<vmem>> -> memref<128xi32, #tpu.memory_space<vmem>>
    %dma_start3A_91 = arith.constant 0 : i32
    %dma_start3A_92 = arith.constant 0 : i32
    %dma_start3A_93 = tpu.memref_slice %arg4[%dma_start3A_91, %dma_start3A_92] : memref<520x16xf32, #tpu.memory_space<hbm>> -> memref<520x16xf32, #tpu.memory_space<hbm>>
    tpu.enqueue_indirect_dma source(%dma_start3A_93 : memref<520x16xf32, #tpu.memory_space<hbm>>) target(%dma_start3A_87 : memref<128x16xf32, #tpu.memory_space<vmem>>) offsets(%dma_start3A_90 : memref<128xi32, #tpu.memory_space<vmem>>) semaphore(%arg9 : memref<!tpu.dma_semaphore, #tpu.memory_space<semaphore_mem>>)
    %dma_start3A_94 = arith.constant 9 : i32
    %dma_start3A_95 = arith.constant 1152 : i32
    %dma_start3A_96 = arith.constant 0 : i32
    %dma_start3A_97 = tpu.memref_slice %arg7[%dma_start3A_95, %dma_start3A_96] : memref<3200x16xf32, #tpu.memory_space<vmem>> -> memref<128x16xf32, #tpu.memory_space<vmem>>
    %dma_start3A_98 = arith.constant 0 : i32
    %dma_start3A_99 = tpu.memref_slice %arg8[%dma_start3A_94, %dma_start3A_98] : memref<25x128xi32, #tpu.memory_space<vmem>> -> memref<1x128xi32, #tpu.memory_space<vmem>>
    %dma_start3A_100 = tpu.memref_squeeze %dma_start3A_99 : memref<1x128xi32, #tpu.memory_space<vmem>> -> memref<128xi32, #tpu.memory_space<vmem>>
    %dma_start3A_101 = arith.constant 0 : i32
    %dma_start3A_102 = arith.constant 0 : i32
    %dma_start3A_103 = tpu.memref_slice %arg4[%dma_start3A_101, %dma_start3A_102] : memref<520x16xf32, #tpu.memory_space<hbm>> -> memref<520x16xf32, #tpu.memory_space<hbm>>
    tpu.enqueue_indirect_dma source(%dma_start3A_103 : memref<520x16xf32, #tpu.memory_space<hbm>>) target(%dma_start3A_97 : memref<128x16xf32, #tpu.memory_space<vmem>>) offsets(%dma_start3A_100 : memref<128xi32, #tpu.memory_space<vmem>>) semaphore(%arg9 : memref<!tpu.dma_semaphore, #tpu.memory_space<semaphore_mem>>)
    %dma_start3A_104 = arith.constant 10 : i32
    %dma_start3A_105 = arith.constant 1280 : i32
    %dma_start3A_106 = arith.constant 0 : i32
    %dma_start3A_107 = tpu.memref_slice %arg7[%dma_start3A_105, %dma_start3A_106] : memref<3200x16xf32, #tpu.memory_space<vmem>> -> memref<128x16xf32, #tpu.memory_space<vmem>>
    %dma_start3A_108 = arith.constant 0 : i32
    %dma_start3A_109 = tpu.memref_slice %arg8[%dma_start3A_104, %dma_start3A_108] : memref<25x128xi32, #tpu.memory_space<vmem>> -> memref<1x128xi32, #tpu.memory_space<vmem>>
    %dma_start3A_110 = tpu.memref_squeeze %dma_start3A_109 : memref<1x128xi32, #tpu.memory_space<vmem>> -> memref<128xi32, #tpu.memory_space<vmem>>
    %dma_start3A_111 = arith.constant 0 : i32
    %dma_start3A_112 = arith.constant 0 : i32
    %dma_start3A_113 = tpu.memref_slice %arg4[%dma_start3A_111, %dma_start3A_112] : memref<520x16xf32, #tpu.memory_space<hbm>> -> memref<520x16xf32, #tpu.memory_space<hbm>>
    tpu.enqueue_indirect_dma source(%dma_start3A_113 : memref<520x16xf32, #tpu.memory_space<hbm>>) target(%dma_start3A_107 : memref<128x16xf32, #tpu.memory_space<vmem>>) offsets(%dma_start3A_110 : memref<128xi32, #tpu.memory_space<vmem>>) semaphore(%arg9 : memref<!tpu.dma_semaphore, #tpu.memory_space<semaphore_mem>>)
    %dma_start3A_114 = arith.constant 11 : i32
    %dma_start3A_115 = arith.constant 1408 : i32
    %dma_start3A_116 = arith.constant 0 : i32
    %dma_start3A_117 = tpu.memref_slice %arg7[%dma_start3A_115, %dma_start3A_116] : memref<3200x16xf32, #tpu.memory_space<vmem>> -> memref<128x16xf32, #tpu.memory_space<vmem>>
    %dma_start3A_118 = arith.constant 0 : i32
    %dma_start3A_119 = tpu.memref_slice %arg8[%dma_start3A_114, %dma_start3A_118] : memref<25x128xi32, #tpu.memory_space<vmem>> -> memref<1x128xi32, #tpu.memory_space<vmem>>
    %dma_start3A_120 = tpu.memref_squeeze %dma_start3A_119 : memref<1x128xi32, #tpu.memory_space<vmem>> -> memref<128xi32, #tpu.memory_space<vmem>>
    %dma_start3A_121 = arith.constant 0 : i32
    %dma_start3A_122 = arith.constant 0 : i32
    %dma_start3A_123 = tpu.memref_slice %arg4[%dma_start3A_121, %dma_start3A_122] : memref<520x16xf32, #tpu.memory_space<hbm>> -> memref<520x16xf32, #tpu.memory_space<hbm>>
    tpu.enqueue_indirect_dma source(%dma_start3A_123 : memref<520x16xf32, #tpu.memory_space<hbm>>) target(%dma_start3A_117 : memref<128x16xf32, #tpu.memory_space<vmem>>) offsets(%dma_start3A_120 : memref<128xi32, #tpu.memory_space<vmem>>) semaphore(%arg9 : memref<!tpu.dma_semaphore, #tpu.memory_space<semaphore_mem>>)
    %dma_start3A_124 = arith.constant 12 : i32
    %dma_start3A_125 = arith.constant 1536 : i32
    %dma_start3A_126 = arith.constant 0 : i32
    %dma_start3A_127 = tpu.memref_slice %arg7[%dma_start3A_125, %dma_start3A_126] : memref<3200x16xf32, #tpu.memory_space<vmem>> -> memref<128x16xf32, #tpu.memory_space<vmem>>
    %dma_start3A_128 = arith.constant 0 : i32
    %dma_start3A_129 = tpu.memref_slice %arg8[%dma_start3A_124, %dma_start3A_128] : memref<25x128xi32, #tpu.memory_space<vmem>> -> memref<1x128xi32, #tpu.memory_space<vmem>>
    %dma_start3A_130 = tpu.memref_squeeze %dma_start3A_129 : memref<1x128xi32, #tpu.memory_space<vmem>> -> memref<128xi32, #tpu.memory_space<vmem>>
    %dma_start3A_131 = arith.constant 0 : i32
    %dma_start3A_132 = arith.constant 0 : i32
    %dma_start3A_133 = tpu.memref_slice %arg4[%dma_start3A_131, %dma_start3A_132] : memref<520x16xf32, #tpu.memory_space<hbm>> -> memref<520x16xf32, #tpu.memory_space<hbm>>
    tpu.enqueue_indirect_dma source(%dma_start3A_133 : memref<520x16xf32, #tpu.memory_space<hbm>>) target(%dma_start3A_127 : memref<128x16xf32, #tpu.memory_space<vmem>>) offsets(%dma_start3A_130 : memref<128xi32, #tpu.memory_space<vmem>>) semaphore(%arg9 : memref<!tpu.dma_semaphore, #tpu.memory_space<semaphore_mem>>)
    %dma_start3A_134 = arith.constant 13 : i32
    %dma_start3A_135 = arith.constant 1664 : i32
    %dma_start3A_136 = arith.constant 0 : i32
    %dma_start3A_137 = tpu.memref_slice %arg7[%dma_start3A_135, %dma_start3A_136] : memref<3200x16xf32, #tpu.memory_space<vmem>> -> memref<128x16xf32, #tpu.memory_space<vmem>>
    %dma_start3A_138 = arith.constant 0 : i32
    %dma_start3A_139 = tpu.memref_slice %arg8[%dma_start3A_134, %dma_start3A_138] : memref<25x128xi32, #tpu.memory_space<vmem>> -> memref<1x128xi32, #tpu.memory_space<vmem>>
    %dma_start3A_140 = tpu.memref_squeeze %dma_start3A_139 : memref<1x128xi32, #tpu.memory_space<vmem>> -> memref<128xi32, #tpu.memory_space<vmem>>
    %dma_start3A_141 = arith.constant 0 : i32
    %dma_start3A_142 = arith.constant 0 : i32
    %dma_start3A_143 = tpu.memref_slice %arg4[%dma_start3A_141, %dma_start3A_142] : memref<520x16xf32, #tpu.memory_space<hbm>> -> memref<520x16xf32, #tpu.memory_space<hbm>>
    tpu.enqueue_indirect_dma source(%dma_start3A_143 : memref<520x16xf32, #tpu.memory_space<hbm>>) target(%dma_start3A_137 : memref<128x16xf32, #tpu.memory_space<vmem>>) offsets(%dma_start3A_140 : memref<128xi32, #tpu.memory_space<vmem>>) semaphore(%arg9 : memref<!tpu.dma_semaphore, #tpu.memory_space<semaphore_mem>>)
    %dma_start3A_144 = arith.constant 14 : i32
    %dma_start3A_145 = arith.constant 1792 : i32
    %dma_start3A_146 = arith.constant 0 : i32
    %dma_start3A_147 = tpu.memref_slice %arg7[%dma_start3A_145, %dma_start3A_146] : memref<3200x16xf32, #tpu.memory_space<vmem>> -> memref<128x16xf32, #tpu.memory_space<vmem>>
    %dma_start3A_148 = arith.constant 0 : i32
    %dma_start3A_149 = tpu.memref_slice %arg8[%dma_start3A_144, %dma_start3A_148] : memref<25x128xi32, #tpu.memory_space<vmem>> -> memref<1x128xi32, #tpu.memory_space<vmem>>
    %dma_start3A_150 = tpu.memref_squeeze %dma_start3A_149 : memref<1x128xi32, #tpu.memory_space<vmem>> -> memref<128xi32, #tpu.memory_space<vmem>>
    %dma_start3A_151 = arith.constant 0 : i32
    %dma_start3A_152 = arith.constant 0 : i32
    %dma_start3A_153 = tpu.memref_slice %arg4[%dma_start3A_151, %dma_start3A_152] : memref<520x16xf32, #tpu.memory_space<hbm>> -> memref<520x16xf32, #tpu.memory_space<hbm>>
    tpu.enqueue_indirect_dma source(%dma_start3A_153 : memref<520x16xf32, #tpu.memory_space<hbm>>) target(%dma_start3A_147 : memref<128x16xf32, #tpu.memory_space<vmem>>) offsets(%dma_start3A_150 : memref<128xi32, #tpu.memory_space<vmem>>) semaphore(%arg9 : memref<!tpu.dma_semaphore, #tpu.memory_space<semaphore_mem>>)
    %dma_start3A_154 = arith.constant 15 : i32
    %dma_start3A_155 = arith.constant 1920 : i32
    %dma_start3A_156 = arith.constant 0 : i32
    %dma_start3A_157 = tpu.memref_slice %arg7[%dma_start3A_155, %dma_start3A_156] : memref<3200x16xf32, #tpu.memory_space<vmem>> -> memref<128x16xf32, #tpu.memory_space<vmem>>
    %dma_start3A_158 = arith.constant 0 : i32
    %dma_start3A_159 = tpu.memref_slice %arg8[%dma_start3A_154, %dma_start3A_158] : memref<25x128xi32, #tpu.memory_space<vmem>> -> memref<1x128xi32, #tpu.memory_space<vmem>>
    %dma_start3A_160 = tpu.memref_squeeze %dma_start3A_159 : memref<1x128xi32, #tpu.memory_space<vmem>> -> memref<128xi32, #tpu.memory_space<vmem>>
    %dma_start3A_161 = arith.constant 0 : i32
    %dma_start3A_162 = arith.constant 0 : i32
    %dma_start3A_163 = tpu.memref_slice %arg4[%dma_start3A_161, %dma_start3A_162] : memref<520x16xf32, #tpu.memory_space<hbm>> -> memref<520x16xf32, #tpu.memory_space<hbm>>
    tpu.enqueue_indirect_dma source(%dma_start3A_163 : memref<520x16xf32, #tpu.memory_space<hbm>>) target(%dma_start3A_157 : memref<128x16xf32, #tpu.memory_space<vmem>>) offsets(%dma_start3A_160 : memref<128xi32, #tpu.memory_space<vmem>>) semaphore(%arg9 : memref<!tpu.dma_semaphore, #tpu.memory_space<semaphore_mem>>)
    %dma_start3A_164 = arith.constant 16 : i32
    %dma_start3A_165 = arith.constant 2048 : i32
    %dma_start3A_166 = arith.constant 0 : i32
    %dma_start3A_167 = tpu.memref_slice %arg7[%dma_start3A_165, %dma_start3A_166] : memref<3200x16xf32, #tpu.memory_space<vmem>> -> memref<128x16xf32, #tpu.memory_space<vmem>>
    %dma_start3A_168 = arith.constant 0 : i32
    %dma_start3A_169 = tpu.memref_slice %arg8[%dma_start3A_164, %dma_start3A_168] : memref<25x128xi32, #tpu.memory_space<vmem>> -> memref<1x128xi32, #tpu.memory_space<vmem>>
    %dma_start3A_170 = tpu.memref_squeeze %dma_start3A_169 : memref<1x128xi32, #tpu.memory_space<vmem>> -> memref<128xi32, #tpu.memory_space<vmem>>
    %dma_start3A_171 = arith.constant 0 : i32
    %dma_start3A_172 = arith.constant 0 : i32
    %dma_start3A_173 = tpu.memref_slice %arg4[%dma_start3A_171, %dma_start3A_172] : memref<520x16xf32, #tpu.memory_space<hbm>> -> memref<520x16xf32, #tpu.memory_space<hbm>>
    tpu.enqueue_indirect_dma source(%dma_start3A_173 : memref<520x16xf32, #tpu.memory_space<hbm>>) target(%dma_start3A_167 : memref<128x16xf32, #tpu.memory_space<vmem>>) offsets(%dma_start3A_170 : memref<128xi32, #tpu.memory_space<vmem>>) semaphore(%arg9 : memref<!tpu.dma_semaphore, #tpu.memory_space<semaphore_mem>>)
    %dma_start3A_174 = arith.constant 17 : i32
    %dma_start3A_175 = arith.constant 2176 : i32
    %dma_start3A_176 = arith.constant 0 : i32
    %dma_start3A_177 = tpu.memref_slice %arg7[%dma_start3A_175, %dma_start3A_176] : memref<3200x16xf32, #tpu.memory_space<vmem>> -> memref<128x16xf32, #tpu.memory_space<vmem>>
    %dma_start3A_178 = arith.constant 0 : i32
    %dma_start3A_179 = tpu.memref_slice %arg8[%dma_start3A_174, %dma_start3A_178] : memref<25x128xi32, #tpu.memory_space<vmem>> -> memref<1x128xi32, #tpu.memory_space<vmem>>
    %dma_start3A_180 = tpu.memref_squeeze %dma_start3A_179 : memref<1x128xi32, #tpu.memory_space<vmem>> -> memref<128xi32, #tpu.memory_space<vmem>>
    %dma_start3A_181 = arith.constant 0 : i32
    %dma_start3A_182 = arith.constant 0 : i32
    %dma_start3A_183 = tpu.memref_slice %arg4[%dma_start3A_181, %dma_start3A_182] : memref<520x16xf32, #tpu.memory_space<hbm>> -> memref<520x16xf32, #tpu.memory_space<hbm>>
    tpu.enqueue_indirect_dma source(%dma_start3A_183 : memref<520x16xf32, #tpu.memory_space<hbm>>) target(%dma_start3A_177 : memref<128x16xf32, #tpu.memory_space<vmem>>) offsets(%dma_start3A_180 : memref<128xi32, #tpu.memory_space<vmem>>) semaphore(%arg9 : memref<!tpu.dma_semaphore, #tpu.memory_space<semaphore_mem>>)
    %dma_start3A_184 = arith.constant 18 : i32
    %dma_start3A_185 = arith.constant 2304 : i32
    %dma_start3A_186 = arith.constant 0 : i32
    %dma_start3A_187 = tpu.memref_slice %arg7[%dma_start3A_185, %dma_start3A_186] : memref<3200x16xf32, #tpu.memory_space<vmem>> -> memref<128x16xf32, #tpu.memory_space<vmem>>
    %dma_start3A_188 = arith.constant 0 : i32
    %dma_start3A_189 = tpu.memref_slice %arg8[%dma_start3A_184, %dma_start3A_188] : memref<25x128xi32, #tpu.memory_space<vmem>> -> memref<1x128xi32, #tpu.memory_space<vmem>>
    %dma_start3A_190 = tpu.memref_squeeze %dma_start3A_189 : memref<1x128xi32, #tpu.memory_space<vmem>> -> memref<128xi32, #tpu.memory_space<vmem>>
    %dma_start3A_191 = arith.constant 0 : i32
    %dma_start3A_192 = arith.constant 0 : i32
    %dma_start3A_193 = tpu.memref_slice %arg4[%dma_start3A_191, %dma_start3A_192] : memref<520x16xf32, #tpu.memory_space<hbm>> -> memref<520x16xf32, #tpu.memory_space<hbm>>
    tpu.enqueue_indirect_dma source(%dma_start3A_193 : memref<520x16xf32, #tpu.memory_space<hbm>>) target(%dma_start3A_187 : memref<128x16xf32, #tpu.memory_space<vmem>>) offsets(%dma_start3A_190 : memref<128xi32, #tpu.memory_space<vmem>>) semaphore(%arg9 : memref<!tpu.dma_semaphore, #tpu.memory_space<semaphore_mem>>)
    %dma_start3A_194 = arith.constant 19 : i32
    %dma_start3A_195 = arith.constant 2432 : i32
    %dma_start3A_196 = arith.constant 0 : i32
    %dma_start3A_197 = tpu.memref_slice %arg7[%dma_start3A_195, %dma_start3A_196] : memref<3200x16xf32, #tpu.memory_space<vmem>> -> memref<128x16xf32, #tpu.memory_space<vmem>>
    %dma_start3A_198 = arith.constant 0 : i32
    %dma_start3A_199 = tpu.memref_slice %arg8[%dma_start3A_194, %dma_start3A_198] : memref<25x128xi32, #tpu.memory_space<vmem>> -> memref<1x128xi32, #tpu.memory_space<vmem>>
    %dma_start3A_200 = tpu.memref_squeeze %dma_start3A_199 : memref<1x128xi32, #tpu.memory_space<vmem>> -> memref<128xi32, #tpu.memory_space<vmem>>
    %dma_start3A_201 = arith.constant 0 : i32
    %dma_start3A_202 = arith.constant 0 : i32
    %dma_start3A_203 = tpu.memref_slice %arg4[%dma_start3A_201, %dma_start3A_202] : memref<520x16xf32, #tpu.memory_space<hbm>> -> memref<520x16xf32, #tpu.memory_space<hbm>>
    tpu.enqueue_indirect_dma source(%dma_start3A_203 : memref<520x16xf32, #tpu.memory_space<hbm>>) target(%dma_start3A_197 : memref<128x16xf32, #tpu.memory_space<vmem>>) offsets(%dma_start3A_200 : memref<128xi32, #tpu.memory_space<vmem>>) semaphore(%arg9 : memref<!tpu.dma_semaphore, #tpu.memory_space<semaphore_mem>>)
    %dma_start3A_204 = arith.constant 20 : i32
    %dma_start3A_205 = arith.constant 2560 : i32
    %dma_start3A_206 = arith.constant 0 : i32
    %dma_start3A_207 = tpu.memref_slice %arg7[%dma_start3A_205, %dma_start3A_206] : memref<3200x16xf32, #tpu.memory_space<vmem>> -> memref<128x16xf32, #tpu.memory_space<vmem>>
    %dma_start3A_208 = arith.constant 0 : i32
    %dma_start3A_209 = tpu.memref_slice %arg8[%dma_start3A_204, %dma_start3A_208] : memref<25x128xi32, #tpu.memory_space<vmem>> -> memref<1x128xi32, #tpu.memory_space<vmem>>
    %dma_start3A_210 = tpu.memref_squeeze %dma_start3A_209 : memref<1x128xi32, #tpu.memory_space<vmem>> -> memref<128xi32, #tpu.memory_space<vmem>>
    %dma_start3A_211 = arith.constant 0 : i32
    %dma_start3A_212 = arith.constant 0 : i32
    %dma_start3A_213 = tpu.memref_slice %arg4[%dma_start3A_211, %dma_start3A_212] : memref<520x16xf32, #tpu.memory_space<hbm>> -> memref<520x16xf32, #tpu.memory_space<hbm>>
    tpu.enqueue_indirect_dma source(%dma_start3A_213 : memref<520x16xf32, #tpu.memory_space<hbm>>) target(%dma_start3A_207 : memref<128x16xf32, #tpu.memory_space<vmem>>) offsets(%dma_start3A_210 : memref<128xi32, #tpu.memory_space<vmem>>) semaphore(%arg9 : memref<!tpu.dma_semaphore, #tpu.memory_space<semaphore_mem>>)
    %dma_start3A_214 = arith.constant 21 : i32
    %dma_start3A_215 = arith.constant 2688 : i32
    %dma_start3A_216 = arith.constant 0 : i32
    %dma_start3A_217 = tpu.memref_slice %arg7[%dma_start3A_215, %dma_start3A_216] : memref<3200x16xf32, #tpu.memory_space<vmem>> -> memref<128x16xf32, #tpu.memory_space<vmem>>
    %dma_start3A_218 = arith.constant 0 : i32
    %dma_start3A_219 = tpu.memref_slice %arg8[%dma_start3A_214, %dma_start3A_218] : memref<25x128xi32, #tpu.memory_space<vmem>> -> memref<1x128xi32, #tpu.memory_space<vmem>>
    %dma_start3A_220 = tpu.memref_squeeze %dma_start3A_219 : memref<1x128xi32, #tpu.memory_space<vmem>> -> memref<128xi32, #tpu.memory_space<vmem>>
    %dma_start3A_221 = arith.constant 0 : i32
    %dma_start3A_222 = arith.constant 0 : i32
    %dma_start3A_223 = tpu.memref_slice %arg4[%dma_start3A_221, %dma_start3A_222] : memref<520x16xf32, #tpu.memory_space<hbm>> -> memref<520x16xf32, #tpu.memory_space<hbm>>
    tpu.enqueue_indirect_dma source(%dma_start3A_223 : memref<520x16xf32, #tpu.memory_space<hbm>>) target(%dma_start3A_217 : memref<128x16xf32, #tpu.memory_space<vmem>>) offsets(%dma_start3A_220 : memref<128xi32, #tpu.memory_space<vmem>>) semaphore(%arg9 : memref<!tpu.dma_semaphore, #tpu.memory_space<semaphore_mem>>)
    %dma_start3A_224 = arith.constant 22 : i32
    %dma_start3A_225 = arith.constant 2816 : i32
    %dma_start3A_226 = arith.constant 0 : i32
    %dma_start3A_227 = tpu.memref_slice %arg7[%dma_start3A_225, %dma_start3A_226] : memref<3200x16xf32, #tpu.memory_space<vmem>> -> memref<128x16xf32, #tpu.memory_space<vmem>>
    %dma_start3A_228 = arith.constant 0 : i32
    %dma_start3A_229 = tpu.memref_slice %arg8[%dma_start3A_224, %dma_start3A_228] : memref<25x128xi32, #tpu.memory_space<vmem>> -> memref<1x128xi32, #tpu.memory_space<vmem>>
    %dma_start3A_230 = tpu.memref_squeeze %dma_start3A_229 : memref<1x128xi32, #tpu.memory_space<vmem>> -> memref<128xi32, #tpu.memory_space<vmem>>
    %dma_start3A_231 = arith.constant 0 : i32
    %dma_start3A_232 = arith.constant 0 : i32
    %dma_start3A_233 = tpu.memref_slice %arg4[%dma_start3A_231, %dma_start3A_232] : memref<520x16xf32, #tpu.memory_space<hbm>> -> memref<520x16xf32, #tpu.memory_space<hbm>>
    tpu.enqueue_indirect_dma source(%dma_start3A_233 : memref<520x16xf32, #tpu.memory_space<hbm>>) target(%dma_start3A_227 : memref<128x16xf32, #tpu.memory_space<vmem>>) offsets(%dma_start3A_230 : memref<128xi32, #tpu.memory_space<vmem>>) semaphore(%arg9 : memref<!tpu.dma_semaphore, #tpu.memory_space<semaphore_mem>>)
    %dma_start3A_234 = arith.constant 23 : i32
    %dma_start3A_235 = arith.constant 2944 : i32
    %dma_start3A_236 = arith.constant 0 : i32
    %dma_start3A_237 = tpu.memref_slice %arg7[%dma_start3A_235, %dma_start3A_236] : memref<3200x16xf32, #tpu.memory_space<vmem>> -> memref<128x16xf32, #tpu.memory_space<vmem>>
    %dma_start3A_238 = arith.constant 0 : i32
    %dma_start3A_239 = tpu.memref_slice %arg8[%dma_start3A_234, %dma_start3A_238] : memref<25x128xi32, #tpu.memory_space<vmem>> -> memref<1x128xi32, #tpu.memory_space<vmem>>
    %dma_start3A_240 = tpu.memref_squeeze %dma_start3A_239 : memref<1x128xi32, #tpu.memory_space<vmem>> -> memref<128xi32, #tpu.memory_space<vmem>>
    %dma_start3A_241 = arith.constant 0 : i32
    %dma_start3A_242 = arith.constant 0 : i32
    %dma_start3A_243 = tpu.memref_slice %arg4[%dma_start3A_241, %dma_start3A_242] : memref<520x16xf32, #tpu.memory_space<hbm>> -> memref<520x16xf32, #tpu.memory_space<hbm>>
    tpu.enqueue_indirect_dma source(%dma_start3A_243 : memref<520x16xf32, #tpu.memory_space<hbm>>) target(%dma_start3A_237 : memref<128x16xf32, #tpu.memory_space<vmem>>) offsets(%dma_start3A_240 : memref<128xi32, #tpu.memory_space<vmem>>) semaphore(%arg9 : memref<!tpu.dma_semaphore, #tpu.memory_space<semaphore_mem>>)
    %dma_start3A_244 = arith.constant 24 : i32
    %dma_start3A_245 = arith.constant 3072 : i32
    %dma_start3A_246 = arith.constant 0 : i32
    %dma_start3A_247 = tpu.memref_slice %arg7[%dma_start3A_245, %dma_start3A_246] : memref<3200x16xf32, #tpu.memory_space<vmem>> -> memref<128x16xf32, #tpu.memory_space<vmem>>
    %dma_start3A_248 = arith.constant 0 : i32
    %dma_start3A_249 = tpu.memref_slice %arg8[%dma_start3A_244, %dma_start3A_248] : memref<25x128xi32, #tpu.memory_space<vmem>> -> memref<1x128xi32, #tpu.memory_space<vmem>>
    %dma_start3A_250 = tpu.memref_squeeze %dma_start3A_249 : memref<1x128xi32, #tpu.memory_space<vmem>> -> memref<128xi32, #tpu.memory_space<vmem>>
    %dma_start3A_251 = arith.constant 0 : i32
    %dma_start3A_252 = arith.constant 0 : i32
    %dma_start3A_253 = tpu.memref_slice %arg4[%dma_start3A_251, %dma_start3A_252] : memref<520x16xf32, #tpu.memory_space<hbm>> -> memref<520x16xf32, #tpu.memory_space<hbm>>
    tpu.enqueue_indirect_dma source(%dma_start3A_253 : memref<520x16xf32, #tpu.memory_space<hbm>>) target(%dma_start3A_247 : memref<128x16xf32, #tpu.memory_space<vmem>>) offsets(%dma_start3A_250 : memref<128xi32, #tpu.memory_space<vmem>>) semaphore(%arg9 : memref<!tpu.dma_semaphore, #tpu.memory_space<semaphore_mem>>)
    %dma_wait3A = arith.constant 0 : i32
    %dma_wait3A_254 = arith.constant 0 : i32
    %dma_wait3A_255 = arith.constant 0 : i32
    %dma_wait3A_256 = tpu.memref_slice %arg7[%dma_wait3A_254, %dma_wait3A_255] : memref<3200x16xf32, #tpu.memory_space<vmem>> -> memref<128x16xf32, #tpu.memory_space<vmem>>
    %dma_wait3A_257 = arith.constant 0 : i32
    %dma_wait3A_258 = tpu.memref_slice %arg8[%dma_wait3A, %dma_wait3A_257] : memref<25x128xi32, #tpu.memory_space<vmem>> -> memref<1x128xi32, #tpu.memory_space<vmem>>
    %dma_wait3A_259 = tpu.memref_squeeze %dma_wait3A_258 : memref<1x128xi32, #tpu.memory_space<vmem>> -> memref<128xi32, #tpu.memory_space<vmem>>
    %dma_wait3A_260 = arith.constant 0 : i32
    %dma_wait3A_261 = arith.constant 0 : i32
    %dma_wait3A_262 = tpu.memref_slice %arg4[%dma_wait3A_260, %dma_wait3A_261] : memref<520x16xf32, #tpu.memory_space<hbm>> -> memref<520x16xf32, #tpu.memory_space<hbm>>
    tpu.wait_indirect_dma semaphore(%arg9 : memref<!tpu.dma_semaphore, #tpu.memory_space<semaphore_mem>>) src(%dma_wait3A_262 : memref<520x16xf32, #tpu.memory_space<hbm>>) dst(%dma_wait3A_256 : memref<128x16xf32, #tpu.memory_space<vmem>>)
    %dma_wait3A_263 = arith.constant 1 : i32
    %dma_wait3A_264 = arith.constant 128 : i32
    %dma_wait3A_265 = arith.constant 0 : i32
    %dma_wait3A_266 = tpu.memref_slice %arg7[%dma_wait3A_264, %dma_wait3A_265] : memref<3200x16xf32, #tpu.memory_space<vmem>> -> memref<128x16xf32, #tpu.memory_space<vmem>>
    %dma_wait3A_267 = arith.constant 0 : i32
    %dma_wait3A_268 = tpu.memref_slice %arg8[%dma_wait3A_263, %dma_wait3A_267] : memref<25x128xi32, #tpu.memory_space<vmem>> -> memref<1x128xi32, #tpu.memory_space<vmem>>
    %dma_wait3A_269 = tpu.memref_squeeze %dma_wait3A_268 : memref<1x128xi32, #tpu.memory_space<vmem>> -> memref<128xi32, #tpu.memory_space<vmem>>
    %dma_wait3A_270 = arith.constant 0 : i32
    %dma_wait3A_271 = arith.constant 0 : i32
    %dma_wait3A_272 = tpu.memref_slice %arg4[%dma_wait3A_270, %dma_wait3A_271] : memref<520x16xf32, #tpu.memory_space<hbm>> -> memref<520x16xf32, #tpu.memory_space<hbm>>
    tpu.wait_indirect_dma semaphore(%arg9 : memref<!tpu.dma_semaphore, #tpu.memory_space<semaphore_mem>>) src(%dma_wait3A_272 : memref<520x16xf32, #tpu.memory_space<hbm>>) dst(%dma_wait3A_266 : memref<128x16xf32, #tpu.memory_space<vmem>>)
    %dma_wait3A_273 = arith.constant 2 : i32
    %dma_wait3A_274 = arith.constant 256 : i32
    %dma_wait3A_275 = arith.constant 0 : i32
    %dma_wait3A_276 = tpu.memref_slice %arg7[%dma_wait3A_274, %dma_wait3A_275] : memref<3200x16xf32, #tpu.memory_space<vmem>> -> memref<128x16xf32, #tpu.memory_space<vmem>>
    %dma_wait3A_277 = arith.constant 0 : i32
    %dma_wait3A_278 = tpu.memref_slice %arg8[%dma_wait3A_273, %dma_wait3A_277] : memref<25x128xi32, #tpu.memory_space<vmem>> -> memref<1x128xi32, #tpu.memory_space<vmem>>
    %dma_wait3A_279 = tpu.memref_squeeze %dma_wait3A_278 : memref<1x128xi32, #tpu.memory_space<vmem>> -> memref<128xi32, #tpu.memory_space<vmem>>
    %dma_wait3A_280 = arith.constant 0 : i32
    %dma_wait3A_281 = arith.constant 0 : i32
    %dma_wait3A_282 = tpu.memref_slice %arg4[%dma_wait3A_280, %dma_wait3A_281] : memref<520x16xf32, #tpu.memory_space<hbm>> -> memref<520x16xf32, #tpu.memory_space<hbm>>
    tpu.wait_indirect_dma semaphore(%arg9 : memref<!tpu.dma_semaphore, #tpu.memory_space<semaphore_mem>>) src(%dma_wait3A_282 : memref<520x16xf32, #tpu.memory_space<hbm>>) dst(%dma_wait3A_276 : memref<128x16xf32, #tpu.memory_space<vmem>>)
    %dma_wait3A_283 = arith.constant 3 : i32
    %dma_wait3A_284 = arith.constant 384 : i32
    %dma_wait3A_285 = arith.constant 0 : i32
    %dma_wait3A_286 = tpu.memref_slice %arg7[%dma_wait3A_284, %dma_wait3A_285] : memref<3200x16xf32, #tpu.memory_space<vmem>> -> memref<128x16xf32, #tpu.memory_space<vmem>>
    %dma_wait3A_287 = arith.constant 0 : i32
    %dma_wait3A_288 = tpu.memref_slice %arg8[%dma_wait3A_283, %dma_wait3A_287] : memref<25x128xi32, #tpu.memory_space<vmem>> -> memref<1x128xi32, #tpu.memory_space<vmem>>
    %dma_wait3A_289 = tpu.memref_squeeze %dma_wait3A_288 : memref<1x128xi32, #tpu.memory_space<vmem>> -> memref<128xi32, #tpu.memory_space<vmem>>
    %dma_wait3A_290 = arith.constant 0 : i32
    %dma_wait3A_291 = arith.constant 0 : i32
    %dma_wait3A_292 = tpu.memref_slice %arg4[%dma_wait3A_290, %dma_wait3A_291] : memref<520x16xf32, #tpu.memory_space<hbm>> -> memref<520x16xf32, #tpu.memory_space<hbm>>
    tpu.wait_indirect_dma semaphore(%arg9 : memref<!tpu.dma_semaphore, #tpu.memory_space<semaphore_mem>>) src(%dma_wait3A_292 : memref<520x16xf32, #tpu.memory_space<hbm>>) dst(%dma_wait3A_286 : memref<128x16xf32, #tpu.memory_space<vmem>>)
    %dma_wait3A_293 = arith.constant 4 : i32
    %dma_wait3A_294 = arith.constant 512 : i32
    %dma_wait3A_295 = arith.constant 0 : i32
    %dma_wait3A_296 = tpu.memref_slice %arg7[%dma_wait3A_294, %dma_wait3A_295] : memref<3200x16xf32, #tpu.memory_space<vmem>> -> memref<128x16xf32, #tpu.memory_space<vmem>>
    %dma_wait3A_297 = arith.constant 0 : i32
    %dma_wait3A_298 = tpu.memref_slice %arg8[%dma_wait3A_293, %dma_wait3A_297] : memref<25x128xi32, #tpu.memory_space<vmem>> -> memref<1x128xi32, #tpu.memory_space<vmem>>
    %dma_wait3A_299 = tpu.memref_squeeze %dma_wait3A_298 : memref<1x128xi32, #tpu.memory_space<vmem>> -> memref<128xi32, #tpu.memory_space<vmem>>
    %dma_wait3A_300 = arith.constant 0 : i32
    %dma_wait3A_301 = arith.constant 0 : i32
    %dma_wait3A_302 = tpu.memref_slice %arg4[%dma_wait3A_300, %dma_wait3A_301] : memref<520x16xf32, #tpu.memory_space<hbm>> -> memref<520x16xf32, #tpu.memory_space<hbm>>
    tpu.wait_indirect_dma semaphore(%arg9 : memref<!tpu.dma_semaphore, #tpu.memory_space<semaphore_mem>>) src(%dma_wait3A_302 : memref<520x16xf32, #tpu.memory_space<hbm>>) dst(%dma_wait3A_296 : memref<128x16xf32, #tpu.memory_space<vmem>>)
    %dma_wait3A_303 = arith.constant 5 : i32
    %dma_wait3A_304 = arith.constant 640 : i32
    %dma_wait3A_305 = arith.constant 0 : i32
    %dma_wait3A_306 = tpu.memref_slice %arg7[%dma_wait3A_304, %dma_wait3A_305] : memref<3200x16xf32, #tpu.memory_space<vmem>> -> memref<128x16xf32, #tpu.memory_space<vmem>>
    %dma_wait3A_307 = arith.constant 0 : i32
    %dma_wait3A_308 = tpu.memref_slice %arg8[%dma_wait3A_303, %dma_wait3A_307] : memref<25x128xi32, #tpu.memory_space<vmem>> -> memref<1x128xi32, #tpu.memory_space<vmem>>
    %dma_wait3A_309 = tpu.memref_squeeze %dma_wait3A_308 : memref<1x128xi32, #tpu.memory_space<vmem>> -> memref<128xi32, #tpu.memory_space<vmem>>
    %dma_wait3A_310 = arith.constant 0 : i32
    %dma_wait3A_311 = arith.constant 0 : i32
    %dma_wait3A_312 = tpu.memref_slice %arg4[%dma_wait3A_310, %dma_wait3A_311] : memref<520x16xf32, #tpu.memory_space<hbm>> -> memref<520x16xf32, #tpu.memory_space<hbm>>
    tpu.wait_indirect_dma semaphore(%arg9 : memref<!tpu.dma_semaphore, #tpu.memory_space<semaphore_mem>>) src(%dma_wait3A_312 : memref<520x16xf32, #tpu.memory_space<hbm>>) dst(%dma_wait3A_306 : memref<128x16xf32, #tpu.memory_space<vmem>>)
    %dma_wait3A_313 = arith.constant 6 : i32
    %dma_wait3A_314 = arith.constant 768 : i32
    %dma_wait3A_315 = arith.constant 0 : i32
    %dma_wait3A_316 = tpu.memref_slice %arg7[%dma_wait3A_314, %dma_wait3A_315] : memref<3200x16xf32, #tpu.memory_space<vmem>> -> memref<128x16xf32, #tpu.memory_space<vmem>>
    %dma_wait3A_317 = arith.constant 0 : i32
    %dma_wait3A_318 = tpu.memref_slice %arg8[%dma_wait3A_313, %dma_wait3A_317] : memref<25x128xi32, #tpu.memory_space<vmem>> -> memref<1x128xi32, #tpu.memory_space<vmem>>
    %dma_wait3A_319 = tpu.memref_squeeze %dma_wait3A_318 : memref<1x128xi32, #tpu.memory_space<vmem>> -> memref<128xi32, #tpu.memory_space<vmem>>
    %dma_wait3A_320 = arith.constant 0 : i32
    %dma_wait3A_321 = arith.constant 0 : i32
    %dma_wait3A_322 = tpu.memref_slice %arg4[%dma_wait3A_320, %dma_wait3A_321] : memref<520x16xf32, #tpu.memory_space<hbm>> -> memref<520x16xf32, #tpu.memory_space<hbm>>
    tpu.wait_indirect_dma semaphore(%arg9 : memref<!tpu.dma_semaphore, #tpu.memory_space<semaphore_mem>>) src(%dma_wait3A_322 : memref<520x16xf32, #tpu.memory_space<hbm>>) dst(%dma_wait3A_316 : memref<128x16xf32, #tpu.memory_space<vmem>>)
    %dma_wait3A_323 = arith.constant 7 : i32
    %dma_wait3A_324 = arith.constant 896 : i32
    %dma_wait3A_325 = arith.constant 0 : i32
    %dma_wait3A_326 = tpu.memref_slice %arg7[%dma_wait3A_324, %dma_wait3A_325] : memref<3200x16xf32, #tpu.memory_space<vmem>> -> memref<128x16xf32, #tpu.memory_space<vmem>>
    %dma_wait3A_327 = arith.constant 0 : i32
    %dma_wait3A_328 = tpu.memref_slice %arg8[%dma_wait3A_323, %dma_wait3A_327] : memref<25x128xi32, #tpu.memory_space<vmem>> -> memref<1x128xi32, #tpu.memory_space<vmem>>
    %dma_wait3A_329 = tpu.memref_squeeze %dma_wait3A_328 : memref<1x128xi32, #tpu.memory_space<vmem>> -> memref<128xi32, #tpu.memory_space<vmem>>
    %dma_wait3A_330 = arith.constant 0 : i32
    %dma_wait3A_331 = arith.constant 0 : i32
    %dma_wait3A_332 = tpu.memref_slice %arg4[%dma_wait3A_330, %dma_wait3A_331] : memref<520x16xf32, #tpu.memory_space<hbm>> -> memref<520x16xf32, #tpu.memory_space<hbm>>
    tpu.wait_indirect_dma semaphore(%arg9 : memref<!tpu.dma_semaphore, #tpu.memory_space<semaphore_mem>>) src(%dma_wait3A_332 : memref<520x16xf32, #tpu.memory_space<hbm>>) dst(%dma_wait3A_326 : memref<128x16xf32, #tpu.memory_space<vmem>>)
    %dma_wait3A_333 = arith.constant 8 : i32
    %dma_wait3A_334 = arith.constant 1024 : i32
    %dma_wait3A_335 = arith.constant 0 : i32
    %dma_wait3A_336 = tpu.memref_slice %arg7[%dma_wait3A_334, %dma_wait3A_335] : memref<3200x16xf32, #tpu.memory_space<vmem>> -> memref<128x16xf32, #tpu.memory_space<vmem>>
    %dma_wait3A_337 = arith.constant 0 : i32
    %dma_wait3A_338 = tpu.memref_slice %arg8[%dma_wait3A_333, %dma_wait3A_337] : memref<25x128xi32, #tpu.memory_space<vmem>> -> memref<1x128xi32, #tpu.memory_space<vmem>>
    %dma_wait3A_339 = tpu.memref_squeeze %dma_wait3A_338 : memref<1x128xi32, #tpu.memory_space<vmem>> -> memref<128xi32, #tpu.memory_space<vmem>>
    %dma_wait3A_340 = arith.constant 0 : i32
    %dma_wait3A_341 = arith.constant 0 : i32
    %dma_wait3A_342 = tpu.memref_slice %arg4[%dma_wait3A_340, %dma_wait3A_341] : memref<520x16xf32, #tpu.memory_space<hbm>> -> memref<520x16xf32, #tpu.memory_space<hbm>>
    tpu.wait_indirect_dma semaphore(%arg9 : memref<!tpu.dma_semaphore, #tpu.memory_space<semaphore_mem>>) src(%dma_wait3A_342 : memref<520x16xf32, #tpu.memory_space<hbm>>) dst(%dma_wait3A_336 : memref<128x16xf32, #tpu.memory_space<vmem>>)
    %dma_wait3A_343 = arith.constant 9 : i32
    %dma_wait3A_344 = arith.constant 1152 : i32
    %dma_wait3A_345 = arith.constant 0 : i32
    %dma_wait3A_346 = tpu.memref_slice %arg7[%dma_wait3A_344, %dma_wait3A_345] : memref<3200x16xf32, #tpu.memory_space<vmem>> -> memref<128x16xf32, #tpu.memory_space<vmem>>
    %dma_wait3A_347 = arith.constant 0 : i32
    %dma_wait3A_348 = tpu.memref_slice %arg8[%dma_wait3A_343, %dma_wait3A_347] : memref<25x128xi32, #tpu.memory_space<vmem>> -> memref<1x128xi32, #tpu.memory_space<vmem>>
    %dma_wait3A_349 = tpu.memref_squeeze %dma_wait3A_348 : memref<1x128xi32, #tpu.memory_space<vmem>> -> memref<128xi32, #tpu.memory_space<vmem>>
    %dma_wait3A_350 = arith.constant 0 : i32
    %dma_wait3A_351 = arith.constant 0 : i32
    %dma_wait3A_352 = tpu.memref_slice %arg4[%dma_wait3A_350, %dma_wait3A_351] : memref<520x16xf32, #tpu.memory_space<hbm>> -> memref<520x16xf32, #tpu.memory_space<hbm>>
    tpu.wait_indirect_dma semaphore(%arg9 : memref<!tpu.dma_semaphore, #tpu.memory_space<semaphore_mem>>) src(%dma_wait3A_352 : memref<520x16xf32, #tpu.memory_space<hbm>>) dst(%dma_wait3A_346 : memref<128x16xf32, #tpu.memory_space<vmem>>)
    %dma_wait3A_353 = arith.constant 10 : i32
    %dma_wait3A_354 = arith.constant 1280 : i32
    %dma_wait3A_355 = arith.constant 0 : i32
    %dma_wait3A_356 = tpu.memref_slice %arg7[%dma_wait3A_354, %dma_wait3A_355] : memref<3200x16xf32, #tpu.memory_space<vmem>> -> memref<128x16xf32, #tpu.memory_space<vmem>>
    %dma_wait3A_357 = arith.constant 0 : i32
    %dma_wait3A_358 = tpu.memref_slice %arg8[%dma_wait3A_353, %dma_wait3A_357] : memref<25x128xi32, #tpu.memory_space<vmem>> -> memref<1x128xi32, #tpu.memory_space<vmem>>
    %dma_wait3A_359 = tpu.memref_squeeze %dma_wait3A_358 : memref<1x128xi32, #tpu.memory_space<vmem>> -> memref<128xi32, #tpu.memory_space<vmem>>
    %dma_wait3A_360 = arith.constant 0 : i32
    %dma_wait3A_361 = arith.constant 0 : i32
    %dma_wait3A_362 = tpu.memref_slice %arg4[%dma_wait3A_360, %dma_wait3A_361] : memref<520x16xf32, #tpu.memory_space<hbm>> -> memref<520x16xf32, #tpu.memory_space<hbm>>
    tpu.wait_indirect_dma semaphore(%arg9 : memref<!tpu.dma_semaphore, #tpu.memory_space<semaphore_mem>>) src(%dma_wait3A_362 : memref<520x16xf32, #tpu.memory_space<hbm>>) dst(%dma_wait3A_356 : memref<128x16xf32, #tpu.memory_space<vmem>>)
    %dma_wait3A_363 = arith.constant 11 : i32
    %dma_wait3A_364 = arith.constant 1408 : i32
    %dma_wait3A_365 = arith.constant 0 : i32
    %dma_wait3A_366 = tpu.memref_slice %arg7[%dma_wait3A_364, %dma_wait3A_365] : memref<3200x16xf32, #tpu.memory_space<vmem>> -> memref<128x16xf32, #tpu.memory_space<vmem>>
    %dma_wait3A_367 = arith.constant 0 : i32
    %dma_wait3A_368 = tpu.memref_slice %arg8[%dma_wait3A_363, %dma_wait3A_367] : memref<25x128xi32, #tpu.memory_space<vmem>> -> memref<1x128xi32, #tpu.memory_space<vmem>>
    %dma_wait3A_369 = tpu.memref_squeeze %dma_wait3A_368 : memref<1x128xi32, #tpu.memory_space<vmem>> -> memref<128xi32, #tpu.memory_space<vmem>>
    %dma_wait3A_370 = arith.constant 0 : i32
    %dma_wait3A_371 = arith.constant 0 : i32
    %dma_wait3A_372 = tpu.memref_slice %arg4[%dma_wait3A_370, %dma_wait3A_371] : memref<520x16xf32, #tpu.memory_space<hbm>> -> memref<520x16xf32, #tpu.memory_space<hbm>>
    tpu.wait_indirect_dma semaphore(%arg9 : memref<!tpu.dma_semaphore, #tpu.memory_space<semaphore_mem>>) src(%dma_wait3A_372 : memref<520x16xf32, #tpu.memory_space<hbm>>) dst(%dma_wait3A_366 : memref<128x16xf32, #tpu.memory_space<vmem>>)
    %dma_wait3A_373 = arith.constant 12 : i32
    %dma_wait3A_374 = arith.constant 1536 : i32
    %dma_wait3A_375 = arith.constant 0 : i32
    %dma_wait3A_376 = tpu.memref_slice %arg7[%dma_wait3A_374, %dma_wait3A_375] : memref<3200x16xf32, #tpu.memory_space<vmem>> -> memref<128x16xf32, #tpu.memory_space<vmem>>
    %dma_wait3A_377 = arith.constant 0 : i32
    %dma_wait3A_378 = tpu.memref_slice %arg8[%dma_wait3A_373, %dma_wait3A_377] : memref<25x128xi32, #tpu.memory_space<vmem>> -> memref<1x128xi32, #tpu.memory_space<vmem>>
    %dma_wait3A_379 = tpu.memref_squeeze %dma_wait3A_378 : memref<1x128xi32, #tpu.memory_space<vmem>> -> memref<128xi32, #tpu.memory_space<vmem>>
    %dma_wait3A_380 = arith.constant 0 : i32
    %dma_wait3A_381 = arith.constant 0 : i32
    %dma_wait3A_382 = tpu.memref_slice %arg4[%dma_wait3A_380, %dma_wait3A_381] : memref<520x16xf32, #tpu.memory_space<hbm>> -> memref<520x16xf32, #tpu.memory_space<hbm>>
    tpu.wait_indirect_dma semaphore(%arg9 : memref<!tpu.dma_semaphore, #tpu.memory_space<semaphore_mem>>) src(%dma_wait3A_382 : memref<520x16xf32, #tpu.memory_space<hbm>>) dst(%dma_wait3A_376 : memref<128x16xf32, #tpu.memory_space<vmem>>)
    %dma_wait3A_383 = arith.constant 13 : i32
    %dma_wait3A_384 = arith.constant 1664 : i32
    %dma_wait3A_385 = arith.constant 0 : i32
    %dma_wait3A_386 = tpu.memref_slice %arg7[%dma_wait3A_384, %dma_wait3A_385] : memref<3200x16xf32, #tpu.memory_space<vmem>> -> memref<128x16xf32, #tpu.memory_space<vmem>>
    %dma_wait3A_387 = arith.constant 0 : i32
    %dma_wait3A_388 = tpu.memref_slice %arg8[%dma_wait3A_383, %dma_wait3A_387] : memref<25x128xi32, #tpu.memory_space<vmem>> -> memref<1x128xi32, #tpu.memory_space<vmem>>
    %dma_wait3A_389 = tpu.memref_squeeze %dma_wait3A_388 : memref<1x128xi32, #tpu.memory_space<vmem>> -> memref<128xi32, #tpu.memory_space<vmem>>
    %dma_wait3A_390 = arith.constant 0 : i32
    %dma_wait3A_391 = arith.constant 0 : i32
    %dma_wait3A_392 = tpu.memref_slice %arg4[%dma_wait3A_390, %dma_wait3A_391] : memref<520x16xf32, #tpu.memory_space<hbm>> -> memref<520x16xf32, #tpu.memory_space<hbm>>
    tpu.wait_indirect_dma semaphore(%arg9 : memref<!tpu.dma_semaphore, #tpu.memory_space<semaphore_mem>>) src(%dma_wait3A_392 : memref<520x16xf32, #tpu.memory_space<hbm>>) dst(%dma_wait3A_386 : memref<128x16xf32, #tpu.memory_space<vmem>>)
    %dma_wait3A_393 = arith.constant 14 : i32
    %dma_wait3A_394 = arith.constant 1792 : i32
    %dma_wait3A_395 = arith.constant 0 : i32
    %dma_wait3A_396 = tpu.memref_slice %arg7[%dma_wait3A_394, %dma_wait3A_395] : memref<3200x16xf32, #tpu.memory_space<vmem>> -> memref<128x16xf32, #tpu.memory_space<vmem>>
    %dma_wait3A_397 = arith.constant 0 : i32
    %dma_wait3A_398 = tpu.memref_slice %arg8[%dma_wait3A_393, %dma_wait3A_397] : memref<25x128xi32, #tpu.memory_space<vmem>> -> memref<1x128xi32, #tpu.memory_space<vmem>>
    %dma_wait3A_399 = tpu.memref_squeeze %dma_wait3A_398 : memref<1x128xi32, #tpu.memory_space<vmem>> -> memref<128xi32, #tpu.memory_space<vmem>>
    %dma_wait3A_400 = arith.constant 0 : i32
    %dma_wait3A_401 = arith.constant 0 : i32
    %dma_wait3A_402 = tpu.memref_slice %arg4[%dma_wait3A_400, %dma_wait3A_401] : memref<520x16xf32, #tpu.memory_space<hbm>> -> memref<520x16xf32, #tpu.memory_space<hbm>>
    tpu.wait_indirect_dma semaphore(%arg9 : memref<!tpu.dma_semaphore, #tpu.memory_space<semaphore_mem>>) src(%dma_wait3A_402 : memref<520x16xf32, #tpu.memory_space<hbm>>) dst(%dma_wait3A_396 : memref<128x16xf32, #tpu.memory_space<vmem>>)
    %dma_wait3A_403 = arith.constant 15 : i32
    %dma_wait3A_404 = arith.constant 1920 : i32
    %dma_wait3A_405 = arith.constant 0 : i32
    %dma_wait3A_406 = tpu.memref_slice %arg7[%dma_wait3A_404, %dma_wait3A_405] : memref<3200x16xf32, #tpu.memory_space<vmem>> -> memref<128x16xf32, #tpu.memory_space<vmem>>
    %dma_wait3A_407 = arith.constant 0 : i32
    %dma_wait3A_408 = tpu.memref_slice %arg8[%dma_wait3A_403, %dma_wait3A_407] : memref<25x128xi32, #tpu.memory_space<vmem>> -> memref<1x128xi32, #tpu.memory_space<vmem>>
    %dma_wait3A_409 = tpu.memref_squeeze %dma_wait3A_408 : memref<1x128xi32, #tpu.memory_space<vmem>> -> memref<128xi32, #tpu.memory_space<vmem>>
    %dma_wait3A_410 = arith.constant 0 : i32
    %dma_wait3A_411 = arith.constant 0 : i32
    %dma_wait3A_412 = tpu.memref_slice %arg4[%dma_wait3A_410, %dma_wait3A_411] : memref<520x16xf32, #tpu.memory_space<hbm>> -> memref<520x16xf32, #tpu.memory_space<hbm>>
    tpu.wait_indirect_dma semaphore(%arg9 : memref<!tpu.dma_semaphore, #tpu.memory_space<semaphore_mem>>) src(%dma_wait3A_412 : memref<520x16xf32, #tpu.memory_space<hbm>>) dst(%dma_wait3A_406 : memref<128x16xf32, #tpu.memory_space<vmem>>)
    %dma_wait3A_413 = arith.constant 16 : i32
    %dma_wait3A_414 = arith.constant 2048 : i32
    %dma_wait3A_415 = arith.constant 0 : i32
    %dma_wait3A_416 = tpu.memref_slice %arg7[%dma_wait3A_414, %dma_wait3A_415] : memref<3200x16xf32, #tpu.memory_space<vmem>> -> memref<128x16xf32, #tpu.memory_space<vmem>>
    %dma_wait3A_417 = arith.constant 0 : i32
    %dma_wait3A_418 = tpu.memref_slice %arg8[%dma_wait3A_413, %dma_wait3A_417] : memref<25x128xi32, #tpu.memory_space<vmem>> -> memref<1x128xi32, #tpu.memory_space<vmem>>
    %dma_wait3A_419 = tpu.memref_squeeze %dma_wait3A_418 : memref<1x128xi32, #tpu.memory_space<vmem>> -> memref<128xi32, #tpu.memory_space<vmem>>
    %dma_wait3A_420 = arith.constant 0 : i32
    %dma_wait3A_421 = arith.constant 0 : i32
    %dma_wait3A_422 = tpu.memref_slice %arg4[%dma_wait3A_420, %dma_wait3A_421] : memref<520x16xf32, #tpu.memory_space<hbm>> -> memref<520x16xf32, #tpu.memory_space<hbm>>
    tpu.wait_indirect_dma semaphore(%arg9 : memref<!tpu.dma_semaphore, #tpu.memory_space<semaphore_mem>>) src(%dma_wait3A_422 : memref<520x16xf32, #tpu.memory_space<hbm>>) dst(%dma_wait3A_416 : memref<128x16xf32, #tpu.memory_space<vmem>>)
    %dma_wait3A_423 = arith.constant 17 : i32
    %dma_wait3A_424 = arith.constant 2176 : i32
    %dma_wait3A_425 = arith.constant 0 : i32
    %dma_wait3A_426 = tpu.memref_slice %arg7[%dma_wait3A_424, %dma_wait3A_425] : memref<3200x16xf32, #tpu.memory_space<vmem>> -> memref<128x16xf32, #tpu.memory_space<vmem>>
    %dma_wait3A_427 = arith.constant 0 : i32
    %dma_wait3A_428 = tpu.memref_slice %arg8[%dma_wait3A_423, %dma_wait3A_427] : memref<25x128xi32, #tpu.memory_space<vmem>> -> memref<1x128xi32, #tpu.memory_space<vmem>>
    %dma_wait3A_429 = tpu.memref_squeeze %dma_wait3A_428 : memref<1x128xi32, #tpu.memory_space<vmem>> -> memref<128xi32, #tpu.memory_space<vmem>>
    %dma_wait3A_430 = arith.constant 0 : i32
    %dma_wait3A_431 = arith.constant 0 : i32
    %dma_wait3A_432 = tpu.memref_slice %arg4[%dma_wait3A_430, %dma_wait3A_431] : memref<520x16xf32, #tpu.memory_space<hbm>> -> memref<520x16xf32, #tpu.memory_space<hbm>>
    tpu.wait_indirect_dma semaphore(%arg9 : memref<!tpu.dma_semaphore, #tpu.memory_space<semaphore_mem>>) src(%dma_wait3A_432 : memref<520x16xf32, #tpu.memory_space<hbm>>) dst(%dma_wait3A_426 : memref<128x16xf32, #tpu.memory_space<vmem>>)
    %dma_wait3A_433 = arith.constant 18 : i32
    %dma_wait3A_434 = arith.constant 2304 : i32
    %dma_wait3A_435 = arith.constant 0 : i32
    %dma_wait3A_436 = tpu.memref_slice %arg7[%dma_wait3A_434, %dma_wait3A_435] : memref<3200x16xf32, #tpu.memory_space<vmem>> -> memref<128x16xf32, #tpu.memory_space<vmem>>
    %dma_wait3A_437 = arith.constant 0 : i32
    %dma_wait3A_438 = tpu.memref_slice %arg8[%dma_wait3A_433, %dma_wait3A_437] : memref<25x128xi32, #tpu.memory_space<vmem>> -> memref<1x128xi32, #tpu.memory_space<vmem>>
    %dma_wait3A_439 = tpu.memref_squeeze %dma_wait3A_438 : memref<1x128xi32, #tpu.memory_space<vmem>> -> memref<128xi32, #tpu.memory_space<vmem>>
    %dma_wait3A_440 = arith.constant 0 : i32
    %dma_wait3A_441 = arith.constant 0 : i32
    %dma_wait3A_442 = tpu.memref_slice %arg4[%dma_wait3A_440, %dma_wait3A_441] : memref<520x16xf32, #tpu.memory_space<hbm>> -> memref<520x16xf32, #tpu.memory_space<hbm>>
    tpu.wait_indirect_dma semaphore(%arg9 : memref<!tpu.dma_semaphore, #tpu.memory_space<semaphore_mem>>) src(%dma_wait3A_442 : memref<520x16xf32, #tpu.memory_space<hbm>>) dst(%dma_wait3A_436 : memref<128x16xf32, #tpu.memory_space<vmem>>)
    %dma_wait3A_443 = arith.constant 19 : i32
    %dma_wait3A_444 = arith.constant 2432 : i32
    %dma_wait3A_445 = arith.constant 0 : i32
    %dma_wait3A_446 = tpu.memref_slice %arg7[%dma_wait3A_444, %dma_wait3A_445] : memref<3200x16xf32, #tpu.memory_space<vmem>> -> memref<128x16xf32, #tpu.memory_space<vmem>>
    %dma_wait3A_447 = arith.constant 0 : i32
    %dma_wait3A_448 = tpu.memref_slice %arg8[%dma_wait3A_443, %dma_wait3A_447] : memref<25x128xi32, #tpu.memory_space<vmem>> -> memref<1x128xi32, #tpu.memory_space<vmem>>
    %dma_wait3A_449 = tpu.memref_squeeze %dma_wait3A_448 : memref<1x128xi32, #tpu.memory_space<vmem>> -> memref<128xi32, #tpu.memory_space<vmem>>
    %dma_wait3A_450 = arith.constant 0 : i32
    %dma_wait3A_451 = arith.constant 0 : i32
    %dma_wait3A_452 = tpu.memref_slice %arg4[%dma_wait3A_450, %dma_wait3A_451] : memref<520x16xf32, #tpu.memory_space<hbm>> -> memref<520x16xf32, #tpu.memory_space<hbm>>
    tpu.wait_indirect_dma semaphore(%arg9 : memref<!tpu.dma_semaphore, #tpu.memory_space<semaphore_mem>>) src(%dma_wait3A_452 : memref<520x16xf32, #tpu.memory_space<hbm>>) dst(%dma_wait3A_446 : memref<128x16xf32, #tpu.memory_space<vmem>>)
    %dma_wait3A_453 = arith.constant 20 : i32
    %dma_wait3A_454 = arith.constant 2560 : i32
    %dma_wait3A_455 = arith.constant 0 : i32
    %dma_wait3A_456 = tpu.memref_slice %arg7[%dma_wait3A_454, %dma_wait3A_455] : memref<3200x16xf32, #tpu.memory_space<vmem>> -> memref<128x16xf32, #tpu.memory_space<vmem>>
    %dma_wait3A_457 = arith.constant 0 : i32
    %dma_wait3A_458 = tpu.memref_slice %arg8[%dma_wait3A_453, %dma_wait3A_457] : memref<25x128xi32, #tpu.memory_space<vmem>> -> memref<1x128xi32, #tpu.memory_space<vmem>>
    %dma_wait3A_459 = tpu.memref_squeeze %dma_wait3A_458 : memref<1x128xi32, #tpu.memory_space<vmem>> -> memref<128xi32, #tpu.memory_space<vmem>>
    %dma_wait3A_460 = arith.constant 0 : i32
    %dma_wait3A_461 = arith.constant 0 : i32
    %dma_wait3A_462 = tpu.memref_slice %arg4[%dma_wait3A_460, %dma_wait3A_461] : memref<520x16xf32, #tpu.memory_space<hbm>> -> memref<520x16xf32, #tpu.memory_space<hbm>>
    tpu.wait_indirect_dma semaphore(%arg9 : memref<!tpu.dma_semaphore, #tpu.memory_space<semaphore_mem>>) src(%dma_wait3A_462 : memref<520x16xf32, #tpu.memory_space<hbm>>) dst(%dma_wait3A_456 : memref<128x16xf32, #tpu.memory_space<vmem>>)
    %dma_wait3A_463 = arith.constant 21 : i32
    %dma_wait3A_464 = arith.constant 2688 : i32
    %dma_wait3A_465 = arith.constant 0 : i32
    %dma_wait3A_466 = tpu.memref_slice %arg7[%dma_wait3A_464, %dma_wait3A_465] : memref<3200x16xf32, #tpu.memory_space<vmem>> -> memref<128x16xf32, #tpu.memory_space<vmem>>
    %dma_wait3A_467 = arith.constant 0 : i32
    %dma_wait3A_468 = tpu.memref_slice %arg8[%dma_wait3A_463, %dma_wait3A_467] : memref<25x128xi32, #tpu.memory_space<vmem>> -> memref<1x128xi32, #tpu.memory_space<vmem>>
    %dma_wait3A_469 = tpu.memref_squeeze %dma_wait3A_468 : memref<1x128xi32, #tpu.memory_space<vmem>> -> memref<128xi32, #tpu.memory_space<vmem>>
    %dma_wait3A_470 = arith.constant 0 : i32
    %dma_wait3A_471 = arith.constant 0 : i32
    %dma_wait3A_472 = tpu.memref_slice %arg4[%dma_wait3A_470, %dma_wait3A_471] : memref<520x16xf32, #tpu.memory_space<hbm>> -> memref<520x16xf32, #tpu.memory_space<hbm>>
    tpu.wait_indirect_dma semaphore(%arg9 : memref<!tpu.dma_semaphore, #tpu.memory_space<semaphore_mem>>) src(%dma_wait3A_472 : memref<520x16xf32, #tpu.memory_space<hbm>>) dst(%dma_wait3A_466 : memref<128x16xf32, #tpu.memory_space<vmem>>)
    %dma_wait3A_473 = arith.constant 22 : i32
    %dma_wait3A_474 = arith.constant 2816 : i32
    %dma_wait3A_475 = arith.constant 0 : i32
    %dma_wait3A_476 = tpu.memref_slice %arg7[%dma_wait3A_474, %dma_wait3A_475] : memref<3200x16xf32, #tpu.memory_space<vmem>> -> memref<128x16xf32, #tpu.memory_space<vmem>>
    %dma_wait3A_477 = arith.constant 0 : i32
    %dma_wait3A_478 = tpu.memref_slice %arg8[%dma_wait3A_473, %dma_wait3A_477] : memref<25x128xi32, #tpu.memory_space<vmem>> -> memref<1x128xi32, #tpu.memory_space<vmem>>
    %dma_wait3A_479 = tpu.memref_squeeze %dma_wait3A_478 : memref<1x128xi32, #tpu.memory_space<vmem>> -> memref<128xi32, #tpu.memory_space<vmem>>
    %dma_wait3A_480 = arith.constant 0 : i32
    %dma_wait3A_481 = arith.constant 0 : i32
    %dma_wait3A_482 = tpu.memref_slice %arg4[%dma_wait3A_480, %dma_wait3A_481] : memref<520x16xf32, #tpu.memory_space<hbm>> -> memref<520x16xf32, #tpu.memory_space<hbm>>
    tpu.wait_indirect_dma semaphore(%arg9 : memref<!tpu.dma_semaphore, #tpu.memory_space<semaphore_mem>>) src(%dma_wait3A_482 : memref<520x16xf32, #tpu.memory_space<hbm>>) dst(%dma_wait3A_476 : memref<128x16xf32, #tpu.memory_space<vmem>>)
    %dma_wait3A_483 = arith.constant 23 : i32
    %dma_wait3A_484 = arith.constant 2944 : i32
    %dma_wait3A_485 = arith.constant 0 : i32
    %dma_wait3A_486 = tpu.memref_slice %arg7[%dma_wait3A_484, %dma_wait3A_485] : memref<3200x16xf32, #tpu.memory_space<vmem>> -> memref<128x16xf32, #tpu.memory_space<vmem>>
    %dma_wait3A_487 = arith.constant 0 : i32
    %dma_wait3A_488 = tpu.memref_slice %arg8[%dma_wait3A_483, %dma_wait3A_487] : memref<25x128xi32, #tpu.memory_space<vmem>> -> memref<1x128xi32, #tpu.memory_space<vmem>>
    %dma_wait3A_489 = tpu.memref_squeeze %dma_wait3A_488 : memref<1x128xi32, #tpu.memory_space<vmem>> -> memref<128xi32, #tpu.memory_space<vmem>>
    %dma_wait3A_490 = arith.constant 0 : i32
    %dma_wait3A_491 = arith.constant 0 : i32
    %dma_wait3A_492 = tpu.memref_slice %arg4[%dma_wait3A_490, %dma_wait3A_491] : memref<520x16xf32, #tpu.memory_space<hbm>> -> memref<520x16xf32, #tpu.memory_space<hbm>>
    tpu.wait_indirect_dma semaphore(%arg9 : memref<!tpu.dma_semaphore, #tpu.memory_space<semaphore_mem>>) src(%dma_wait3A_492 : memref<520x16xf32, #tpu.memory_space<hbm>>) dst(%dma_wait3A_486 : memref<128x16xf32, #tpu.memory_space<vmem>>)
    %dma_wait3A_493 = arith.constant 24 : i32
    %dma_wait3A_494 = arith.constant 3072 : i32
    %dma_wait3A_495 = arith.constant 0 : i32
    %dma_wait3A_496 = tpu.memref_slice %arg7[%dma_wait3A_494, %dma_wait3A_495] : memref<3200x16xf32, #tpu.memory_space<vmem>> -> memref<128x16xf32, #tpu.memory_space<vmem>>
    %dma_wait3A_497 = arith.constant 0 : i32
    %dma_wait3A_498 = tpu.memref_slice %arg8[%dma_wait3A_493, %dma_wait3A_497] : memref<25x128xi32, #tpu.memory_space<vmem>> -> memref<1x128xi32, #tpu.memory_space<vmem>>
    %dma_wait3A_499 = tpu.memref_squeeze %dma_wait3A_498 : memref<1x128xi32, #tpu.memory_space<vmem>> -> memref<128xi32, #tpu.memory_space<vmem>>
    %dma_wait3A_500 = arith.constant 0 : i32
    %dma_wait3A_501 = arith.constant 0 : i32
    %dma_wait3A_502 = tpu.memref_slice %arg4[%dma_wait3A_500, %dma_wait3A_501] : memref<520x16xf32, #tpu.memory_space<hbm>> -> memref<520x16xf32, #tpu.memory_space<hbm>>
    tpu.wait_indirect_dma semaphore(%arg9 : memref<!tpu.dma_semaphore, #tpu.memory_space<semaphore_mem>>) src(%dma_wait3A_502 : memref<520x16xf32, #tpu.memory_space<hbm>>) dst(%dma_wait3A_496 : memref<128x16xf32, #tpu.memory_space<vmem>>)
    %scan3A = arith.constant 0 : i32
    %scan3A_503 = arith.constant 3200 : i32
    %scan3A_504 = arith.addi %scan3A, %scan3A_503 : i32
    %scan3A_505 = arith.constant 1 : i32
    scf.for %scan3A_507 = %scan3A to %scan3A_504 step %scan3A_505  : i32 {
      %get3A = arith.index_cast %scan3A_507 : i32 to index
      %get3A_508 = arith.constant 0 : index
      %get3A_509 = tpu.vector_load %arg6[%get3A, %get3A_508] {strides = array<i32>} : memref<3200x16xf32, #tpu.memory_space<vmem>>, vector<1x16xf32>,
      %get3A_510 = vector.shape_cast %get3A_509 : vector<1x16xf32> to vector<16xf32>
      %get3A_511 = arith.index_cast %scan3A_507 : i32 to index
      %get3A_512 = arith.constant 0 : index
      %get3A_513 = tpu.vector_load %arg7[%get3A_511, %get3A_512] {strides = array<i32>} : memref<3200x16xf32, #tpu.memory_space<vmem>>, vector<1x16xf32>,
      %get3A_514 = vector.shape_cast %get3A_513 : vector<1x16xf32> to vector<16xf32>
      %sub3A = arith.subf %get3A_510, %get3A_514 : vector<16xf32>
      %swap3A = arith.index_cast %scan3A_507 : i32 to index
      %swap3A_515 = arith.constant 0 : index
      %swap3A_516 = tpu.vector_load %arg6[%swap3A, %swap3A_515] {strides = array<i32>} : memref<3200x16xf32, #tpu.memory_space<vmem>>, vector<1x16xf32>,
      %swap3A_517 = vector.shape_cast %swap3A_516 : vector<1x16xf32> to vector<16xf32>
      %swap3A_518 = vector.shape_cast %sub3A : vector<16xf32> to vector<1x16xf32>
      tpu.vector_store %arg6[%swap3A, %swap3A_515], %swap3A_518 {strides = array<i32>} : memref<3200x16xf32, #tpu.memory_space<vmem>>, vector<1x16xf32>,
    }
    %scan3A_506 = arith.constant 3200 : i32
    "tpu.region"() ({
      %run_scoped3A = tpu.sem_alloc : memref<!tpu.dma_semaphore, #tpu.memory_space<semaphore_mem>>
      %dma_start3A_507 = arith.constant 0 : i32
      %dma_start3A_508 = tpu.memref_slice %arg5[%mul3A_2, %dma_start3A_507] : memref<102400x16xf32, #tpu.memory_space<hbm>> -> memref<3200x16xf32, #tpu.memory_space<hbm>>
      %dma_start3A_509 = arith.constant 0 : i32
      %dma_start3A_510 = tpu.memref_slice %arg5[%mul3A_2, %dma_start3A_509] : memref<102400x16xf32, #tpu.memory_space<hbm>> -> memref<3200x16xf32, #tpu.memory_space<hbm>>
      tpu.enqueue_dma source(%arg6 : memref<3200x16xf32, #tpu.memory_space<vmem>>) target(%dma_start3A_510 : memref<3200x16xf32, #tpu.memory_space<hbm>>) target_semaphore(%run_scoped3A : memref<!tpu.dma_semaphore, #tpu.memory_space<semaphore_mem>>)
      %dma_wait3A_511 = arith.constant 0 : i32
      %dma_wait3A_512 = tpu.memref_slice %arg5[%mul3A_2, %dma_wait3A_511] : memref<102400x16xf32, #tpu.memory_space<hbm>> -> memref<3200x16xf32, #tpu.memory_space<hbm>>
      %dma_wait3A_513 = arith.constant 0 : i32
      %dma_wait3A_514 = tpu.memref_slice %arg5[%mul3A_2, %dma_wait3A_513] : memref<102400x16xf32, #tpu.memory_space<hbm>> -> memref<3200x16xf32, #tpu.memory_space<hbm>>
      tpu.wait_dma2 semaphore(%run_scoped3A : memref<!tpu.dma_semaphore, #tpu.memory_space<semaphore_mem>>) src(%arg6 : memref<3200x16xf32, #tpu.memory_space<vmem>>) dst(%dma_wait3A_514 : memref<3200x16xf32, #tpu.memory_space<hbm>>)
      tpu.yield
    }) : () -> ()
    return
  }
}

module attributes {stable_mosaic.version = 14 : i64} {
  func.func @_dense_body(%arg0: i32, %arg1: memref<4000x1xf32, #tpu.memory_space<vmem>>, %arg2: memref<4000x3xf32, #tpu.memory_space<vmem>>, %arg3: memref<4000x3xf32, #tpu.memory_space<vmem>>, %arg4: memref<4000x3xf32, #tpu.memory_space<vmem>>, %arg5: memref<4000x3xf32, #tpu.memory_space<vmem>>, %arg6: memref<4000x3xf32, #tpu.memory_space<vmem>>, %arg7: memref<4000x3xf32, #tpu.memory_space<vmem>>, %arg8: memref<4000x3xf32, #tpu.memory_space<vmem>>) attributes {dimension_semantics = [#tpu.dimension_semantics<arbitrary>], iteration_bounds = array<i64: 25>, scalar_prefetch = 0 : i64, scratch_operands = 0 : i64, tpu.core_type = #tpu.core_type<tc>, window_params = [{transform_indices = @transform_0, window_bounds = array<i64: 4000, 1>}, {transform_indices = @transform_1, window_bounds = array<i64: 4000, 3>}, {transform_indices = @transform_2, window_bounds = array<i64: 4000, 3>}, {transform_indices = @transform_3, window_bounds = array<i64: 4000, 3>}, {transform_indices = @transform_4, window_bounds = array<i64: 4000, 3>}, {transform_indices = @transform_5, window_bounds = array<i64: 4000, 3>}, {transform_indices = @transform_6, window_bounds = array<i64: 4000, 3>}, {transform_indices = @transform_7, window_bounds = array<i64: 4000, 3>}]} {
    %get3A = arith.constant 0 : index
    %get3A_0 = arith.constant 0 : index
    %get3A_1 = vector.load %arg1[%get3A, %get3A_0] : memref<4000x1xf32, #tpu.memory_space<vmem>>, vector<4000x1xf32>
    %broadcast_in_dim3A = vector.shape_cast %get3A_1 : vector<4000x1xf32> to vector<4000x1xf32>
    %broadcast_in_dim3A_2 = vector.broadcast %broadcast_in_dim3A : vector<4000x1xf32> to vector<4000x3xf32>
    %mul3A = arith.constant 2.000000e+00 : f32
    %mul3A_3 = vector.broadcast %mul3A : f32 to vector<4000x3xf32>
    %mul3A_4 = arith.mulf %mul3A_3, %broadcast_in_dim3A_2 : vector<4000x3xf32>
    %get3A_5 = arith.constant 0 : index
    %get3A_6 = arith.constant 0 : index
    %get3A_7 = vector.load %arg4[%get3A_5, %get3A_6] : memref<4000x3xf32, #tpu.memory_space<vmem>>, vector<4000x3xf32>
    %mul3A_8 = arith.constant 0.159154937 : f32
    %mul3A_9 = vector.broadcast %mul3A_8 : f32 to vector<4000x3xf32>
    %mul3A_10 = arith.mulf %get3A_7, %mul3A_9 : vector<4000x3xf32>
    %get3A_11 = arith.constant 0 : index
    %get3A_12 = arith.constant 0 : index
    %get3A_13 = vector.load %arg5[%get3A_11, %get3A_12] : memref<4000x3xf32, #tpu.memory_space<vmem>>, vector<4000x3xf32>
    %mul3A_14 = arith.constant 0.159154937 : f32
    %mul3A_15 = vector.broadcast %mul3A_14 : f32 to vector<4000x3xf32>
    %mul3A_16 = arith.mulf %get3A_13, %mul3A_15 : vector<4000x3xf32>
    %get3A_17 = arith.constant 0 : index
    %get3A_18 = arith.constant 0 : index
    %get3A_19 = vector.load %arg2[%get3A_17, %get3A_18] : memref<4000x3xf32, #tpu.memory_space<vmem>>, vector<4000x3xf32>
    %get3A_20 = arith.constant 0 : index
    %get3A_21 = arith.constant 0 : index
    %get3A_22 = vector.load %arg3[%get3A_20, %get3A_21] : memref<4000x3xf32, #tpu.memory_space<vmem>>, vector<4000x3xf32>
    %neg3A = arith.constant 0.000000e+00 : f32
    %neg3A_23 = vector.broadcast %neg3A : f32 to vector<4000x3xf32>
    %neg3A_24 = arith.subf %neg3A_23, %mul3A_4 : vector<4000x3xf32>
    %exp3A = math.exp %neg3A_24 : vector<4000x3xf32>
    %add3A = arith.constant 1.000000e+00 : f32
    %add3A_25 = vector.broadcast %add3A : f32 to vector<4000x3xf32>
    %add3A_26 = arith.addf %add3A_25, %exp3A : vector<4000x3xf32>
    %div3A = arith.constant 1.000000e+00 : f32
    %div3A_27 = vector.broadcast %div3A : f32 to vector<4000x3xf32>
    %div3A_28 = arith.divf %div3A_27, %add3A_26 : vector<4000x3xf32>
    %mul3A_29 = arith.mulf %exp3A, %exp3A : vector<4000x3xf32>
    %sub3A = arith.constant 1.000000e+00 : f32
    %sub3A_30 = vector.broadcast %sub3A : f32 to vector<4000x3xf32>
    %sub3A_31 = arith.subf %sub3A_30, %mul3A_29 : vector<4000x3xf32>
    %jit3A = arith.constant 9.99999974E-6 : f32
    %max3A = vector.broadcast %jit3A : f32 to vector<4000x3xf32>
    %max3A_32 = arith.maximumf %max3A, %sub3A_31 : vector<4000x3xf32>
    %sqrt3A = math.sqrt %max3A_32 : vector<4000x3xf32>
    %mul3A_33 = arith.mulf %exp3A, %get3A_22 : vector<4000x3xf32>
    %mul3A_34 = arith.mulf %sqrt3A, %mul3A_10 : vector<4000x3xf32>
    %add3A_35 = arith.addf %mul3A_33, %mul3A_34 : vector<4000x3xf32>
    %sub3A_36 = arith.constant 1.000000e+00 : f32
    %sub3A_37 = vector.broadcast %sub3A_36 : f32 to vector<4000x3xf32>
    %sub3A_38 = arith.subf %sub3A_37, %exp3A : vector<4000x3xf32>
    %mul3A_39 = arith.mulf %sub3A_38, %div3A_28 : vector<4000x3xf32>
    %mul3A_40 = arith.constant 2.000000e+00 : f32
    %mul3A_41 = vector.broadcast %mul3A_40 : f32 to vector<4000x3xf32>
    %mul3A_42 = arith.mulf %mul3A_41, %mul3A_4 : vector<4000x3xf32>
    %mul3A_43 = arith.constant 8.000000e+00 : f32
    %mul3A_44 = vector.broadcast %mul3A_43 : f32 to vector<4000x3xf32>
    %mul3A_45 = arith.mulf %mul3A_44, %exp3A : vector<4000x3xf32>
    %mul3A_46 = arith.mulf %mul3A_45, %div3A_28 : vector<4000x3xf32>
    %add3A_47 = arith.addf %mul3A_42, %mul3A_46 : vector<4000x3xf32>
    %sub3A_48 = arith.constant 4.000000e+00 : f32
    %sub3A_49 = vector.broadcast %sub3A_48 : f32 to vector<4000x3xf32>
    %sub3A_50 = arith.subf %add3A_47, %sub3A_49 : vector<4000x3xf32>
    %jit3A_51 = arith.constant 9.99999974E-6 : f32
    %max3A_52 = vector.broadcast %jit3A_51 : f32 to vector<4000x3xf32>
    %max3A_53 = arith.maximumf %max3A_52, %sub3A_50 : vector<4000x3xf32>
    %sqrt3A_54 = math.sqrt %max3A_53 : vector<4000x3xf32>
    %add3A_55 = arith.addf %add3A_35, %get3A_22 : vector<4000x3xf32>
    %mul3A_56 = arith.mulf %mul3A_39, %add3A_55 : vector<4000x3xf32>
    %mul3A_57 = arith.mulf %sqrt3A_54, %mul3A_16 : vector<4000x3xf32>
    %add3A_58 = arith.addf %mul3A_56, %mul3A_57 : vector<4000x3xf32>
    %add3A_59 = arith.constant 5.000000e-01 : f32
    %add3A_60 = vector.broadcast %add3A_59 : f32 to vector<4000x3xf32>
    %add3A_61 = arith.addf %add3A_58, %add3A_60 : vector<4000x3xf32>
    %jit3A_62 = arith.constant 1.000000e+00 : f32
    %rem3A = vector.broadcast %jit3A_62 : f32 to vector<4000x3xf32>
    %rem3A_63 = arith.remf %add3A_61, %rem3A : vector<4000x3xf32>
    %ne3A = arith.constant 0.000000e+00 : f32
    %ne3A_64 = vector.broadcast %ne3A : f32 to vector<4000x3xf32>
    %ne3A_65 = arith.cmpf one, %rem3A_63, %ne3A_64 : vector<4000x3xf32>
    %lt3A = arith.constant 0.000000e+00 : f32
    %lt3A_66 = vector.broadcast %lt3A : f32 to vector<4000x3xf32>
    %lt3A_67 = arith.cmpf olt, %rem3A_63, %lt3A_66 : vector<4000x3xf32>
    %lt3A_68 = arith.constant 0.000000e+00 : f32
    %lt3A_69 = arith.cmpf olt, %jit3A_62, %lt3A_68 : f32
    %ne3A_70 = vector.broadcast %lt3A_69 : i1 to vector<4000x3xi1>
    %ne3A_71 = vector.broadcast %ne3A_70 : vector<4000x3xi1> to vector<4000x3xi1>
    %ne3A_72 = arith.xori %lt3A_67, %ne3A_71 : vector<4000x3xi1>
    %and3A = arith.andi %ne3A_72, %ne3A_65 : vector<4000x3xi1>
    %add3A_73 = vector.broadcast %jit3A_62 : f32 to vector<4000x3xf32>
    %add3A_74 = arith.addf %rem3A_63, %add3A_73 : vector<4000x3xf32>
    %select_n3A = arith.select %and3A, %add3A_74, %rem3A_63 : vector<4000x3xi1>, vector<4000x3xf32>
    %sub3A_75 = arith.constant 5.000000e-01 : f32
    %sub3A_76 = vector.broadcast %sub3A_75 : f32 to vector<4000x3xf32>
    %sub3A_77 = arith.subf %select_n3A, %sub3A_76 : vector<4000x3xf32>
    %add3A_78 = arith.addf %get3A_19, %sub3A_77 : vector<4000x3xf32>
    %add3A_79 = arith.constant 5.000000e-01 : f32
    %add3A_80 = vector.broadcast %add3A_79 : f32 to vector<4000x3xf32>
    %add3A_81 = arith.addf %add3A_78, %add3A_80 : vector<4000x3xf32>
    %jit3A_82 = arith.constant 1.000000e+00 : f32
    %rem3A_83 = vector.broadcast %jit3A_82 : f32 to vector<4000x3xf32>
    %rem3A_84 = arith.remf %add3A_81, %rem3A_83 : vector<4000x3xf32>
    %ne3A_85 = arith.constant 0.000000e+00 : f32
    %ne3A_86 = vector.broadcast %ne3A_85 : f32 to vector<4000x3xf32>
    %ne3A_87 = arith.cmpf one, %rem3A_84, %ne3A_86 : vector<4000x3xf32>
    %lt3A_88 = arith.constant 0.000000e+00 : f32
    %lt3A_89 = vector.broadcast %lt3A_88 : f32 to vector<4000x3xf32>
    %lt3A_90 = arith.cmpf olt, %rem3A_84, %lt3A_89 : vector<4000x3xf32>
    %lt3A_91 = arith.constant 0.000000e+00 : f32
    %lt3A_92 = arith.cmpf olt, %jit3A_82, %lt3A_91 : f32
    %ne3A_93 = vector.broadcast %lt3A_92 : i1 to vector<4000x3xi1>
    %ne3A_94 = vector.broadcast %ne3A_93 : vector<4000x3xi1> to vector<4000x3xi1>
    %ne3A_95 = arith.xori %lt3A_90, %ne3A_94 : vector<4000x3xi1>
    %and3A_96 = arith.andi %ne3A_95, %ne3A_87 : vector<4000x3xi1>
    %add3A_97 = vector.broadcast %jit3A_82 : f32 to vector<4000x3xf32>
    %add3A_98 = arith.addf %rem3A_84, %add3A_97 : vector<4000x3xf32>
    %select_n3A_99 = arith.select %and3A_96, %add3A_98, %rem3A_84 : vector<4000x3xi1>, vector<4000x3xf32>
    %sub3A_100 = arith.constant 5.000000e-01 : f32
    %sub3A_101 = vector.broadcast %sub3A_100 : f32 to vector<4000x3xf32>
    %sub3A_102 = arith.subf %select_n3A_99, %sub3A_101 : vector<4000x3xf32>
    %swap3A = arith.constant 0 : index
    %swap3A_103 = arith.constant 0 : index
    %swap3A_104 = vector.load %arg6[%swap3A, %swap3A_103] : memref<4000x3xf32, #tpu.memory_space<vmem>>, vector<4000x3xf32>
    tpu.vector_store %arg6[%swap3A, %swap3A_103], %sub3A_102 {strides = array<i32>} : memref<4000x3xf32, #tpu.memory_space<vmem>>, vector<4000x3xf32>,
    %swap3A_105 = arith.constant 0 : index
    %swap3A_106 = arith.constant 0 : index
    %swap3A_107 = vector.load %arg7[%swap3A_105, %swap3A_106] : memref<4000x3xf32, #tpu.memory_space<vmem>>, vector<4000x3xf32>
    tpu.vector_store %arg7[%swap3A_105, %swap3A_106], %add3A_35 {strides = array<i32>} : memref<4000x3xf32, #tpu.memory_space<vmem>>, vector<4000x3xf32>,
    %swap3A_108 = arith.constant 0 : index
    %swap3A_109 = arith.constant 0 : index
    %swap3A_110 = vector.load %arg8[%swap3A_108, %swap3A_109] : memref<4000x3xf32, #tpu.memory_space<vmem>>, vector<4000x3xf32>
    tpu.vector_store %arg8[%swap3A_108, %swap3A_109], %sub3A_77 {strides = array<i32>} : memref<4000x3xf32, #tpu.memory_space<vmem>>, vector<4000x3xf32>,
    return
  }
  func.func @transform_0(%arg0: i32) -> (i32, i32) {
    %c0_i32 = arith.constant 0 : i32
    %c0_i32_0 = arith.constant 0 : i32
    return %arg0, %c0_i32 : i32, i32
  }
  func.func @transform_1(%arg0: i32) -> (i32, i32) {
    %c0_i32 = arith.constant 0 : i32
    %c0_i32_0 = arith.constant 0 : i32
    return %arg0, %c0_i32 : i32, i32
  }
  func.func @transform_2(%arg0: i32) -> (i32, i32) {
    %c0_i32 = arith.constant 0 : i32
    %c0_i32_0 = arith.constant 0 : i32
    return %arg0, %c0_i32 : i32, i32
  }
  func.func @transform_3(%arg0: i32) -> (i32, i32) {
    %c0_i32 = arith.constant 0 : i32
    %c0_i32_0 = arith.constant 0 : i32
    return %arg0, %c0_i32 : i32, i32
  }
  func.func @transform_4(%arg0: i32) -> (i32, i32) {
    %c0_i32 = arith.constant 0 : i32
    %c0_i32_0 = arith.constant 0 : i32
    return %arg0, %c0_i32 : i32, i32
  }
  func.func @transform_5(%arg0: i32) -> (i32, i32) {
    %c0_i32 = arith.constant 0 : i32
    %c0_i32_0 = arith.constant 0 : i32
    return %arg0, %c0_i32 : i32, i32
  }
  func.func @transform_6(%arg0: i32) -> (i32, i32) {
    %c0_i32 = arith.constant 0 : i32
    %c0_i32_0 = arith.constant 0 : i32
    return %arg0, %c0_i32 : i32, i32
  }
  func.func @transform_7(%arg0: i32) -> (i32, i32) {
    %c0_i32 = arith.constant 0 : i32
    %c0_i32_0 = arith.constant 0 : i32
    return %arg0, %c0_i32 : i32, i32
  }
}

</mosaic_0001>

<sc_bundles>
// kernel: kernel.5.cloned.1.call-start
scs
__scs_entry_jumppad:
0x0: {  	(pc) =	sbr.rel $0x88, $3  }
0x1: {  	(tag) =	ssettag $0x0;
	lr =	simm.s32 $0x1  }
0x2: {  	[smem:$0x3F9B] =	sst lr;
	_ =	strace $0xD0000000  }
0x3: {  	_ = 	snop  }
0x4: {  	_ = 	snop  }
0x5: {  	_ = 	snop  }
0x6: {  	_ = 	snop  }
0x7: {  	_ = 	snop  }
__scs_overlays_trampoline_lowered:
0x8: {  	[smem:$0x3FAA] =	sst s0  }
0x9: {  	[smem:$0x3FAB] =	sst s1  }
0xa: {  	[smem:$0x3FAC] =	sst s2  }
0xb: {  	[smem:$0x3FAD] =	sst s3  }
0xc: {  	[smem:$0x3FAE] =	sst s4  }
0xd: {  	[smem:$0x3FAF] =	sst s5  }
0xe: {  	[smem:$0x3FB0] =	sst s6  }
0xf: {  	[smem:$0x3FB1] =	sst s7  }
0x10: {  	[smem:$0x3FB2] =	sst s8  }
0x11: {  	[smem:$0x3FB3] =	sst s9;
	s0 =	simm.s32 @!p0 $0x0  }
0x12: {  	s1 =	sld [smem:$0x3F99];
	s0 =	simm.s32 @p0 $0x1  }
0x13: {  	[smem:$0x3FB4] =	sst s0;
	s0 =	simm.s32 @!p1 $0x0  }
0x14: {  	s2 =	sld [smem:$0x3F98];
	s0 =	simm.s32 @p1 $0x1  }
0x15: {  	[smem:$0x3FB5] =	sst s0;
	s0 =	simm.s32 @!p2 $0x0  }
0x16: {  	s3 =	sld [smem:$0x3FDB];
	s0 =	simm.s32 @p2 $0x1  }
0x17: {  	s4 =	simm.s32 $0x1BF5;
	[smem:$0x3FB7] =	sst s0  }
0x18: {  	s0 =	sld [smem:$0x3F9A];
	_ =	swait.ge [sflag:s4], $0x0  }
0x19: {  	s7 =	sld [smem:$0x3F9B]  }
0x1a: {  	s8 =	sadd.s32 $0xFFFFE003, lr  }
0x1b: {  	s9 =	sadd.s32 $0xFFFFFEF7, lr;
	s5 =	simm.s32 $0xFFFFFFFF;
	p2 =	slt.u32 s8, $0xFFFFF086  }
0x1c: {  	p1 =	slt.u32 s9, $0xF7A;
	s5 =	simm.s32 @!p2 $0x0  }
0x1d: {  	s5 =	simm.s32 @p1 $0x1;
	p0 =	seq.s32 s7, s2  }
0x1e: {  	s7 =	smul.u32 @!p0 $0xF7A, s2;
	p2 =	seq.s32 @!p0 s5, $0x0  }
0x1f: {  	s9 =	smul.u32 $0xF7A, s1;
	s8 =	simm.s32 @!p0 $0x1BF5;
	p2 =	por !p2, p0  }
0x20: {  	[sflag:s8] =	ssyncset.s32 @!p0 $0xFFFFF086;
	s6 =	sadd.s32 @!p0 s3, s7;
	s7 =	simm.s32 @!p0 $0x108  }
0x21: {  	s3 =	sadd.s32 s3, s9;
	s6 =	sadd.s32 @!p0 $0x88, s6;
	s7 =	simm.s32 @p2 $0x1082  }
0x22: {  	[simem:s7], [sflag:s8] =	dma.local @!p0 [hbm:s6], $0xF7A  }
0x23: {  	s9 =	sor.u32 $0xD0000000, s2;
	s6 =	simm.s32 $0x108;
	_ =	swait.ge @!p0 [sflag:s8], $0x0  }
0x24: {  	s3 =	sadd.s32 $0x88, s3;
	s6 =	simm.s32 @!p1 $0x1082;
	[sflag:s4] =	ssyncset.s32 $0xFFFFF086  }
0x25: {  	[simem:s6], [sflag:s4] =	dma.local [hbm:s3], $0xF7A  }
0x26: {  	[smem:$0x3F9B] =	sst s1;
	(tag) =	ssettag s2;
	_ =	strace s9  }
0x27: {  	s1 =	sld [smem:$0x3FAB]  }
0x28: {  	s2 =	sld [smem:$0x3FAC]  }
0x29: {  	s4 =	sld [smem:$0x3FAE]  }
0x2a: {  	p0 =	seq.s32 s5, $0x0;
	s5 =	sld [smem:$0x3FAF]  }
0x2b: {  	s6 =	sld [smem:$0x3FB0]  }
0x2c: {  	s7 =	sld [smem:$0x3FB1]  }
0x2d: {  	s3 =	simm.s32 $0x108;
	s8 =	sld [smem:$0x3FB2]  }
0x2e: {  	s3 =	simm.s32 @!p0 $0x1082;
	s9 =	sld [smem:$0x3FB3]  }
0x2f: {  	lr =	sadd.s32 s0, s3;
	s0 =	sld [smem:$0x3FAA]  }
0x30: {  	s3 =	sld [smem:$0x3FAD]  }
0x31: {  	[smem:$0x3FB6] =	sst s10  }
0x32: {  	s10 =	sld [smem:$0x3FB4];
	_ =	sdelay $0x3  }
0x33: {  	p0 =	seq.s32 s10, $0x1;
	s10 =	sld [smem:$0x3FB6];
	_ =	sdelay $0x3  }
0x34: {  	[smem:$0x3FB6] =	sst s10  }
0x35: {  	s10 =	sld [smem:$0x3FB5];
	_ =	sdelay $0x3  }
0x36: {  	p1 =	seq.s32 s10, $0x1;
	s10 =	sld [smem:$0x3FB6];
	_ =	sdelay $0x3  }
0x37: {  	[smem:$0x3FB6] =	sst s10  }
0x38: {  	s10 =	sld [smem:$0x3FB7]  }
0x39: {  	_ = 	snop;
	(pc) =	sbr.ind lr, $3  }
0x3a: {  	_ = 	snop  }
0x3b: {  	_ = 	snop  }
0x3c: {  	p2 =	seq.s32 s10, $0x1;
	s10 =	sld [smem:$0x3FB6]  }
0x3d: {  	_ =	shalt  }
0x3e: {  	_ =	shalt  }
0x3f: {  	_ =	shalt  }
0x40: {  	_ =	shalt  }
0x41: {  	_ =	shalt  }
0x42: {  	_ =	shalt  }
0x43: {  	_ =	shalt  }
0x44: {  	_ =	shalt  }
0x45: {  	_ =	shalt  }
0x46: {  	_ =	shalt  }
0x47: {  	_ =	shalt  }
0x48: {  	_ =	shalt  }
0x49: {  	_ =	shalt  }
0x4a: {  	_ =	shalt  }
0x4b: {  	_ =	shalt  }
0x4c: {  	_ =	shalt  }
0x4d: {  	_ =	shalt  }
0x4e: {  	_ =	shalt  }
0x4f: {  	_ =	shalt  }
0x50: {  	_ =	shalt  }
0x51: {  	_ =	shalt  }
0x52: {  	_ =	shalt  }
0x53: {  	_ =	shalt  }
0x54: {  	_ =	shalt  }
0x55: {  	_ =	shalt  }
0x56: {  	_ =	shalt  }
0x57: {  	_ =	shalt  }
0x58: {  	_ =	shalt  }
0x59: {  	_ =	shalt  }
0x5a: {  	_ =	shalt  }
0x5b: {  	_ =	shalt  }
0x5c: {  	_ =	shalt  }
0x5d: {  	_ =	shalt  }
0x5e: {  	_ =	shalt  }
0x5f: {  	_ =	shalt  }
0x60: {  	_ =	shalt  }
0x61: {  	_ =	shalt  }
0x62: {  	_ =	shalt  }
0x63: {  	_ =	shalt  }
0x64: {  	_ =	shalt  }
0x65: {  	_ =	shalt  }
0x66: {  	_ =	shalt  }
0x67: {  	_ =	shalt  }
0x68: {  	_ =	shalt  }
0x69: {  	_ =	shalt  }
0x6a: {  	_ =	shalt  }
0x6b: {  	_ =	shalt  }
0x6c: {  	_ =	shalt  }
0x6d: {  	_ =	shalt  }
0x6e: {  	_ =	shalt  }
0x6f: {  	_ =	shalt  }
0x70: {  	_ =	shalt  }
0x71: {  	_ =	shalt  }
0x72: {  	_ =	shalt  }
0x73: {  	_ =	shalt  }
0x74: {  	_ =	shalt  }
0x75: {  	_ =	shalt  }
0x76: {  	_ =	shalt  }
0x77: {  	_ =	shalt  }
0x78: {  	_ =	shalt  }
0x79: {  	_ =	shalt  }
0x7a: {  	_ =	shalt  }
0x7b: {  	_ =	shalt  }
0x7c: {  	_ =	shalt  }
0x7d: {  	_ =	shalt  }
0x7e: {  	_ =	shalt  }
0x7f: {  	_ =	shalt  }
0x80: {  	_ =	shalt  }
0x81: {  	_ =	shalt  }
0x82: {  	_ =	shalt  }
0x83: {  	_ =	shalt  }
0x84: {  	_ =	shalt  }
0x85: {  	_ =	shalt  }
0x86: {  	_ =	shalt  }
0x87: {  	_ =	shalt  }
.Lfunc_end0:
.L_simem_size_0:
called_computation_lowered:
.L_overlay_start_0:
0x88: {  	s0 =	sld [smem:$0x3FD9]  }
0x89: {  	s1 =	sld [smem:$0x3FFE];
	_ =	sdelay $0x3  }
0x8a: {  	s0 =	sadd.s32 s1, s0  }
0x8b: {  	[smem:$0x3FC2] =	sst s0  }
0x8c: {  	_ = 	snop  }
0x8d: {  	s0 =	sld [smem:$0x3FD0];
	_ =	sdelay $0x2  }
0x8e: {  	s13 =	simm.s32 $0xA;
	s2 =	simm.s32 $0x10  }
0x8f: {  	[smem:s2], [sflag:s13] =	dma.local [hbm:s0], $0x1  }
0x90: {  	_ =	swait.eq [sflag:s13], $0x1  }
0x91: {  	s14 =	sld [smem:$0x12];
	[sflag:s13] =	ssyncset.done $0x0  }
0x92: {  	s15 =	sld [smem:$0x13];
	[sflag:s13] =	ssyncadd.s32 $0xFFFFFFFF  }
0x93: {  	s16 =	sld [smem:$0x14];
	(tm) =	ssettm $0x1  }
0x94: {  	s3 =	sld [smem:$0x3FFB];
	_ =	sdelay $0x3  }
0x95: {  	_ =	strace s3  }
0x96: {  	s3 =	sld [smem:$0x3FFC];
	_ =	sdelay $0x3  }
0x97: {  	_ =	strace s3  }
0x98: {  	s3 =	sld [smem:$0x3FFD];
	_ =	sdelay $0x3  }
0x99: {  	_ =	strace s3  }
0x9a: {  	_ =	strace $0x8FFFFFFF  }
0x9b: {  	s17 =	sld [smem:$0x3FDB];
	_ =	sdelay $0x1  }
0x9c: {  	s4 =	simm.s32 $_scs_section_size  }
0x9d: {  	s5 =	simm.s32 $_size__tile_overlayer_lowered;
	s6 =	simm.s32 $_tile_overlayer_lowered  }
0x9e: {  	s20 =	simm.s32 $0x1BFF;
	s19 =	sshll.u32 s6, $0x1;
	s3 =	sadd.s32 s4, s17  }
0x9f: {  	s7 =	simm.s32 $0x0;
	s18 =	sshll.u32 s5, $0x1;
	s5 =	sadd.s32 s19, s3  }
0xa0: {  	[timem:s7], [sflag:s20] =	dma.local [hbm:s5], s18  }
0xa1: {  	_ =	swait.ge [sflag:s20], s18  }
0xa2: {  	s4 =	ssub.s32 $0x0, s18;
	[sflag:s20] =	ssyncset.done $0x0  }
0xa3: {  	[sflag:s20] =	ssyncadd.s32 s4;
	_ =	sdelay $0x1  }
0xa4: {  	s21 =	simm.s32 $0x1B8B  }
0xa5: {  	_ =	swait.ge [sflag:s21], $0x1  }
0xa6: {  	[sflag:s21] =	ssyncset.done $0x0  }
0xa7: {  	s23 =	simm.s32 $0x1B8E;
	s22 =	sld [smem:$0x3FFE];
	[sflag:s21] =	ssyncadd.s32 $0xFFFFFFFF  }
0xa8: {  	s24 =	simm.s32 $execute0_lowered;
	[smem:$0x3FD2] =	sst s23  }
0xa9: {  	s5 =	sshll.u32 s24, $0x1;
	_ =	strace $0x80000046;
	[dreg:$0x1] =	wrdreg $0xFFFFFFFF  }
0xaa: {  	s25 =	simm.s32 $_size_execute0_lowered;
	s3 =	sadd.s32 s3, s5;
	[dreg:$0x0] =	wrdreg $0x0  }
0xab: {  	s5 =	sshll.u32 s25, $0x1;
	[dreg:$0x2] =	wrdreg s3  }
0xac: {  	[dreg:$0x3] =	wrdreg s5  }
0xad: {  	[dreg:$0x4] =	wrdreg $0xC0  }
0xae: {  	_ =	task [dreg:s7], $0x5FFFF  }
0xaf: {  	[dreg:$0x1] =	wrdreg $0xFFFFFFFF  }
0xb0: {  	[dreg:$0x0] =	wrdreg $0x60  }
0xb1: {  	[dreg:$0x2] =	wrdreg s22  }
0xb2: {  	[dreg:$0x3] =	wrdreg s16  }
0xb3: {  	[dreg:$0x4] =	wrdreg s15  }
0xb4: {  	[dreg:$0x5] =	wrdreg s14  }
0xb5: {  	[dreg:$0x6] =	wrdreg $0x1AB100  }
0xb6: {  	[dreg:$0x7] =	wrdreg $0x9  }
0xb7: {  	_ =	task.clear_ibuf [dreg:s7], $0x8FFFF;
	_ =	strace $0x90000046  }
0xb8: {  	s26 =	simm.s32 $0x9;
	_ =	strace $0x80000048  }
0xb9: {  	_ =	swait.ge [sflag:s26], $0x1  }
0xba: {  	[sflag:s26] =	ssyncadd.s32 $0xFFFFFFFF  }
0xbb: {  	_ =	strace $0x90000048  }
0xbc: {  	_ =	sfence  }
0xbd: {  	s28 =	sld [smem:$0x0];
	_ =	sdelay $0x1  }
0xbe: {  	s29 =	srdreg.scid  }
0xbf: {  	s30 =	sshll.u32 s29, $0xD;
	s31 =	sshrl.u32 s29, $0x2  }
0xc0: {  	s1 =	sand.u32 $0x1, s29;
	s2 =	sand.u32 $0x4000, s30;
	s0 =	sadd.s32 s31, s28  }
0xc1: {  	s1 =	sor.u32 s2, s1;
	s0 =	sshll.u32 s0, $0x11  }
0xc2: {  	s0 =	sor.u32 s0, s1  }
0xc3: {  	s0 =	sadd.s32 $0x8F2B, s0  }
0xc4: {  	[sflag:s0] =	ssyncadd.remote.s32 $0x1  }
0xc5: {  	_ =	sfence.sel $0xFFFF  }
0xc6: {  	[dreg:$0x0] =	wrdreg $0xFFFFFFFF;
	(pc) =	sbr.abs _section_cstart, $3  }
0xc7: {  	[dreg:$0x1] =	wrdreg $0xFFFFFFFF  }
0xc8: {  	_ =	task.clear_ibuf [dreg:s7], $0x2FFFF;
	_ =	strace $0x9FFFFFFF  }
0xc9: {  	(tm) =	ssettm $0x7FFFFFFF  }
tec
execute0_lowered:
.L_overlay_start_1:
0x0: {  	(tag) =	ssettag $0x1  }
0x1: {  	s3 =	rddreg [dreg:$0x0]  }
0x2: {  	s5 =	rddreg [dreg:$0x1]  }
0x3: {  	s6 =	rddreg [dreg:$0x2]  }
0x4: {  	s1 =	rddreg [dreg:$0x3]  }
0x5: {  	s2 =	rddreg [dreg:$0x4]  }
0x6: {  	s0 =	rddreg [dreg:$0x5];
	s7 =	simm.s32 $0x0;
	s4 =	stileid.u32  }
0x7: {  	[smem:$0x7FF] =	sst s7;
	p0 =	sne.s32 s4, $0x0  }
0x8: {  	_ =	strace $0x80000047;
	s8 =	sshrl.u32 @!p0 s2, $0x3;
	s9 =	simm.s32 @!p0 $0x1C01  }
0x9: {  	[spmem:s8], [sflag:s9] =	dma.local @!p0 [hbm:s6], $0x410  }
0xa: {  	s6 =	simm.s32 @!p0 $0x1  }
0xb: {  	s22 =	smul.u32 $0x3200, s4;
	_ =	swait.ge @!p0 [sflag:s6], $0x410  }
0xc: {  	[sflag:s6] =	ssyncset.done @!p0 $0x0  }
0xd: {  	s3 =	sadd.s32 s22, s3;
	[sflag:s6] =	ssyncadd.s32 @!p0 $0xFFFFFBF0  }
0xe: {  	s3 =	sadd.s32 $0x1400, s3;
	[bflag:$0x0] =	sbarrier.arrive $0xFFFF  }
0xf: {  	[tilespmem:s7], [sflag:$0x1] =	stream.linear.gather [hbm4b:s3+s7], $0x19000, $0x38;
	[tilespmem:$0x1AD18] =	vst v63  }
0x10: {  	s3 =	simm.s32 $0x1  }
0x11: {  	s23 =	smul.u32 $0x320, s4;
	_ =	swait.ge [sflag:s3], $0x19000  }
0x12: {  	[sflag:s3] =	ssyncset.done $0x0  }
0x13: {  	s24 =	simm.s32 $0x19000;
	s5 =	sadd.s32 s5, s23;
	[sflag:s3] =	ssyncadd.s32 $0xFFFE7000  }
0x14: {  	[tilespmem:s24], [sflag:$0x1] =	stream.linear.gather [hbm4b:s5+s7], $0x1900, $0x38;
	[tilespmem:$0x1AD18] =	vst v63  }
0x15: {  	_ =	swait.ge [sflag:s3], $0x1900  }
0x16: {  	[sflag:s3] =	ssyncset.done $0x0  }
0x17: {  	s5 =	simm.s32 $0x80;
	[sflag:s3] =	ssyncadd.s32 $0xFFFFE700  }
0x18: {  	[spmem:s2] =	stream.indirect.scatter.add.f32 [tilespmem:s7], [sflag:$0x1], $0x10, s24, s5, $0xb8;
	[tilespmem:$0x1AD18] =	vst v63  }
0x19: {  	_ =	swait.ge [sflag:s3], $0x800  }
0x1a: {  	[sflag:s3] =	ssyncset.done $0x0  }
0x1b: {  	s25 =	simm.s32 $0x19080;
	s26 =	simm.s32 $0x800;
	[sflag:s3] =	ssyncadd.s32 $0xFFFFF800  }
0x1c: {  	[spmem:s2] =	stream.indirect.scatter.add.f32 [tilespmem:s26], [sflag:$0x1], $0x10, s25, s5, $0xb8;
	[tilespmem:$0x1AD18] =	vst v63  }
0x1d: {  	_ =	swait.ge [sflag:s3], $0x800  }
0x1e: {  	[sflag:s3] =	ssyncset.done $0x0  }
0x1f: {  	s28 =	simm.s32 $0x19100;
	s29 =	simm.s32 $0x1000;
	[sflag:s3] =	ssyncadd.s32 $0xFFFFF800  }
0x20: {  	[spmem:s2] =	stream.indirect.scatter.add.f32 [tilespmem:s29], [sflag:$0x1], $0x10, s28, s5, $0xb8;
	[tilespmem:$0x1AD18] =	vst v63  }
0x21: {  	_ =	swait.ge [sflag:s3], $0x800  }
0x22: {  	[sflag:s3] =	ssyncset.done $0x0  }
0x23: {  	s30 =	simm.s32 $0x19180;
	s31 =	simm.s32 $0x1800;
	[sflag:s3] =	ssyncadd.s32 $0xFFFFF800  }
0x24: {  	[spmem:s2] =	stream.indirect.scatter.add.f32 [tilespmem:s31], [sflag:$0x1], $0x10, s30, s5, $0xb8;
	[tilespmem:$0x1AD18] =	vst v63  }
0x25: {  	_ =	swait.ge [sflag:s3], $0x800  }
0x26: {  	[sflag:s3] =	ssyncset.done $0x0  }
0x27: {  	s8 =	simm.s32 $0x2000;
	s7 =	simm.s32 $0x19200;
	[sflag:s3] =	ssyncadd.s32 $0xFFFFF800  }
0x28: {  	[spmem:s2] =	stream.indirect.scatter.add.f32 [tilespmem:s8], [sflag:$0x1], $0x10, s7, s5, $0xb8;
	[tilespmem:$0x1AD18] =	vst v63  }
0x29: {  	_ =	swait.ge [sflag:s3], $0x800  }
0x2a: {  	[sflag:s3] =	ssyncset.done $0x0  }
0x2b: {  	s10 =	simm.s32 $0x2800;
	s9 =	simm.s32 $0x19280;
	[sflag:s3] =	ssyncadd.s32 $0xFFFFF800  }
0x2c: {  	[spmem:s2] =	stream.indirect.scatter.add.f32 [tilespmem:s10], [sflag:$0x1], $0x10, s9, s5, $0xb8;
	[tilespmem:$0x1AD18] =	vst v63  }
0x2d: {  	_ =	swait.ge [sflag:s3], $0x800  }
0x2e: {  	[sflag:s3] =	ssyncset.done $0x0  }
0x2f: {  	s11 =	simm.s32 $0x19300;
	s12 =	simm.s32 $0x3000;
	[sflag:s3] =	ssyncadd.s32 $0xFFFFF800  }
0x30: {  	[spmem:s2] =	stream.indirect.scatter.add.f32 [tilespmem:s12], [sflag:$0x1], $0x10, s11, s5, $0xb8;
	[tilespmem:$0x1AD18] =	vst v63  }
0x31: {  	_ =	swait.ge [sflag:s3], $0x800  }
0x32: {  	[sflag:s3] =	ssyncset.done $0x0  }
0x33: {  	s13 =	simm.s32 $0x19380;
	s14 =	simm.s32 $0x3800;
	[sflag:s3] =	ssyncadd.s32 $0xFFFFF800  }
0x34: {  	[spmem:s2] =	stream.indirect.scatter.add.f32 [tilespmem:s14], [sflag:$0x1], $0x10, s13, s5, $0xb8;
	[tilespmem:$0x1AD18] =	vst v63  }
0x35: {  	_ =	swait.ge [sflag:s3], $0x800  }
0x36: {  	[sflag:s3] =	ssyncset.done $0x0  }
0x37: {  	s15 =	simm.s32 $0x19400;
	s16 =	simm.s32 $0x4000;
	[sflag:s3] =	ssyncadd.s32 $0xFFFFF800  }
0x38: {  	[spmem:s2] =	stream.indirect.scatter.add.f32 [tilespmem:s16], [sflag:$0x1], $0x10, s15, s5, $0xb8;
	[tilespmem:$0x1AD18] =	vst v63  }
0x39: {  	_ =	swait.ge [sflag:s3], $0x800  }
0x3a: {  	[sflag:s3] =	ssyncset.done $0x0  }
0x3b: {  	s17 =	simm.s32 $0x19480;
	s18 =	simm.s32 $0x4800;
	[sflag:s3] =	ssyncadd.s32 $0xFFFFF800  }
0x3c: {  	[spmem:s2] =	stream.indirect.scatter.add.f32 [tilespmem:s18], [sflag:$0x1], $0x10, s17, s5, $0xb8;
	[tilespmem:$0x1AD18] =	vst v63  }
0x3d: {  	_ =	swait.ge [sflag:s3], $0x800  }
0x3e: {  	[sflag:s3] =	ssyncset.done $0x0  }
0x3f: {  	s19 =	simm.s32 $0x19500;
	s20 =	simm.s32 $0x5000;
	[sflag:s3] =	ssyncadd.s32 $0xFFFFF800  }
0x40: {  	[spmem:s2] =	stream.indirect.scatter.add.f32 [tilespmem:s20], [sflag:$0x1], $0x10, s19, s5, $0xb8;
	[tilespmem:$0x1AD18] =	vst v63  }
0x41: {  	_ =	swait.ge [sflag:s3], $0x800  }
0x42: {  	[sflag:s3] =	ssyncset.done $0x0  }
0x43: {  	s21 =	simm.s32 $0x19580;
	s22 =	simm.s32 $0x5800;
	[sflag:s3] =	ssyncadd.s32 $0xFFFFF800  }
0x44: {  	[spmem:s2] =	stream.indirect.scatter.add.f32 [tilespmem:s22], [sflag:$0x1], $0x10, s21, s5, $0xb8;
	[tilespmem:$0x1AD18] =	vst v63  }
0x45: {  	_ =	swait.ge [sflag:s3], $0x800  }
0x46: {  	[sflag:s3] =	ssyncset.done $0x0  }
0x47: {  	s23 =	simm.s32 $0x19600;
	s24 =	simm.s32 $0x6000;
	[sflag:s3] =	ssyncadd.s32 $0xFFFFF800  }
0x48: {  	[spmem:s2] =	stream.indirect.scatter.add.f32 [tilespmem:s24], [sflag:$0x1], $0x10, s23, s5, $0xb8;
	[tilespmem:$0x1AD18] =	vst v63  }
0x49: {  	_ =	swait.ge [sflag:s3], $0x800  }
0x4a: {  	[sflag:s3] =	ssyncset.done $0x0  }
0x4b: {  	s25 =	simm.s32 $0x19680;
	s26 =	simm.s32 $0x6800;
	[sflag:s3] =	ssyncadd.s32 $0xFFFFF800  }
0x4c: {  	[spmem:s2] =	stream.indirect.scatter.add.f32 [tilespmem:s26], [sflag:$0x1], $0x10, s25, s5, $0xb8;
	[tilespmem:$0x1AD18] =	vst v63  }
0x4d: {  	_ =	swait.ge [sflag:s3], $0x800  }
0x4e: {  	[sflag:s3] =	ssyncset.done $0x0  }
0x4f: {  	s28 =	simm.s32 $0x19700;
	s29 =	simm.s32 $0x7000;
	[sflag:s3] =	ssyncadd.s32 $0xFFFFF800  }
0x50: {  	[spmem:s2] =	stream.indirect.scatter.add.f32 [tilespmem:s29], [sflag:$0x1], $0x10, s28, s5, $0xb8;
	[tilespmem:$0x1AD18] =	vst v63  }
0x51: {  	_ =	swait.ge [sflag:s3], $0x800  }
0x52: {  	[sflag:s3] =	ssyncset.done $0x0  }
0x53: {  	s30 =	simm.s32 $0x19780;
	s31 =	simm.s32 $0x7800;
	[sflag:s3] =	ssyncadd.s32 $0xFFFFF800  }
0x54: {  	[spmem:s2] =	stream.indirect.scatter.add.f32 [tilespmem:s31], [sflag:$0x1], $0x10, s30, s5, $0xb8;
	[tilespmem:$0x1AD18] =	vst v63  }
0x55: {  	_ =	swait.ge [sflag:s3], $0x800  }
0x56: {  	[sflag:s3] =	ssyncset.done $0x0  }
0x57: {  	s7 =	simm.s32 $0x19800;
	s8 =	simm.s32 $0x8000;
	[sflag:s3] =	ssyncadd.s32 $0xFFFFF800  }
0x58: {  	[spmem:s2] =	stream.indirect.scatter.add.f32 [tilespmem:s8], [sflag:$0x1], $0x10, s7, s5, $0xb8;
	[tilespmem:$0x1AD18] =	vst v63  }
0x59: {  	_ =	swait.ge [sflag:s3], $0x800  }
0x5a: {  	[sflag:s3] =	ssyncset.done $0x0  }
0x5b: {  	s9 =	simm.s32 $0x19880;
	s10 =	simm.s32 $0x8800;
	[sflag:s3] =	ssyncadd.s32 $0xFFFFF800  }
0x5c: {  	[spmem:s2] =	stream.indirect.scatter.add.f32 [tilespmem:s10], [sflag:$0x1], $0x10, s9, s5, $0xb8;
	[tilespmem:$0x1AD18] =	vst v63  }
0x5d: {  	_ =	swait.ge [sflag:s3], $0x800  }
0x5e: {  	[sflag:s3] =	ssyncset.done $0x0  }
0x5f: {  	s11 =	simm.s32 $0x19900;
	s12 =	simm.s32 $0x9000;
	[sflag:s3] =	ssyncadd.s32 $0xFFFFF800  }
0x60: {  	[spmem:s2] =	stream.indirect.scatter.add.f32 [tilespmem:s12], [sflag:$0x1], $0x10, s11, s5, $0xb8;
	[tilespmem:$0x1AD18] =	vst v63  }
0x61: {  	_ =	swait.ge [sflag:s3], $0x800  }
0x62: {  	[sflag:s3] =	ssyncset.done $0x0  }
0x63: {  	s13 =	simm.s32 $0x19980;
	s14 =	simm.s32 $0x9800;
	[sflag:s3] =	ssyncadd.s32 $0xFFFFF800  }
0x64: {  	[spmem:s2] =	stream.indirect.scatter.add.f32 [tilespmem:s14], [sflag:$0x1], $0x10, s13, s5, $0xb8;
	[tilespmem:$0x1AD18] =	vst v63  }
0x65: {  	_ =	swait.ge [sflag:s3], $0x800  }
0x66: {  	[sflag:s3] =	ssyncset.done $0x0  }
0x67: {  	s15 =	simm.s32 $0x19A00;
	s16 =	simm.s32 $0xA000;
	[sflag:s3] =	ssyncadd.s32 $0xFFFFF800  }
0x68: {  	[spmem:s2] =	stream.indirect.scatter.add.f32 [tilespmem:s16], [sflag:$0x1], $0x10, s15, s5, $0xb8;
	[tilespmem:$0x1AD18] =	vst v63  }
0x69: {  	_ =	swait.ge [sflag:s3], $0x800  }
0x6a: {  	[sflag:s3] =	ssyncset.done $0x0  }
0x6b: {  	s17 =	simm.s32 $0x19A80;
	s18 =	simm.s32 $0xA800;
	[sflag:s3] =	ssyncadd.s32 $0xFFFFF800  }
0x6c: {  	[spmem:s2] =	stream.indirect.scatter.add.f32 [tilespmem:s18], [sflag:$0x1], $0x10, s17, s5, $0xb8;
	[tilespmem:$0x1AD18] =	vst v63  }
0x6d: {  	_ =	swait.ge [sflag:s3], $0x800  }
0x6e: {  	[sflag:s3] =	ssyncset.done $0x0  }
0x6f: {  	s19 =	simm.s32 $0x19B00;
	s20 =	simm.s32 $0xB000;
	[sflag:s3] =	ssyncadd.s32 $0xFFFFF800  }
0x70: {  	[spmem:s2] =	stream.indirect.scatter.add.f32 [tilespmem:s20], [sflag:$0x1], $0x10, s19, s5, $0xb8;
	[tilespmem:$0x1AD18] =	vst v63  }
0x71: {  	_ =	swait.ge [sflag:s3], $0x800  }
0x72: {  	[sflag:s3] =	ssyncset.done $0x0  }
0x73: {  	s21 =	simm.s32 $0x19B80;
	s22 =	simm.s32 $0xB800;
	[sflag:s3] =	ssyncadd.s32 $0xFFFFF800  }
0x74: {  	[spmem:s2] =	stream.indirect.scatter.add.f32 [tilespmem:s22], [sflag:$0x1], $0x10, s21, s5, $0xb8;
	[tilespmem:$0x1AD18] =	vst v63  }
0x75: {  	_ =	swait.ge [sflag:s3], $0x800  }
0x76: {  	[sflag:s3] =	ssyncset.done $0x0  }
0x77: {  	s23 =	simm.s32 $0x19C00;
	s24 =	simm.s32 $0xC000;
	[sflag:s3] =	ssyncadd.s32 $0xFFFFF800  }
0x78: {  	[spmem:s2] =	stream.indirect.scatter.add.f32 [tilespmem:s24], [sflag:$0x1], $0x10, s23, s5, $0xb8;
	[tilespmem:$0x1AD18] =	vst v63  }
0x79: {  	_ =	swait.ge [sflag:s3], $0x800  }
0x7a: {  	[sflag:s3] =	ssyncset.done $0x0  }
0x7b: {  	s25 =	simm.s32 $0x19C80;
	s26 =	simm.s32 $0xC800;
	[sflag:s3] =	ssyncadd.s32 $0xFFFFF800  }
0x7c: {  	[spmem:s2] =	stream.indirect.scatter.add.f32 [tilespmem:s26], [sflag:$0x1], $0x10, s25, s5, $0xb8;
	[tilespmem:$0x1AD18] =	vst v63  }
0x7d: {  	_ =	swait.ge [sflag:s3], $0x800  }
0x7e: {  	[sflag:s3] =	ssyncset.done $0x0  }
0x7f: {  	s28 =	simm.s32 $0x19D00;
	s29 =	simm.s32 $0xD000;
	[sflag:s3] =	ssyncadd.s32 $0xFFFFF800  }
0x80: {  	[spmem:s2] =	stream.indirect.scatter.add.f32 [tilespmem:s29], [sflag:$0x1], $0x10, s28, s5, $0xb8;
	[tilespmem:$0x1AD18] =	vst v63  }
0x81: {  	_ =	swait.ge [sflag:s3], $0x800  }
0x82: {  	[sflag:s3] =	ssyncset.done $0x0  }
0x83: {  	s30 =	simm.s32 $0x19D80;
	s31 =	simm.s32 $0xD800;
	[sflag:s3] =	ssyncadd.s32 $0xFFFFF800  }
0x84: {  	[spmem:s2] =	stream.indirect.scatter.add.f32 [tilespmem:s31], [sflag:$0x1], $0x10, s30, s5, $0xb8;
	[tilespmem:$0x1AD18] =	vst v63  }
0x85: {  	_ =	swait.ge [sflag:s3], $0x800  }
0x86: {  	[sflag:s3] =	ssyncset.done $0x0  }
0x87: {  	s7 =	simm.s32 $0x19E00;
	s8 =	simm.s32 $0xE000;
	[sflag:s3] =	ssyncadd.s32 $0xFFFFF800  }
0x88: {  	[spmem:s2] =	stream.indirect.scatter.add.f32 [tilespmem:s8], [sflag:$0x1], $0x10, s7, s5, $0xb8;
	[tilespmem:$0x1AD18] =	vst v63  }
0x89: {  	_ =	swait.ge [sflag:s3], $0x800  }
0x8a: {  	[sflag:s3] =	ssyncset.done $0x0  }
0x8b: {  	s9 =	simm.s32 $0x19E80;
	s10 =	simm.s32 $0xE800;
	[sflag:s3] =	ssyncadd.s32 $0xFFFFF800  }
0x8c: {  	[spmem:s2] =	stream.indirect.scatter.add.f32 [tilespmem:s10], [sflag:$0x1], $0x10, s9, s5, $0xb8;
	[tilespmem:$0x1AD18] =	vst v63  }
0x8d: {  	_ =	swait.ge [sflag:s3], $0x800  }
0x8e: {  	[sflag:s3] =	ssyncset.done $0x0  }
0x8f: {  	s11 =	simm.s32 $0x19F00;
	s12 =	simm.s32 $0xF000;
	[sflag:s3] =	ssyncadd.s32 $0xFFFFF800  }
0x90: {  	[spmem:s2] =	stream.indirect.scatter.add.f32 [tilespmem:s12], [sflag:$0x1], $0x10, s11, s5, $0xb8;
	[tilespmem:$0x1AD18] =	vst v63  }
0x91: {  	_ =	swait.ge [sflag:s3], $0x800  }
0x92: {  	[sflag:s3] =	ssyncset.done $0x0  }
0x93: {  	s13 =	simm.s32 $0x19F80;
	s14 =	simm.s32 $0xF800;
	[sflag:s3] =	ssyncadd.s32 $0xFFFFF800  }
0x94: {  	[spmem:s2] =	stream.indirect.scatter.add.f32 [tilespmem:s14], [sflag:$0x1], $0x10, s13, s5, $0xb8;
	[tilespmem:$0x1AD18] =	vst v63  }
0x95: {  	_ =	swait.ge [sflag:s3], $0x800  }
0x96: {  	[sflag:s3] =	ssyncset.done $0x0  }
0x97: {  	s15 =	simm.s32 $0x1A000;
	s16 =	simm.s32 $0x10000;
	[sflag:s3] =	ssyncadd.s32 $0xFFFFF800  }
0x98: {  	[spmem:s2] =	stream.indirect.scatter.add.f32 [tilespmem:s16], [sflag:$0x1], $0x10, s15, s5, $0xb8;
	[tilespmem:$0x1AD18] =	vst v63  }
0x99: {  	_ =	swait.ge [sflag:s3], $0x800  }
0x9a: {  	[sflag:s3] =	ssyncset.done $0x0  }
0x9b: {  	s17 =	simm.s32 $0x1A080;
	s18 =	simm.s32 $0x10800;
	[sflag:s3] =	ssyncadd.s32 $0xFFFFF800  }
0x9c: {  	[spmem:s2] =	stream.indirect.scatter.add.f32 [tilespmem:s18], [sflag:$0x1], $0x10, s17, s5, $0xb8;
	[tilespmem:$0x1AD18] =	vst v63  }
0x9d: {  	_ =	swait.ge [sflag:s3], $0x800  }
0x9e: {  	[sflag:s3] =	ssyncset.done $0x0  }
0x9f: {  	s19 =	simm.s32 $0x1A100;
	s20 =	simm.s32 $0x11000;
	[sflag:s3] =	ssyncadd.s32 $0xFFFFF800  }
0xa0: {  	[spmem:s2] =	stream.indirect.scatter.add.f32 [tilespmem:s20], [sflag:$0x1], $0x10, s19, s5, $0xb8;
	[tilespmem:$0x1AD18] =	vst v63  }
0xa1: {  	_ =	swait.ge [sflag:s3], $0x800  }
0xa2: {  	[sflag:s3] =	ssyncset.done $0x0  }
0xa3: {  	s21 =	simm.s32 $0x1A180;
	s22 =	simm.s32 $0x11800;
	[sflag:s3] =	ssyncadd.s32 $0xFFFFF800  }
0xa4: {  	[spmem:s2] =	stream.indirect.scatter.add.f32 [tilespmem:s22], [sflag:$0x1], $0x10, s21, s5, $0xb8;
	[tilespmem:$0x1AD18] =	vst v63  }
0xa5: {  	_ =	swait.ge [sflag:s3], $0x800  }
0xa6: {  	[sflag:s3] =	ssyncset.done $0x0  }
0xa7: {  	s23 =	simm.s32 $0x1A200;
	s24 =	simm.s32 $0x12000;
	[sflag:s3] =	ssyncadd.s32 $0xFFFFF800  }
0xa8: {  	[spmem:s2] =	stream.indirect.scatter.add.f32 [tilespmem:s24], [sflag:$0x1], $0x10, s23, s5, $0xb8;
	[tilespmem:$0x1AD18] =	vst v63  }
0xa9: {  	_ =	swait.ge [sflag:s3], $0x800  }
0xaa: {  	[sflag:s3] =	ssyncset.done $0x0  }
0xab: {  	s25 =	simm.s32 $0x1A280;
	s26 =	simm.s32 $0x12800;
	[sflag:s3] =	ssyncadd.s32 $0xFFFFF800  }
0xac: {  	[spmem:s2] =	stream.indirect.scatter.add.f32 [tilespmem:s26], [sflag:$0x1], $0x10, s25, s5, $0xb8;
	[tilespmem:$0x1AD18] =	vst v63  }
0xad: {  	_ =	swait.ge [sflag:s3], $0x800  }
0xae: {  	[sflag:s3] =	ssyncset.done $0x0  }
0xaf: {  	s28 =	simm.s32 $0x1A300;
	s29 =	simm.s32 $0x13000;
	[sflag:s3] =	ssyncadd.s32 $0xFFFFF800  }
0xb0: {  	[spmem:s2] =	stream.indirect.scatter.add.f32 [tilespmem:s29], [sflag:$0x1], $0x10, s28, s5, $0xb8;
	[tilespmem:$0x1AD18] =	vst v63  }
0xb1: {  	_ =	swait.ge [sflag:s3], $0x800  }
0xb2: {  	[sflag:s3] =	ssyncset.done $0x0  }
0xb3: {  	s30 =	simm.s32 $0x1A380;
	s31 =	simm.s32 $0x13800;
	[sflag:s3] =	ssyncadd.s32 $0xFFFFF800  }
0xb4: {  	[spmem:s2] =	stream.indirect.scatter.add.f32 [tilespmem:s31], [sflag:$0x1], $0x10, s30, s5, $0xb8;
	[tilespmem:$0x1AD18] =	vst v63  }
0xb5: {  	_ =	swait.ge [sflag:s3], $0x800  }
0xb6: {  	[sflag:s3] =	ssyncset.done $0x0  }
0xb7: {  	s8 =	simm.s32 $0x1A400;
	s9 =	simm.s32 $0x14000;
	[sflag:s3] =	ssyncadd.s32 $0xFFFFF800  }
0xb8: {  	[spmem:s2] =	stream.indirect.scatter.add.f32 [tilespmem:s9], [sflag:$0x1], $0x10, s8, s5, $0xb8;
	[tilespmem:$0x1AD18] =	vst v63  }
0xb9: {  	_ =	swait.ge [sflag:s3], $0x800  }
0xba: {  	[sflag:s3] =	ssyncset.done $0x0  }
0xbb: {  	s10 =	simm.s32 $0x1A480;
	s11 =	simm.s32 $0x14800;
	[sflag:s3] =	ssyncadd.s32 $0xFFFFF800  }
0xbc: {  	[spmem:s2] =	stream.indirect.scatter.add.f32 [tilespmem:s11], [sflag:$0x1], $0x10, s10, s5, $0xb8;
	[tilespmem:$0x1AD18] =	vst v63  }
0xbd: {  	_ =	swait.ge [sflag:s3], $0x800  }
0xbe: {  	[sflag:s3] =	ssyncset.done $0x0  }
0xbf: {  	s12 =	simm.s32 $0x1A500;
	s13 =	simm.s32 $0x15000;
	[sflag:s3] =	ssyncadd.s32 $0xFFFFF800  }
0xc0: {  	[spmem:s2] =	stream.indirect.scatter.add.f32 [tilespmem:s13], [sflag:$0x1], $0x10, s12, s5, $0xb8;
	[tilespmem:$0x1AD18] =	vst v63  }
0xc1: {  	_ =	swait.ge [sflag:s3], $0x800  }
0xc2: {  	[sflag:s3] =	ssyncset.done $0x0  }
0xc3: {  	s14 =	simm.s32 $0x1A580;
	s15 =	simm.s32 $0x15800;
	[sflag:s3] =	ssyncadd.s32 $0xFFFFF800  }
0xc4: {  	[spmem:s2] =	stream.indirect.scatter.add.f32 [tilespmem:s15], [sflag:$0x1], $0x10, s14, s5, $0xb8;
	[tilespmem:$0x1AD18] =	vst v63  }
0xc5: {  	_ =	swait.ge [sflag:s3], $0x800  }
0xc6: {  	[sflag:s3] =	ssyncset.done $0x0  }
0xc7: {  	s16 =	simm.s32 $0x1A600;
	s17 =	simm.s32 $0x16000;
	[sflag:s3] =	ssyncadd.s32 $0xFFFFF800  }
0xc8: {  	[spmem:s2] =	stream.indirect.scatter.add.f32 [tilespmem:s17], [sflag:$0x1], $0x10, s16, s5, $0xb8;
	[tilespmem:$0x1AD18] =	vst v63  }
0xc9: {  	_ =	swait.ge [sflag:s3], $0x800  }
0xca: {  	[sflag:s3] =	ssyncset.done $0x0  }
0xcb: {  	s18 =	simm.s32 $0x1A680;
	s19 =	simm.s32 $0x16800;
	[sflag:s3] =	ssyncadd.s32 $0xFFFFF800  }
0xcc: {  	[spmem:s2] =	stream.indirect.scatter.add.f32 [tilespmem:s19], [sflag:$0x1], $0x10, s18, s5, $0xb8;
	[tilespmem:$0x1AD18] =	vst v63  }
0xcd: {  	_ =	swait.ge [sflag:s3], $0x800  }
0xce: {  	[sflag:s3] =	ssyncset.done $0x0  }
0xcf: {  	s20 =	simm.s32 $0x1A700;
	s21 =	simm.s32 $0x17000;
	[sflag:s3] =	ssyncadd.s32 $0xFFFFF800  }
0xd0: {  	[spmem:s2] =	stream.indirect.scatter.add.f32 [tilespmem:s21], [sflag:$0x1], $0x10, s20, s5, $0xb8;
	[tilespmem:$0x1AD18] =	vst v63  }
0xd1: {  	_ =	swait.ge [sflag:s3], $0x800  }
0xd2: {  	[sflag:s3] =	ssyncset.done $0x0  }
0xd3: {  	s22 =	simm.s32 $0x1A780;
	s23 =	simm.s32 $0x17800;
	[sflag:s3] =	ssyncadd.s32 $0xFFFFF800  }
0xd4: {  	[spmem:s2] =	stream.indirect.scatter.add.f32 [tilespmem:s23], [sflag:$0x1], $0x10, s22, s5, $0xb8;
	[tilespmem:$0x1AD18] =	vst v63  }
0xd5: {  	_ =	swait.ge [sflag:s3], $0x800  }
0xd6: {  	[sflag:s3] =	ssyncset.done $0x0  }
0xd7: {  	s24 =	simm.s32 $0x1A800;
	s25 =	simm.s32 $0x18000;
	[sflag:s3] =	ssyncadd.s32 $0xFFFFF800  }
0xd8: {  	[spmem:s2] =	stream.indirect.scatter.add.f32 [tilespmem:s25], [sflag:$0x1], $0x10, s24, s5, $0xb8;
	[tilespmem:$0x1AD18] =	vst v63  }
0xd9: {  	_ =	swait.ge [sflag:s3], $0x800  }
0xda: {  	s4 =	smul.u32 $0x21, s4;
	[sflag:s3] =	ssyncset.done $0x0  }
0xdb: {  	s26 =	simm.s32 $0x1A880;
	s28 =	simm.s32 $0x18800;
	[sflag:s3] =	ssyncadd.s32 $0xFFFFF800  }
0xdc: {  	[spmem:s2] =	stream.indirect.scatter.add.f32 [tilespmem:s28], [sflag:$0x1], $0x10, s26, s5, $0xb8;
	[tilespmem:$0x1AD18] =	vst v63  }
0xdd: {  	_ =	swait.ge [sflag:s3], $0x800  }
0xde: {  	s4 =	smin.u32 s4, $0x1E7;
	[sflag:s3] =	ssyncset.done $0x0  }
0xdf: {  	s29 =	sshll.u32 s4, $0x4;
	[sflag:s3] =	ssyncadd.s32 $0xFFFFF800  }
0xe0: {  	s30 =	simm.s32 $0x1A900;
	s2 =	sadd.s32 s29, s2;
	[bflag:$0x0] =	sbarrier.arrive $0xFFFF  }
0xe1: {  	[tilespmem:s30], [sflag:$0x1] =	stream.linear.gather [spmem:s2], $0x210, $0x38;
	[tilespmem:$0x1AD18] =	vst v63  }
0xe2: {  	s31 =	sshll.u32 s4, $0x1;
	_ =	swait.ge [sflag:s3], $0x210  }
0xe3: {  	s1 =	sadd.s32 s1, s31;
	[sflag:s3] =	ssyncset.done $0x0  }
0xe4: {  	s2 =	simm.s32 $0x0;
	[sflag:s3] =	ssyncadd.s32 $0xFFFFFDF0;
	s3 =	simm.s32 $0x40  }
.LBB2_1:
0xe5: {  	p1 =	sne.s32 s3, $0x800;
	v0 =	vld [tilespmem:s2+$0x1A900];
	_ =	sdelay $0x4  }
0xe6: {  	(v2sf) =	vpush v0, $0x6;
	_ =	sdelay $0xe  }
0xe7: {  	s4 =	spop (v2sf)  }
0xe8: {  	s4 =	smax.f32 s4, $1.000000000e+00  }
0xe9: {  	v1 =	vmov s4  }
0xea: {  	(erf) = vrcp.f32 v1;
	_ =	sdelay $0x7  }
.Ltmp0:
0xeb: {  	(pc) =	sbr.rel @p1 .LBB2_1-.Ltmp0, $3  }
0xec: {  	v1 =	vpop (erf)  }
0xed: {  	v0 =	vmul.f32 v1, v0;
	_ =	sdelay $0x1  }
0xee: {  	[tilespmem:s2+$0x1A900] =	vst v0;
	s2 =	sshra.s32 s3, $0x2;
	s3 =	sadd.s32 $0x40, s3  }
0xef: {  	v0 =	vld [tilespmem:s2+$0x1A900];
	_ =	sdelay $0x4  }
0xf0: {  	(v2sf) =	vpush v0, $0x6;
	_ =	sdelay $0xe  }
0xf1: {  	s3 =	spop (v2sf)  }
0xf2: {  	s3 =	smax.f32 s3, $1.000000000e+00  }
0xf3: {  	v1 =	vmov s3  }
0xf4: {  	(erf) = vrcp.f32 v1;
	_ =	sdelay $0x8  }
0xf5: {  	v1 =	vpop (erf)  }
0xf6: {  	v0 =	vmul.f32 v1, v0;
	_ =	sdelay $0x1  }
0xf7: {  	s29 =	simm.s32 $0x0;
	s30 =	simm.s32 $0x1A900;
	s31 =	simm.s32 $0x1;
	[tilespmem:s2+$0x1A900] =	vst v0  }
0xf8: {  	[hbm4b:s1+s29] =	stream.linear.scatter [tilespmem:s30], [sflag:$0x1], $0x210, $0x38;
	[tilespmem:$0x1AD18] =	vst v63  }
0xf9: {  	_ =	swait.ge [sflag:s31], $0x210  }
0xfa: {  	[sflag:s31] =	ssyncset.done $0x0  }
0xfb: {  	[sflag:s31] =	ssyncadd.s32 $0xFFFFFDF0  }
0xfc: {  	_ =	sfence.sel $0x180000  }
0xfd: {  	[bflag:$0x0] =	sbarrier.arrive $0xFFFF  }
0xfe: {  	_ =	strace $0x90000047  }
0xff: {  	s0 =	sadd.s32 @!p0 $0x100000, s0;
	[bflag:$0x2] =	sbarrier.arrive $0xFFFF  }
0x100: {  	[sflag:s0] =	ssyncadd.tile.s32 @!p0 $0x1;
	_ =	shalt  }
.Lfunc_end2:
_tile_overlayer_lowered:
.L_overlay_start_2:
0x101: {  	(tag) =	ssettag $0x2  }
0x102: {  	s0 =	rddreg [dreg:$0x0];
	s2 =	stileid.u32  }
0x103: {  	s1 =	rddreg [dreg:$0x1];
	p0 =	sne.s32 s2, $0x0  }
0x104: {  	s3 =	rddreg [dreg:$0x2];
	[bflag:$0x3] =	sbarrier.arrive $0xFFFF;
	s2 =	simm.s32 @!p0 $0x1C01  }
0x105: {  	[timem:s3], [sflag:s2] =	dma.local @!p0 [hbm:s0], s1  }
0x106: {  	s0 =	simm.s32 @!p0 $0x1  }
0x107: {  	_ =	swait.ge @!p0 [sflag:s0], s1  }
0x108: {  	s1 =	ssub.s32 @!p0 $0x0, s1;
	[sflag:s0] =	ssyncset.done @!p0 $0x0  }
0x109: {  	[sflag:s0] =	ssyncadd.s32 @!p0 s1  }
0x10a: {  	[bflag:$0x3] =	sbarrier.arrive $0xFFFF  }
0x10b: {  	_ =	shalt  }

// kernel: kernel.8.cloned.1.call-start
scs
__scs_entry_jumppad:
0x0: {  	(pc) =	sbr.rel $0x88, $3  }
0x1: {  	(tag) =	ssettag $0x0;
	lr =	simm.s32 $0x1  }
0x2: {  	[smem:$0x3F9B] =	sst lr;
	_ =	strace $0xD0000000  }
0x3: {  	_ = 	snop  }
0x4: {  	_ = 	snop  }
0x5: {  	_ = 	snop  }
0x6: {  	_ = 	snop  }
0x7: {  	_ = 	snop  }
__scs_overlays_trampoline_lowered:
0x8: {  	[smem:$0x3FAA] =	sst s0  }
0x9: {  	[smem:$0x3FAB] =	sst s1  }
0xa: {  	[smem:$0x3FAC] =	sst s2  }
0xb: {  	[smem:$0x3FAD] =	sst s3  }
0xc: {  	[smem:$0x3FAE] =	sst s4  }
0xd: {  	[smem:$0x3FAF] =	sst s5  }
0xe: {  	[smem:$0x3FB0] =	sst s6  }
0xf: {  	[smem:$0x3FB1] =	sst s7  }
0x10: {  	[smem:$0x3FB2] =	sst s8  }
0x11: {  	[smem:$0x3FB3] =	sst s9;
	s0 =	simm.s32 @!p0 $0x0  }
0x12: {  	s1 =	sld [smem:$0x3F99];
	s0 =	simm.s32 @p0 $0x1  }
0x13: {  	[smem:$0x3FB4] =	sst s0;
	s0 =	simm.s32 @!p1 $0x0  }
0x14: {  	s2 =	sld [smem:$0x3F98];
	s0 =	simm.s32 @p1 $0x1  }
0x15: {  	[smem:$0x3FB5] =	sst s0;
	s0 =	simm.s32 @!p2 $0x0  }
0x16: {  	s3 =	sld [smem:$0x3FDB];
	s0 =	simm.s32 @p2 $0x1  }
0x17: {  	s4 =	simm.s32 $0x1BF5;
	[smem:$0x3FB7] =	sst s0  }
0x18: {  	s0 =	sld [smem:$0x3F9A];
	_ =	swait.ge [sflag:s4], $0x0  }
0x19: {  	s7 =	sld [smem:$0x3F9B]  }
0x1a: {  	s8 =	sadd.s32 $0xFFFFE003, lr  }
0x1b: {  	s9 =	sadd.s32 $0xFFFFFEF7, lr;
	s5 =	simm.s32 $0xFFFFFFFF;
	p2 =	slt.u32 s8, $0xFFFFF086  }
0x1c: {  	p1 =	slt.u32 s9, $0xF7A;
	s5 =	simm.s32 @!p2 $0x0  }
0x1d: {  	s5 =	simm.s32 @p1 $0x1;
	p0 =	seq.s32 s7, s2  }
0x1e: {  	s7 =	smul.u32 @!p0 $0xF7A, s2;
	p2 =	seq.s32 @!p0 s5, $0x0  }
0x1f: {  	s9 =	smul.u32 $0xF7A, s1;
	s8 =	simm.s32 @!p0 $0x1BF5;
	p2 =	por !p2, p0  }
0x20: {  	[sflag:s8] =	ssyncset.s32 @!p0 $0xFFFFF086;
	s6 =	sadd.s32 @!p0 s3, s7;
	s7 =	simm.s32 @!p0 $0x108  }
0x21: {  	s3 =	sadd.s32 s3, s9;
	s6 =	sadd.s32 @!p0 $0x88, s6;
	s7 =	simm.s32 @p2 $0x1082  }
0x22: {  	[simem:s7], [sflag:s8] =	dma.local @!p0 [hbm:s6], $0xF7A  }
0x23: {  	s9 =	sor.u32 $0xD0000000, s2;
	s6 =	simm.s32 $0x108;
	_ =	swait.ge @!p0 [sflag:s8], $0x0  }
0x24: {  	s3 =	sadd.s32 $0x88, s3;
	s6 =	simm.s32 @!p1 $0x1082;
	[sflag:s4] =	ssyncset.s32 $0xFFFFF086  }
0x25: {  	[simem:s6], [sflag:s4] =	dma.local [hbm:s3], $0xF7A  }
0x26: {  	[smem:$0x3F9B] =	sst s1;
	(tag) =	ssettag s2;
	_ =	strace s9  }
0x27: {  	s1 =	sld [smem:$0x3FAB]  }
0x28: {  	s2 =	sld [smem:$0x3FAC]  }
0x29: {  	s4 =	sld [smem:$0x3FAE]  }
0x2a: {  	p0 =	seq.s32 s5, $0x0;
	s5 =	sld [smem:$0x3FAF]  }
0x2b: {  	s6 =	sld [smem:$0x3FB0]  }
0x2c: {  	s7 =	sld [smem:$0x3FB1]  }
0x2d: {  	s3 =	simm.s32 $0x108;
	s8 =	sld [smem:$0x3FB2]  }
0x2e: {  	s3 =	simm.s32 @!p0 $0x1082;
	s9 =	sld [smem:$0x3FB3]  }
0x2f: {  	lr =	sadd.s32 s0, s3;
	s0 =	sld [smem:$0x3FAA]  }
0x30: {  	s3 =	sld [smem:$0x3FAD]  }
0x31: {  	[smem:$0x3FB6] =	sst s10  }
0x32: {  	s10 =	sld [smem:$0x3FB4];
	_ =	sdelay $0x3  }
0x33: {  	p0 =	seq.s32 s10, $0x1;
	s10 =	sld [smem:$0x3FB6];
	_ =	sdelay $0x3  }
0x34: {  	[smem:$0x3FB6] =	sst s10  }
0x35: {  	s10 =	sld [smem:$0x3FB5];
	_ =	sdelay $0x3  }
0x36: {  	p1 =	seq.s32 s10, $0x1;
	s10 =	sld [smem:$0x3FB6];
	_ =	sdelay $0x3  }
0x37: {  	[smem:$0x3FB6] =	sst s10  }
0x38: {  	s10 =	sld [smem:$0x3FB7]  }
0x39: {  	_ = 	snop;
	(pc) =	sbr.ind lr, $3  }
0x3a: {  	_ = 	snop  }
0x3b: {  	_ = 	snop  }
0x3c: {  	p2 =	seq.s32 s10, $0x1;
	s10 =	sld [smem:$0x3FB6]  }
0x3d: {  	_ =	shalt  }
0x3e: {  	_ =	shalt  }
0x3f: {  	_ =	shalt  }
0x40: {  	_ =	shalt  }
0x41: {  	_ =	shalt  }
0x42: {  	_ =	shalt  }
0x43: {  	_ =	shalt  }
0x44: {  	_ =	shalt  }
0x45: {  	_ =	shalt  }
0x46: {  	_ =	shalt  }
0x47: {  	_ =	shalt  }
0x48: {  	_ =	shalt  }
0x49: {  	_ =	shalt  }
0x4a: {  	_ =	shalt  }
0x4b: {  	_ =	shalt  }
0x4c: {  	_ =	shalt  }
0x4d: {  	_ =	shalt  }
0x4e: {  	_ =	shalt  }
0x4f: {  	_ =	shalt  }
0x50: {  	_ =	shalt  }
0x51: {  	_ =	shalt  }
0x52: {  	_ =	shalt  }
0x53: {  	_ =	shalt  }
0x54: {  	_ =	shalt  }
0x55: {  	_ =	shalt  }
0x56: {  	_ =	shalt  }
0x57: {  	_ =	shalt  }
0x58: {  	_ =	shalt  }
0x59: {  	_ =	shalt  }
0x5a: {  	_ =	shalt  }
0x5b: {  	_ =	shalt  }
0x5c: {  	_ =	shalt  }
0x5d: {  	_ =	shalt  }
0x5e: {  	_ =	shalt  }
0x5f: {  	_ =	shalt  }
0x60: {  	_ =	shalt  }
0x61: {  	_ =	shalt  }
0x62: {  	_ =	shalt  }
0x63: {  	_ =	shalt  }
0x64: {  	_ =	shalt  }
0x65: {  	_ =	shalt  }
0x66: {  	_ =	shalt  }
0x67: {  	_ =	shalt  }
0x68: {  	_ =	shalt  }
0x69: {  	_ =	shalt  }
0x6a: {  	_ =	shalt  }
0x6b: {  	_ =	shalt  }
0x6c: {  	_ =	shalt  }
0x6d: {  	_ =	shalt  }
0x6e: {  	_ =	shalt  }
0x6f: {  	_ =	shalt  }
0x70: {  	_ =	shalt  }
0x71: {  	_ =	shalt  }
0x72: {  	_ =	shalt  }
0x73: {  	_ =	shalt  }
0x74: {  	_ =	shalt  }
0x75: {  	_ =	shalt  }
0x76: {  	_ =	shalt  }
0x77: {  	_ =	shalt  }
0x78: {  	_ =	shalt  }
0x79: {  	_ =	shalt  }
0x7a: {  	_ =	shalt  }
0x7b: {  	_ =	shalt  }
0x7c: {  	_ =	shalt  }
0x7d: {  	_ =	shalt  }
0x7e: {  	_ =	shalt  }
0x7f: {  	_ =	shalt  }
0x80: {  	_ =	shalt  }
0x81: {  	_ =	shalt  }
0x82: {  	_ =	shalt  }
0x83: {  	_ =	shalt  }
0x84: {  	_ =	shalt  }
0x85: {  	_ =	shalt  }
0x86: {  	_ =	shalt  }
0x87: {  	_ =	shalt  }
.Lfunc_end0:
.L_simem_size_0:
called_computation.1_lowered:
.L_overlay_start_0:
0x88: {  	s2 =	sld [smem:$0x3FD9]  }
0x89: {  	s3 =	sld [smem:$0x3FFE];
	_ =	sdelay $0x1  }
0x8a: {  	s1 =	srdreg.scid  }
0x8b: {  	s0 =	sand.u32 $0x1, s1  }
0x8c: {  	s14 =	sshll.u32 s0, $0xA;
	s2 =	sadd.s32 s3, s2  }
0x8d: {  	s2 =	sadd.s32 s2, s14  }
0x8e: {  	[smem:$0x3FC2] =	sst s2  }
0x8f: {  	_ = 	snop  }
0x90: {  	s2 =	sld [smem:$0x3FD0];
	_ =	sdelay $0x2  }
0x91: {  	s15 =	simm.s32 $0xA;
	s4 =	simm.s32 $0x10  }
0x92: {  	[smem:s4], [sflag:s15] =	dma.local [hbm:s2], $0x1  }
0x93: {  	_ =	swait.eq [sflag:s15], $0x1  }
0x94: {  	[sflag:s15] =	ssyncset.done $0x0  }
0x95: {  	s16 =	sld [smem:$0x12];
	[sflag:s15] =	ssyncadd.s32 $0xFFFFFFFF  }
0x96: {  	s17 =	sld [smem:$0x14];
	(tm) =	ssettm $0x1  }
0x97: {  	s18 =	sld [smem:$0x3FFB];
	_ =	sdelay $0x3  }
0x98: {  	_ =	strace s18  }
0x99: {  	s4 =	sld [smem:$0x3FFC];
	_ =	sdelay $0x3  }
0x9a: {  	_ =	strace s4  }
0x9b: {  	s4 =	sld [smem:$0x3FFD];
	_ =	sdelay $0x3  }
0x9c: {  	_ =	strace s4  }
0x9d: {  	_ =	strace $0x8FFFFFFF  }
0x9e: {  	s19 =	sld [smem:$0x3FDB];
	_ =	sdelay $0x1  }
0x9f: {  	s5 =	simm.s32 $_scs_section_size  }
0xa0: {  	s6 =	simm.s32 $_size__tile_overlayer_lowered;
	s7 =	simm.s32 $_tile_overlayer_lowered  }
0xa1: {  	s22 =	simm.s32 $0x1BFF;
	s21 =	sshll.u32 s7, $0x1;
	s4 =	sadd.s32 s5, s19  }
0xa2: {  	s8 =	simm.s32 $0x0;
	s20 =	sshll.u32 s6, $0x1;
	s6 =	sadd.s32 s21, s4  }
0xa3: {  	[timem:s8], [sflag:s22] =	dma.local [hbm:s6], s20  }
0xa4: {  	_ =	swait.ge [sflag:s22], s20  }
0xa5: {  	s5 =	ssub.s32 $0x0, s20;
	[sflag:s22] =	ssyncset.done $0x0  }
0xa6: {  	[sflag:s22] =	ssyncadd.s32 s5;
	_ =	sdelay $0x1  }
0xa7: {  	s23 =	simm.s32 $0x1B8B  }
0xa8: {  	_ =	swait.ge [sflag:s23], $0x1  }
0xa9: {  	[sflag:s23] =	ssyncset.done $0x0  }
0xaa: {  	s25 =	simm.s32 $0x1B8E;
	s24 =	sld [smem:$0x3FFE];
	[sflag:s23] =	ssyncadd.s32 $0xFFFFFFFF  }
0xab: {  	s26 =	simm.s32 $execute0_lowered;
	[smem:$0x3FD2] =	sst s25  }
0xac: {  	s6 =	sshll.u32 s26, $0x1;
	_ =	strace $0x80000049;
	[dreg:$0x1] =	wrdreg $0xFFFFFFFF  }
0xad: {  	s28 =	simm.s32 $_size_execute0_lowered;
	s4 =	sadd.s32 s4, s6;
	[dreg:$0x0] =	wrdreg $0x0  }
0xae: {  	s6 =	sshll.u32 s28, $0x1;
	[dreg:$0x2] =	wrdreg s4  }
0xaf: {  	[dreg:$0x3] =	wrdreg s6  }
0xb0: {  	[dreg:$0x4] =	wrdreg $0xC0  }
0xb1: {  	_ =	task [dreg:s8], $0x5FFFF  }
0xb2: {  	[dreg:$0x1] =	wrdreg $0xFFFFFFFF  }
0xb3: {  	[dreg:$0x0] =	wrdreg $0x60  }
0xb4: {  	[dreg:$0x2] =	wrdreg s24  }
0xb5: {  	[dreg:$0x3] =	wrdreg s17  }
0xb6: {  	[dreg:$0x4] =	wrdreg s16  }
0xb7: {  	[dreg:$0x5] =	wrdreg $0x9  }
0xb8: {  	_ =	task.clear_ibuf [dreg:s8], $0x6FFFF;
	_ =	strace $0x90000049  }
0xb9: {  	s29 =	simm.s32 $0x9;
	_ =	strace $0x8000004B  }
0xba: {  	_ =	swait.ge [sflag:s29], $0x1  }
0xbb: {  	[sflag:s29] =	ssyncadd.s32 $0xFFFFFFFF  }
0xbc: {  	_ =	strace $0x9000004B  }
0xbd: {  	_ =	sfence  }
0xbe: {  	s30 =	sld [smem:$0x0];
	_ =	sdelay $0x2  }
0xbf: {  	s31 =	sshll.u32 s1, $0xD;
	s1 =	sshrl.u32 s1, $0x2  }
0xc0: {  	s3 =	sand.u32 $0x4000, s31;
	s1 =	sadd.s32 s1, s30  }
0xc1: {  	s0 =	sor.u32 s3, s0;
	s1 =	sshll.u32 s1, $0x11  }
0xc2: {  	s0 =	sor.u32 s1, s0  }
0xc3: {  	s0 =	sadd.s32 $0x8F2B, s0  }
0xc4: {  	[sflag:s0] =	ssyncadd.remote.s32 $0x1  }
0xc5: {  	_ =	sfence.sel $0xFFFF  }
0xc6: {  	[dreg:$0x0] =	wrdreg $0xFFFFFFFF;
	(pc) =	sbr.abs _section_cstart, $3  }
0xc7: {  	[dreg:$0x1] =	wrdreg $0xFFFFFFFF  }
0xc8: {  	_ =	task.clear_ibuf [dreg:s8], $0x2FFFF;
	_ =	strace $0x9FFFFFFF  }
0xc9: {  	(tm) =	ssettm $0x7FFFFFFF  }
tec
execute0_lowered:
.L_overlay_start_1:
0x0: {  	(tag) =	ssettag $0x1  }
0x1: {  	s0 =	srdreg.scid;
	s1 =	rddreg [dreg:$0x0]  }
0x2: {  	s5 =	rddreg [dreg:$0x1];
	s4 =	stileid.u32  }
0x3: {  	s2 =	rddreg [dreg:$0x2];
	s8 =	simm.s32 $0x2;
	s9 =	simm.s32 $0x19000  }
0x4: {  	s10 =	simm.s32 $0x80;
	s21 =	simm.s32 $0x14800;
	s22 =	simm.s32 $0x19880  }
0x5: {  	s23 =	simm.s32 $0x15000;
	s24 =	simm.s32 $0x19900;
	s25 =	simm.s32 $0x15800  }
0x6: {  	s28 =	simm.s32 $0x16000;
	s29 =	simm.s32 $0x19A00;
	s30 =	simm.s32 $0x16800  }
0x7: {  	s31 =	simm.s32 $0x19A80;
	s11 =	simm.s32 $0x17800;
	s12 =	simm.s32 $0x19B80  }
0x8: {  	s13 =	simm.s32 $0x18000;
	s14 =	simm.s32 $0x19C00;
	s0 =	sand.u32 $0x1, s0  }
0x9: {  	s15 =	simm.s32 $0x18800;
	s16 =	simm.s32 $0x1;
	s3 =	sshll.u32 s0, $0x4  }
0xa: {  	s17 =	simm.s32 $0x0;
	s0 =	ssub.s32 $0x2, s0;
	s4 =	sor.u32 s4, s3  }
0xb: {  	s3 =	simm.s32 $0x0;
	s26 =	sshrl.u32 s0, $0x1;
	s6 =	smul.u32 $0x1900, s4  }
0xc: {  	[smem:$0x7FF] =	sst s3;
	s7 =	smul.u32 $0x190, s4;
	s0 =	ssub.s32 s0, s26  }
0xd: {  	s26 =	simm.s32 $0x19980;
	_ =	strace $0x8000004A;
	s1 =	sadd.s32 s6, s1  }
0xe: {  	s5 =	sadd.s32 s5, s7;
	s7 =	smax.u32 s0, $0x1;
	s0 =	simm.s32 $0x19B00  }
0xf: {  	s4 =	sadd.s32 $0x1400, s1;
	s6 =	sadd.s32 $0x33400, s1;
	s1 =	simm.s32 $0x17000  }
.LBB2_1:
0x10: {  	[tilespmem:s3], [sflag:$0x2] =	stream.linear.gather [hbm4b:s4+s3], $0xC800, $0x38;
	[tilespmem:$0x19C80] =	vst v63  }
0x11: {  	_ =	swait.ge [sflag:s8], $0xC800  }
0x12: {  	[sflag:s8] =	ssyncset.done $0x0  }
0x13: {  	[sflag:s8] =	ssyncadd.s32 $0xFFFF3800  }
0x14: {  	[tilespmem:s9], [sflag:$0x2] =	stream.linear.gather [hbm4b:s5+s3], $0xC80, $0x38;
	[tilespmem:$0x19C80] =	vst v63  }
0x15: {  	_ =	swait.ge [sflag:s8], $0xC80  }
0x16: {  	[sflag:s8] =	ssyncset.done $0x0  }
0x17: {  	s18 =	simm.s32 $0xC800;
	[sflag:s8] =	ssyncadd.s32 $0xFFFFF380  }
0x18: {  	[tilespmem:s18], [sflag:$0x1] =	stream.indirect.gather [hbm4b:s2+s10], $0x10, s9, s10, $0xb8;
	[tilespmem:$0x19C80] =	vst v63  }
0x19: {  	s20 =	simm.s32 $0x19080;
	s19 =	simm.s32 $0xD000  }
0x1a: {  	[tilespmem:s19], [sflag:$0x1] =	stream.indirect.gather [hbm4b:s2+s10], $0x10, s20, s10, $0xb8;
	[tilespmem:$0x19C80] =	vst v63  }
0x1b: {  	s19 =	simm.s32 $0x19100;
	s20 =	simm.s32 $0xD800  }
0x1c: {  	[tilespmem:s20], [sflag:$0x1] =	stream.indirect.gather [hbm4b:s2+s10], $0x10, s19, s10, $0xb8;
	[tilespmem:$0x19C80] =	vst v63  }
0x1d: {  	s19 =	simm.s32 $0x19180;
	s20 =	simm.s32 $0xE000  }
0x1e: {  	[tilespmem:s20], [sflag:$0x1] =	stream.indirect.gather [hbm4b:s2+s10], $0x10, s19, s10, $0xb8;
	[tilespmem:$0x19C80] =	vst v63  }
0x1f: {  	s19 =	simm.s32 $0x19200;
	s20 =	simm.s32 $0xE800  }
0x20: {  	[tilespmem:s20], [sflag:$0x1] =	stream.indirect.gather [hbm4b:s2+s10], $0x10, s19, s10, $0xb8;
	[tilespmem:$0x19C80] =	vst v63  }
0x21: {  	s19 =	simm.s32 $0x19280;
	s20 =	simm.s32 $0xF000  }
0x22: {  	[tilespmem:s20], [sflag:$0x1] =	stream.indirect.gather [hbm4b:s2+s10], $0x10, s19, s10, $0xb8;
	[tilespmem:$0x19C80] =	vst v63  }
0x23: {  	s19 =	simm.s32 $0x19300;
	s20 =	simm.s32 $0xF800  }
0x24: {  	[tilespmem:s20], [sflag:$0x1] =	stream.indirect.gather [hbm4b:s2+s10], $0x10, s19, s10, $0xb8;
	[tilespmem:$0x19C80] =	vst v63  }
0x25: {  	s19 =	simm.s32 $0x19380;
	s20 =	simm.s32 $0x10000  }
0x26: {  	[tilespmem:s20], [sflag:$0x1] =	stream.indirect.gather [hbm4b:s2+s10], $0x10, s19, s10, $0xb8;
	[tilespmem:$0x19C80] =	vst v63  }
0x27: {  	s19 =	simm.s32 $0x19400;
	s20 =	simm.s32 $0x10800  }
0x28: {  	[tilespmem:s20], [sflag:$0x1] =	stream.indirect.gather [hbm4b:s2+s10], $0x10, s19, s10, $0xb8;
	[tilespmem:$0x19C80] =	vst v63  }
0x29: {  	s19 =	simm.s32 $0x19480;
	s20 =	simm.s32 $0x11000  }
0x2a: {  	[tilespmem:s20], [sflag:$0x1] =	stream.indirect.gather [hbm4b:s2+s10], $0x10, s19, s10, $0xb8;
	[tilespmem:$0x19C80] =	vst v63  }
0x2b: {  	s19 =	simm.s32 $0x19500;
	s20 =	simm.s32 $0x11800  }
0x2c: {  	[tilespmem:s20], [sflag:$0x1] =	stream.indirect.gather [hbm4b:s2+s10], $0x10, s19, s10, $0xb8;
	[tilespmem:$0x19C80] =	vst v63  }
0x2d: {  	s19 =	simm.s32 $0x19580;
	s20 =	simm.s32 $0x12000  }
0x2e: {  	[tilespmem:s20], [sflag:$0x1] =	stream.indirect.gather [hbm4b:s2+s10], $0x10, s19, s10, $0xb8;
	[tilespmem:$0x19C80] =	vst v63  }
0x2f: {  	s19 =	simm.s32 $0x19600;
	s20 =	simm.s32 $0x12800  }
0x30: {  	[tilespmem:s20], [sflag:$0x1] =	stream.indirect.gather [hbm4b:s2+s10], $0x10, s19, s10, $0xb8;
	[tilespmem:$0x19C80] =	vst v63  }
0x31: {  	s19 =	simm.s32 $0x19680;
	s20 =	simm.s32 $0x13000  }
0x32: {  	[tilespmem:s20], [sflag:$0x1] =	stream.indirect.gather [hbm4b:s2+s10], $0x10, s19, s10, $0xb8;
	[tilespmem:$0x19C80] =	vst v63  }
0x33: {  	s19 =	simm.s32 $0x19700;
	s20 =	simm.s32 $0x13800  }
0x34: {  	[tilespmem:s20], [sflag:$0x1] =	stream.indirect.gather [hbm4b:s2+s10], $0x10, s19, s10, $0xb8;
	[tilespmem:$0x19C80] =	vst v63  }
0x35: {  	s19 =	simm.s32 $0x19780;
	s20 =	simm.s32 $0x14000  }
0x36: {  	[tilespmem:s20], [sflag:$0x1] =	stream.indirect.gather [hbm4b:s2+s10], $0x10, s19, s10, $0xb8;
	[tilespmem:$0x19C80] =	vst v63  }
0x37: {  	s20 =	simm.s32 $0x19800  }
0x38: {  	[tilespmem:s21], [sflag:$0x1] =	stream.indirect.gather [hbm4b:s2+s10], $0x10, s20, s10, $0xb8;
	[tilespmem:$0x19C80] =	vst v63  }
0x39: {  	_ = 	snop  }
0x3a: {  	[tilespmem:s23], [sflag:$0x1] =	stream.indirect.gather [hbm4b:s2+s10], $0x10, s22, s10, $0xb8;
	[tilespmem:$0x19C80] =	vst v63  }
0x3b: {  	_ = 	snop  }
0x3c: {  	[tilespmem:s25], [sflag:$0x1] =	stream.indirect.gather [hbm4b:s2+s10], $0x10, s24, s10, $0xb8;
	[tilespmem:$0x19C80] =	vst v63  }
0x3d: {  	_ = 	snop  }
0x3e: {  	[tilespmem:s28], [sflag:$0x1] =	stream.indirect.gather [hbm4b:s2+s10], $0x10, s26, s10, $0xb8;
	[tilespmem:$0x19C80] =	vst v63  }
0x3f: {  	_ = 	snop  }
0x40: {  	[tilespmem:s30], [sflag:$0x1] =	stream.indirect.gather [hbm4b:s2+s10], $0x10, s29, s10, $0xb8;
	[tilespmem:$0x19C80] =	vst v63  }
0x41: {  	_ = 	snop  }
0x42: {  	[tilespmem:s1], [sflag:$0x1] =	stream.indirect.gather [hbm4b:s2+s10], $0x10, s31, s10, $0xb8;
	[tilespmem:$0x19C80] =	vst v63  }
0x43: {  	_ = 	snop  }
0x44: {  	[tilespmem:s11], [sflag:$0x1] =	stream.indirect.gather [hbm4b:s2+s10], $0x10, s0, s10, $0xb8;
	[tilespmem:$0x19C80] =	vst v63  }
0x45: {  	_ = 	snop  }
0x46: {  	[tilespmem:s13], [sflag:$0x1] =	stream.indirect.gather [hbm4b:s2+s10], $0x10, s12, s10, $0xb8;
	[tilespmem:$0x19C80] =	vst v63  }
0x47: {  	_ = 	snop  }
0x48: {  	[tilespmem:s15], [sflag:$0x1] =	stream.indirect.gather [hbm4b:s2+s10], $0x10, s14, s10, $0xb8;
	[tilespmem:$0x19C80] =	vst v63  }
0x49: {  	_ =	swait.ge [sflag:s16], $0x800  }
0x4a: {  	[sflag:s16] =	ssyncset.done $0x0  }
0x4b: {  	[sflag:s16] =	ssyncadd.s32 $0xFFFFF800  }
0x4c: {  	_ =	swait.ge [sflag:s16], $0x800  }
0x4d: {  	[sflag:s16] =	ssyncset.done $0x0  }
0x4e: {  	[sflag:s16] =	ssyncadd.s32 $0xFFFFF800  }
0x4f: {  	_ =	swait.ge [sflag:s16], $0x800  }
0x50: {  	[sflag:s16] =	ssyncset.done $0x0  }
0x51: {  	[sflag:s16] =	ssyncadd.s32 $0xFFFFF800  }
0x52: {  	_ =	swait.ge [sflag:s16], $0x800  }
0x53: {  	[sflag:s16] =	ssyncset.done $0x0  }
0x54: {  	[sflag:s16] =	ssyncadd.s32 $0xFFFFF800  }
0x55: {  	_ =	swait.ge [sflag:s16], $0x800  }
0x56: {  	[sflag:s16] =	ssyncset.done $0x0  }
0x57: {  	[sflag:s16] =	ssyncadd.s32 $0xFFFFF800  }
0x58: {  	_ =	swait.ge [sflag:s16], $0x800  }
0x59: {  	[sflag:s16] =	ssyncset.done $0x0  }
0x5a: {  	[sflag:s16] =	ssyncadd.s32 $0xFFFFF800  }
0x5b: {  	_ =	swait.ge [sflag:s16], $0x800  }
0x5c: {  	[sflag:s16] =	ssyncset.done $0x0  }
0x5d: {  	[sflag:s16] =	ssyncadd.s32 $0xFFFFF800  }
0x5e: {  	_ =	swait.ge [sflag:s16], $0x800  }
0x5f: {  	[sflag:s16] =	ssyncset.done $0x0  }
0x60: {  	[sflag:s16] =	ssyncadd.s32 $0xFFFFF800  }
0x61: {  	_ =	swait.ge [sflag:s16], $0x800  }
0x62: {  	[sflag:s16] =	ssyncset.done $0x0  }
0x63: {  	[sflag:s16] =	ssyncadd.s32 $0xFFFFF800  }
0x64: {  	_ =	swait.ge [sflag:s16], $0x800  }
0x65: {  	[sflag:s16] =	ssyncset.done $0x0  }
0x66: {  	[sflag:s16] =	ssyncadd.s32 $0xFFFFF800  }
0x67: {  	_ =	swait.ge [sflag:s16], $0x800  }
0x68: {  	[sflag:s16] =	ssyncset.done $0x0  }
0x69: {  	[sflag:s16] =	ssyncadd.s32 $0xFFFFF800  }
0x6a: {  	_ =	swait.ge [sflag:s16], $0x800  }
0x6b: {  	[sflag:s16] =	ssyncset.done $0x0  }
0x6c: {  	[sflag:s16] =	ssyncadd.s32 $0xFFFFF800  }
0x6d: {  	_ =	swait.ge [sflag:s16], $0x800  }
0x6e: {  	[sflag:s16] =	ssyncset.done $0x0  }
0x6f: {  	[sflag:s16] =	ssyncadd.s32 $0xFFFFF800  }
0x70: {  	_ =	swait.ge [sflag:s16], $0x800  }
0x71: {  	[sflag:s16] =	ssyncset.done $0x0  }
0x72: {  	[sflag:s16] =	ssyncadd.s32 $0xFFFFF800  }
0x73: {  	_ =	swait.ge [sflag:s16], $0x800  }
0x74: {  	[sflag:s16] =	ssyncset.done $0x0  }
0x75: {  	[sflag:s16] =	ssyncadd.s32 $0xFFFFF800  }
0x76: {  	_ =	swait.ge [sflag:s16], $0x800  }
0x77: {  	[sflag:s16] =	ssyncset.done $0x0  }
0x78: {  	[sflag:s16] =	ssyncadd.s32 $0xFFFFF800  }
0x79: {  	_ =	swait.ge [sflag:s16], $0x800  }
0x7a: {  	[sflag:s16] =	ssyncset.done $0x0  }
0x7b: {  	[sflag:s16] =	ssyncadd.s32 $0xFFFFF800  }
0x7c: {  	_ =	swait.ge [sflag:s16], $0x800  }
0x7d: {  	[sflag:s16] =	ssyncset.done $0x0  }
0x7e: {  	[sflag:s16] =	ssyncadd.s32 $0xFFFFF800  }
0x7f: {  	_ =	swait.ge [sflag:s16], $0x800  }
0x80: {  	[sflag:s16] =	ssyncset.done $0x0  }
0x81: {  	[sflag:s16] =	ssyncadd.s32 $0xFFFFF800  }
0x82: {  	_ =	swait.ge [sflag:s16], $0x800  }
0x83: {  	[sflag:s16] =	ssyncset.done $0x0  }
0x84: {  	[sflag:s16] =	ssyncadd.s32 $0xFFFFF800  }
0x85: {  	_ =	swait.ge [sflag:s16], $0x800  }
0x86: {  	[sflag:s16] =	ssyncset.done $0x0  }
0x87: {  	[sflag:s16] =	ssyncadd.s32 $0xFFFFF800  }
0x88: {  	_ =	swait.ge [sflag:s16], $0x800  }
0x89: {  	[sflag:s16] =	ssyncset.done $0x0  }
0x8a: {  	[sflag:s16] =	ssyncadd.s32 $0xFFFFF800  }
0x8b: {  	_ =	swait.ge [sflag:s16], $0x800  }
0x8c: {  	[sflag:s16] =	ssyncset.done $0x0  }
0x8d: {  	[sflag:s16] =	ssyncadd.s32 $0xFFFFF800  }
0x8e: {  	_ =	swait.ge [sflag:s16], $0x800  }
0x8f: {  	[sflag:s16] =	ssyncset.done $0x0  }
0x90: {  	[sflag:s16] =	ssyncadd.s32 $0xFFFFF800  }
0x91: {  	_ =	swait.ge [sflag:s16], $0x800  }
0x92: {  	[sflag:s16] =	ssyncset.done $0x0  }
0x93: {  	s18 =	simm.s32 $0x0;
	[sflag:s16] =	ssyncadd.s32 $0xFFFFF800  }
0x94: {  	s19 =	simm.s32 $0x40;
	v0 =	vld [tilespmem:s18+$0xC800]  }
.LBB2_2:
0x95: {  	p0 =	sne.s32 s19, $0x31FC0;
	v1 =	vld [tilespmem:s18+$0x0];
	_ =	sdelay $0x2  }
.Ltmp0:
0x96: {  	(pc) =	sbr.rel @p0 .LBB2_2-.Ltmp0, $4  }
0x97: {  	_ = 	snop  }
0x98: {  	v1 =	vsub.f32 v1, v0  }
0x99: {  	s20 =	sshra.s32 s19, $0x2  }
0x9a: {  	s19 =	sadd.s32 $0x40, s19;
	v0 =	vld [tilespmem:s20+$0xC800];
	[tilespmem:s18+$0x0] =	vst v1;
	s18 =	smov.u32 s20  }
0x9b: {  	v1 =	vld [tilespmem:s18+$0x0];
	_ =	sdelay $0x4  }
0x9c: {  	s17 =	sadd.s32 $0x1, s17;
	v0 =	vsub.f32 v1, v0  }
0x9d: {  	p0 =	sne.s32 s17, s7  }
.Ltmp1:
0x9e: {  	[tilespmem:s18+$0x0] =	vst v0;
	(pc) =	sbr.rel @p0 .LBB2_1-.Ltmp1, $4  }
0x9f: {  	[hbm4b:s6+s3] =	stream.linear.scatter [tilespmem:s3], [sflag:$0x2], $0xC800, $0x38;
	[tilespmem:$0x19C80] =	vst v63  }
0xa0: {  	_ =	swait.ge [sflag:s8], $0xC800  }
0xa1: {  	[sflag:s8] =	ssyncset.done $0x0  }
0xa2: {  	[sflag:s8] =	ssyncadd.s32 $0xFFFF3800  }
0xa3: {  	_ =	sfence.sel $0x180000  }
0xa4: {  	[bflag:$0x0] =	sbarrier.arrive $0xFFFF  }
0xa5: {  	_ =	strace $0x9000004A  }
0xa6: {  	s0 =	stileid.u32;
	[bflag:$0x2] =	sbarrier.arrive $0xFFFF  }
0xa7: {  	p0 =	sne.s32 s0, $0x0;
	s0 =	rddreg [dreg:$0x3]  }
0xa8: {  	s0 =	sadd.s32 @!p0 $0x100000, s0  }
0xa9: {  	[sflag:s0] =	ssyncadd.tile.s32 @!p0 $0x1;
	_ =	shalt  }
.Lfunc_end2:
_tile_overlayer_lowered:
.L_overlay_start_2:
0xaa: {  	(tag) =	ssettag $0x2  }
0xab: {  	s0 =	rddreg [dreg:$0x0];
	s2 =	stileid.u32  }
0xac: {  	s1 =	rddreg [dreg:$0x1];
	p0 =	sne.s32 s2, $0x0  }
0xad: {  	s3 =	rddreg [dreg:$0x2];
	[bflag:$0x3] =	sbarrier.arrive $0xFFFF;
	s2 =	simm.s32 @!p0 $0x1C02  }
0xae: {  	[timem:s3], [sflag:s2] =	dma.local @!p0 [hbm:s0], s1  }
0xaf: {  	s0 =	simm.s32 @!p0 $0x2  }
0xb0: {  	_ =	swait.ge @!p0 [sflag:s0], s1  }
0xb1: {  	s1 =	ssub.s32 @!p0 $0x0, s1;
	[sflag:s0] =	ssyncset.done @!p0 $0x0  }
0xb2: {  	[sflag:s0] =	ssyncadd.s32 @!p0 s1  }
0xb3: {  	[bflag:$0x3] =	sbarrier.arrive $0xFFFF  }
0xb4: {  	_ =	shalt  }

</sc_bundles>
